<compile_context>
chip_gen: v7x
topology: tpu7x:2x2x1
jax: 0.10.2.dev20260603
libtpu: 0.0.44.dev20260713+nightly
codegen_flags: <defaults>
</compile_context>

<pallas_src>
import jax
import jax.numpy as jnp
import numpy as np
from jax import lax
from jax.experimental import pallas as pl
from jax.experimental.pallas import tpu as pltpu
from jax.experimental.pallas import tpu_sc as plsc

_BINS = 40
_C = 96
_L = 16

_NC = 2
_NS = 16
_NW = _NC * _NS

_N = 2
_H = 384
_W = 384
_PAGELEN = _H * _W
_PAGES = _N * _C
_PPW = _PAGES // _NW
_CR = 64
_CPP = _H // _CR
_NG = _PPW * _CPP
_TAB = _PPW * _BINS
_NB = 2


def _mtlu_body(x_hbm4, w_hbm, b_hbm, o_hbm4,
               xb0, xb1, yb0, yb1, wtab, btab,
               is0, is1, os0, os1):
    x_hbm = x_hbm4.reshape(_PAGES, _H, _W)
    o_hbm = o_hbm4.reshape(_PAGES, _H, _W)
    wid = lax.axis_index("s") * _NC + lax.axis_index("c")
    page0 = wid * _PPW
    tab0 = lax.rem(page0, _C) * _BINS
    pltpu.sync_copy(w_hbm.at[pl.ds(tab0, _TAB)], wtab)
    pltpu.sync_copy(b_hbm.at[pl.ds(tab0, _TAB)], btab)

    xbufs, ybufs = (xb0, xb1), (yb0, yb1)
    isems, osems = (is0, is1), (os0, os1)

    def x_at(g):
        return (page0 + lax.div(g, _CPP), pl.ds(lax.rem(g, _CPP) * _CR, _CR))

    pltpu.async_copy(x_hbm.at[x_at(0)], xb0, is0)
    pltpu.async_copy(x_hbm.at[x_at(1)], xb1, is1)

    @pl.loop(0, _NG, step=_NB)
    def _outer(g2):
        for b in range(_NB):
            g = g2 + b
            xb, yb, isem, osem = xbufs[b], ybufs[b], isems[b], osems[b]
            pltpu.make_async_copy(x_hbm.at[x_at(g)], xb, isem).wait()
            @pl.when(g2 > 0)
            def _():
                pltpu.make_async_copy(
                    yb, o_hbm.at[x_at(g)], osem).wait()

            taboff = lax.div(g, _CPP) * _BINS
            taboff_f = taboff.astype(jnp.float32)
            add_v = jnp.full((_L,), taboff_f + np.float32(_BINS // 2),
                             jnp.float32)
            lo_v = jnp.full((_L,), taboff_f, jnp.float32)
            hi_v = jnp.full((_L,), taboff_f + np.float32(_BINS - 1),
                            jnp.float32)

            @plsc.parallel_loop(0, _CR, unroll=1)
            def _vec(rr):
                for j in range(_W // _L):
                    xv = xb[rr, pl.ds(j * _L, _L)]
                    t = xv * np.float32(20.0) + add_v
                    t = jnp.minimum(jnp.maximum(t, lo_v), hi_v)
                    idx = t.astype(jnp.int32)
                    wv = plsc.load_gather(wtab, [idx])
                    bv = plsc.load_gather(btab, [idx])
                    yb[rr, pl.ds(j * _L, _L)] = xv * wv + bv

            pltpu.async_copy(yb, o_hbm.at[x_at(g)], osem)

            @pl.when(g < _NG - _NB)
            def _():
                pltpu.async_copy(x_hbm.at[x_at(g + _NB)], xb, isem)

    for b in range(_NB):
        pltpu.make_async_copy(
            ybufs[b], o_hbm.at[x_at(_NG - _NB + b)], osems[b]).wait()


@jax.jit
def _mtlu(x, wf, bf):
    run = pl.kernel(
        _mtlu_body,
        out_type=jax.ShapeDtypeStruct((_N, _C, _H, _W), jnp.float32),
        mesh=plsc.VectorSubcoreMesh(core_axis_name="c", subcore_axis_name="s"),
        scratch_types=[
            pltpu.VMEM((_CR, _W), jnp.float32),
            pltpu.VMEM((_CR, _W), jnp.float32),
            pltpu.VMEM((_CR, _W), jnp.float32),
            pltpu.VMEM((_CR, _W), jnp.float32),
            pltpu.VMEM((_TAB,), jnp.float32),
            pltpu.VMEM((_TAB,), jnp.float32),
            pltpu.SemaphoreType.DMA,
            pltpu.SemaphoreType.DMA,
            pltpu.SemaphoreType.DMA,
            pltpu.SemaphoreType.DMA,
        ],
        compiler_params=pltpu.CompilerParams(needs_layout_passes=False),
    )
    return run(x, wf, bf)


def kernel(x, weight, bias, paras):
    del paras
    return _mtlu(x, weight.reshape(-1), bias.reshape(-1))

# --- scband reference (transcript-rebuilt; emitter-appended) ---
"""Pipeline reference for scband-mtlu-36344013259315 (READ-ONLY COPY).

The authoritative reference and input builder live on the scoring server;
editing this copy changes nothing except your own understanding.
"""

import jax, jax.numpy as jnp
import numpy as np

BIN_NUM = 40
BIN_WIDTH = 0.05
FEAT_MAP_NUM = 96

def setup_inputs(seed: int = 0) -> dict:
    key = jax.random.key(seed)
    x = jax.random.normal(key, (2, 96, 384, 384), dtype=jnp.float32)
    weight = jnp.zeros((FEAT_MAP_NUM, BIN_NUM), dtype=jnp.float32)
    weight = weight.at[:, BIN_NUM // 2:].set(1.0)
    bias = jnp.zeros((FEAT_MAP_NUM, BIN_NUM), dtype=jnp.float32)
    paras = jnp.array([float(BIN_NUM), BIN_WIDTH], dtype=jnp.float32)
    return {"x": x, "weight": weight, "bias": bias, "paras": paras}

def reference(x, weight, bias, paras):
    # MTLU: multi-bin trainable linear unit.
    # bin index = clamp(floor(x / bin_width) + bin_num/2, 0, bin_num-1)
    # y = weight[c, idx] * x + bias[c, idx]
    bin_num = paras[0]
    bin_width = paras[1]
    idx_f = jnp.floor(x / bin_width) + bin_num / 2.0
    idx = jnp.clip(idx_f, 0.0, bin_num - 1.0).astype(jnp.int32)
    C = weight.shape[0]
    bn = weight.shape[1]
    c_idx = jnp.arange(C, dtype=jnp.int32).reshape(1, C, 1, 1)
    flat_idx = c_idx * bn + idx
    w_sel = jnp.take(weight.reshape(-1), flat_idx)
    b_sel = jnp.take(bias.reshape(-1), flat_idx)
    y = x * w_sel + b_sel
    return y

if __name__ == "__main__":
    import jax
    _d = setup_inputs()
    print(jax.jit(kernel)(*tuple(_d.values())))

</pallas_src>

<mosaic_0001>
#map = affine_map<(d0, d1) -> (0, 0, 0, 0)>
#map1 = affine_map<(d0, d1) -> (0)>
module attributes {stable_mosaic.version = 14 : i64} {
  func.func @_mtlu_body(%arg0: i32, %arg1: i32, %arg2: memref<2x96x384x384xf32, #tpu.memory_space<hbm>>, %arg3: memref<3840xf32, #tpu.memory_space<hbm>>, %arg4: memref<3840xf32, #tpu.memory_space<hbm>>, %arg5: memref<2x96x384x384xf32, #tpu.memory_space<hbm>>, %arg6: memref<64x384xf32, #tpu.memory_space<vmem>>, %arg7: memref<64x384xf32, #tpu.memory_space<vmem>>, %arg8: memref<64x384xf32, #tpu.memory_space<vmem>>, %arg9: memref<64x384xf32, #tpu.memory_space<vmem>>, %arg10: memref<240xf32, #tpu.memory_space<vmem>>, %arg11: memref<240xf32, #tpu.memory_space<vmem>>, %arg12: memref<!tpu.dma_semaphore, #tpu.memory_space<semaphore_mem>>, %arg13: memref<!tpu.dma_semaphore, #tpu.memory_space<semaphore_mem>>, %arg14: memref<!tpu.dma_semaphore, #tpu.memory_space<semaphore_mem>>, %arg15: memref<!tpu.dma_semaphore, #tpu.memory_space<semaphore_mem>>) attributes {dimension_semantics = [#tpu.dimension_semantics<core_parallel>, #tpu.dimension_semantics<subcore_parallel>], iteration_bounds = array<i64: 2, 16>, scalar_prefetch = 0 : i64, scratch_operands = 10 : i64, tpu.core_type = #tpu.core_type<sc_vector_subcore>, window_params = [{transform_indices = #map}, {transform_indices = #map1}, {transform_indices = #map1}, {transform_indices = #map}]} {
    %mul3A = arith.constant 2 : i32
    %mul3A_0 = arith.muli %arg1, %mul3A : i32
    %add3A = arith.addi %mul3A_0, %arg0 : i32
    %mul3A_1 = arith.constant 6 : i32
    %mul3A_2 = arith.muli %add3A, %mul3A_1 : i32
    %rem3A = arith.constant 96 : i32
    %rem3A_3 = arith.remsi %mul3A_2, %rem3A : i32
    %mul3A_4 = arith.constant 40 : i32
    %mul3A_5 = arith.muli %rem3A_3, %mul3A_4 : i32
    "tpu.region"() ({
      %run_scoped3A = tpu.sem_alloc : memref<!tpu.dma_semaphore, #tpu.memory_space<semaphore_mem>>
      %dma_start3A_75 = tpu.memref_slice %arg3[%mul3A_5] : memref<3840xf32, #tpu.memory_space<hbm>> -> memref<240xf32, #tpu.memory_space<hbm>>
      %dma_start3A_76 = tpu.memref_slice %arg3[%mul3A_5] : memref<3840xf32, #tpu.memory_space<hbm>> -> memref<240xf32, #tpu.memory_space<hbm>>
      tpu.enqueue_dma source(%dma_start3A_76 : memref<240xf32, #tpu.memory_space<hbm>>) target(%arg10 : memref<240xf32, #tpu.memory_space<vmem>>) target_semaphore(%run_scoped3A : memref<!tpu.dma_semaphore, #tpu.memory_space<semaphore_mem>>)
      %dma_wait3A_77 = tpu.memref_slice %arg3[%mul3A_5] : memref<3840xf32, #tpu.memory_space<hbm>> -> memref<240xf32, #tpu.memory_space<hbm>>
      %dma_wait3A_78 = tpu.memref_slice %arg3[%mul3A_5] : memref<3840xf32, #tpu.memory_space<hbm>> -> memref<240xf32, #tpu.memory_space<hbm>>
      tpu.wait_dma2 semaphore(%run_scoped3A : memref<!tpu.dma_semaphore, #tpu.memory_space<semaphore_mem>>) src(%dma_wait3A_78 : memref<240xf32, #tpu.memory_space<hbm>>) dst(%arg10 : memref<240xf32, #tpu.memory_space<vmem>>)
      tpu.yield
    }) : () -> ()
    "tpu.region"() ({
      %run_scoped3A = tpu.sem_alloc : memref<!tpu.dma_semaphore, #tpu.memory_space<semaphore_mem>>
      %dma_start3A_75 = tpu.memref_slice %arg4[%mul3A_5] : memref<3840xf32, #tpu.memory_space<hbm>> -> memref<240xf32, #tpu.memory_space<hbm>>
      %dma_start3A_76 = tpu.memref_slice %arg4[%mul3A_5] : memref<3840xf32, #tpu.memory_space<hbm>> -> memref<240xf32, #tpu.memory_space<hbm>>
      tpu.enqueue_dma source(%dma_start3A_76 : memref<240xf32, #tpu.memory_space<hbm>>) target(%arg11 : memref<240xf32, #tpu.memory_space<vmem>>) target_semaphore(%run_scoped3A : memref<!tpu.dma_semaphore, #tpu.memory_space<semaphore_mem>>)
      %dma_wait3A_77 = tpu.memref_slice %arg4[%mul3A_5] : memref<3840xf32, #tpu.memory_space<hbm>> -> memref<240xf32, #tpu.memory_space<hbm>>
      %dma_wait3A_78 = tpu.memref_slice %arg4[%mul3A_5] : memref<3840xf32, #tpu.memory_space<hbm>> -> memref<240xf32, #tpu.memory_space<hbm>>
      tpu.wait_dma2 semaphore(%run_scoped3A : memref<!tpu.dma_semaphore, #tpu.memory_space<semaphore_mem>>) src(%dma_wait3A_78 : memref<240xf32, #tpu.memory_space<hbm>>) dst(%arg11 : memref<240xf32, #tpu.memory_space<vmem>>)
      tpu.yield
    }) : () -> ()
    %div3A = arith.constant 0 : i32
    %div3A_6 = arith.constant 6 : i32
    %div3A_7 = arith.divsi %div3A, %div3A_6 : i32
    %add3A_8 = arith.addi %mul3A_2, %div3A_7 : i32
    %rem3A_9 = arith.constant 0 : i32
    %rem3A_10 = arith.constant 6 : i32
    %rem3A_11 = arith.remsi %rem3A_9, %rem3A_10 : i32
    %mul3A_12 = arith.constant 64 : i32
    %mul3A_13 = arith.muli %rem3A_11, %mul3A_12 : i32
    %dma_start3A = tpu.memref_reshape %arg2 : memref<2x96x384x384xf32, #tpu.memory_space<hbm>> -> memref<192x384x384xf32, #tpu.memory_space<hbm>>
    %dma_start3A_14 = arith.constant 0 : i32
    %dma_start3A_15 = tpu.memref_slice %dma_start3A[%add3A_8, %mul3A_13, %dma_start3A_14] : memref<192x384x384xf32, #tpu.memory_space<hbm>> -> memref<1x64x384xf32, #tpu.memory_space<hbm>>
    %dma_start3A_16 = tpu.memref_squeeze %dma_start3A_15 : memref<1x64x384xf32, #tpu.memory_space<hbm>> -> memref<64x384xf32, #tpu.memory_space<hbm>>
    %dma_start3A_17 = tpu.memref_reshape %arg2 : memref<2x96x384x384xf32, #tpu.memory_space<hbm>> -> memref<192x384x384xf32, #tpu.memory_space<hbm>>
    %dma_start3A_18 = arith.constant 0 : i32
    %dma_start3A_19 = tpu.memref_slice %dma_start3A_17[%add3A_8, %mul3A_13, %dma_start3A_18] : memref<192x384x384xf32, #tpu.memory_space<hbm>> -> memref<1x64x384xf32, #tpu.memory_space<hbm>>
    %dma_start3A_20 = tpu.memref_squeeze %dma_start3A_19 : memref<1x64x384xf32, #tpu.memory_space<hbm>> -> memref<64x384xf32, #tpu.memory_space<hbm>>
    tpu.enqueue_dma source(%dma_start3A_20 : memref<64x384xf32, #tpu.memory_space<hbm>>) target(%arg6 : memref<64x384xf32, #tpu.memory_space<vmem>>) target_semaphore(%arg12 : memref<!tpu.dma_semaphore, #tpu.memory_space<semaphore_mem>>)
    %div3A_21 = arith.constant 1 : i32
    %div3A_22 = arith.constant 6 : i32
    %div3A_23 = arith.divsi %div3A_21, %div3A_22 : i32
    %add3A_24 = arith.addi %mul3A_2, %div3A_23 : i32
    %rem3A_25 = arith.constant 1 : i32
    %rem3A_26 = arith.constant 6 : i32
    %rem3A_27 = arith.remsi %rem3A_25, %rem3A_26 : i32
    %mul3A_28 = arith.constant 64 : i32
    %mul3A_29 = arith.muli %rem3A_27, %mul3A_28 : i32
    %dma_start3A_30 = tpu.memref_reshape %arg2 : memref<2x96x384x384xf32, #tpu.memory_space<hbm>> -> memref<192x384x384xf32, #tpu.memory_space<hbm>>
    %dma_start3A_31 = arith.constant 0 : i32
    %dma_start3A_32 = tpu.memref_slice %dma_start3A_30[%add3A_24, %mul3A_29, %dma_start3A_31] : memref<192x384x384xf32, #tpu.memory_space<hbm>> -> memref<1x64x384xf32, #tpu.memory_space<hbm>>
    %dma_start3A_33 = tpu.memref_squeeze %dma_start3A_32 : memref<1x64x384xf32, #tpu.memory_space<hbm>> -> memref<64x384xf32, #tpu.memory_space<hbm>>
    %dma_start3A_34 = tpu.memref_reshape %arg2 : memref<2x96x384x384xf32, #tpu.memory_space<hbm>> -> memref<192x384x384xf32, #tpu.memory_space<hbm>>
    %dma_start3A_35 = arith.constant 0 : i32
    %dma_start3A_36 = tpu.memref_slice %dma_start3A_34[%add3A_24, %mul3A_29, %dma_start3A_35] : memref<192x384x384xf32, #tpu.memory_space<hbm>> -> memref<1x64x384xf32, #tpu.memory_space<hbm>>
    %dma_start3A_37 = tpu.memref_squeeze %dma_start3A_36 : memref<1x64x384xf32, #tpu.memory_space<hbm>> -> memref<64x384xf32, #tpu.memory_space<hbm>>
    tpu.enqueue_dma source(%dma_start3A_37 : memref<64x384xf32, #tpu.memory_space<hbm>>) target(%arg7 : memref<64x384xf32, #tpu.memory_space<vmem>>) target_semaphore(%arg13 : memref<!tpu.dma_semaphore, #tpu.memory_space<semaphore_mem>>)
    %scan3A = arith.constant 0 : i32
    %scan3A_38 = arith.constant 18 : i32
    %scan3A_39 = arith.addi %scan3A, %scan3A_38 : i32
    %scan3A_40 = arith.constant 1 : i32
    scf.for %scan3A_75 = %scan3A to %scan3A_39 step %scan3A_40  : i32 {
      %mul3A_76 = arith.constant 2 : i32
      %mul3A_77 = arith.muli %scan3A_75, %mul3A_76 : i32
      %add3A_78 = arith.constant 0 : i32
      %add3A_79 = arith.addi %add3A_78, %mul3A_77 : i32
      %add3A_80 = arith.constant 0 : i32
      %add3A_81 = arith.addi %add3A_79, %add3A_80 : i32
      %div3A_82 = arith.constant 6 : i32
      %div3A_83 = arith.divsi %add3A_81, %div3A_82 : i32
      %add3A_84 = arith.addi %mul3A_2, %div3A_83 : i32
      %rem3A_85 = arith.constant 6 : i32
      %rem3A_86 = arith.remsi %add3A_81, %rem3A_85 : i32
      %mul3A_87 = arith.constant 64 : i32
      %mul3A_88 = arith.muli %rem3A_86, %mul3A_87 : i32
      %dma_wait3A_89 = tpu.memref_reshape %arg2 : memref<2x96x384x384xf32, #tpu.memory_space<hbm>> -> memref<192x384x384xf32, #tpu.memory_space<hbm>>
      %dma_wait3A_90 = arith.constant 0 : i32
      %dma_wait3A_91 = tpu.memref_slice %dma_wait3A_89[%add3A_84, %mul3A_88, %dma_wait3A_90] : memref<192x384x384xf32, #tpu.memory_space<hbm>> -> memref<1x64x384xf32, #tpu.memory_space<hbm>>
      %dma_wait3A_92 = tpu.memref_squeeze %dma_wait3A_91 : memref<1x64x384xf32, #tpu.memory_space<hbm>> -> memref<64x384xf32, #tpu.memory_space<hbm>>
      %dma_wait3A_93 = tpu.memref_reshape %arg2 : memref<2x96x384x384xf32, #tpu.memory_space<hbm>> -> memref<192x384x384xf32, #tpu.memory_space<hbm>>
      %dma_wait3A_94 = arith.constant 0 : i32
      %dma_wait3A_95 = tpu.memref_slice %dma_wait3A_93[%add3A_84, %mul3A_88, %dma_wait3A_94] : memref<192x384x384xf32, #tpu.memory_space<hbm>> -> memref<1x64x384xf32, #tpu.memory_space<hbm>>
      %dma_wait3A_96 = tpu.memref_squeeze %dma_wait3A_95 : memref<1x64x384xf32, #tpu.memory_space<hbm>> -> memref<64x384xf32, #tpu.memory_space<hbm>>
      tpu.wait_dma2 semaphore(%arg12 : memref<!tpu.dma_semaphore, #tpu.memory_space<semaphore_mem>>) src(%dma_wait3A_96 : memref<64x384xf32, #tpu.memory_space<hbm>>) dst(%arg6 : memref<64x384xf32, #tpu.memory_space<vmem>>)
      %gt3A = arith.constant 0 : i32
      %gt3A_97 = arith.cmpi sgt, %add3A_79, %gt3A : i32
      %convert_element_type3A = arith.extui %gt3A_97 : i1 to i32
      %cond3A = arith.constant 0 : i32
      %cond3A_98 = arith.cmpi ne, %convert_element_type3A, %cond3A : i32
      scf.if %cond3A_98 {
        %div3A_188 = arith.constant 6 : i32
        %div3A_189 = arith.divsi %add3A_81, %div3A_188 : i32
        %add3A_190 = arith.addi %mul3A_2, %div3A_189 : i32
        %rem3A_191 = arith.constant 6 : i32
        %rem3A_192 = arith.remsi %add3A_81, %rem3A_191 : i32
        %mul3A_193 = arith.constant 64 : i32
        %mul3A_194 = arith.muli %rem3A_192, %mul3A_193 : i32
        %dma_wait3A_195 = tpu.memref_reshape %arg5 : memref<2x96x384x384xf32, #tpu.memory_space<hbm>> -> memref<192x384x384xf32, #tpu.memory_space<hbm>>
        %dma_wait3A_196 = arith.constant 0 : i32
        %dma_wait3A_197 = tpu.memref_slice %dma_wait3A_195[%add3A_190, %mul3A_194, %dma_wait3A_196] : memref<192x384x384xf32, #tpu.memory_space<hbm>> -> memref<1x64x384xf32, #tpu.memory_space<hbm>>
        %dma_wait3A_198 = tpu.memref_squeeze %dma_wait3A_197 : memref<1x64x384xf32, #tpu.memory_space<hbm>> -> memref<64x384xf32, #tpu.memory_space<hbm>>
        %dma_wait3A_199 = tpu.memref_reshape %arg5 : memref<2x96x384x384xf32, #tpu.memory_space<hbm>> -> memref<192x384x384xf32, #tpu.memory_space<hbm>>
        %dma_wait3A_200 = arith.constant 0 : i32
        %dma_wait3A_201 = tpu.memref_slice %dma_wait3A_199[%add3A_190, %mul3A_194, %dma_wait3A_200] : memref<192x384x384xf32, #tpu.memory_space<hbm>> -> memref<1x64x384xf32, #tpu.memory_space<hbm>>
        %dma_wait3A_202 = tpu.memref_squeeze %dma_wait3A_201 : memref<1x64x384xf32, #tpu.memory_space<hbm>> -> memref<64x384xf32, #tpu.memory_space<hbm>>
        tpu.wait_dma2 semaphore(%arg14 : memref<!tpu.dma_semaphore, #tpu.memory_space<semaphore_mem>>) src(%arg8 : memref<64x384xf32, #tpu.memory_space<vmem>>) dst(%dma_wait3A_202 : memref<64x384xf32, #tpu.memory_space<hbm>>)
      } else {
      }
      %div3A_99 = arith.constant 6 : i32
      %div3A_100 = arith.divsi %add3A_81, %div3A_99 : i32
      %mul3A_101 = arith.constant 40 : i32
      %mul3A_102 = arith.muli %div3A_100, %mul3A_101 : i32
      %convert_element_type3A_103 = arith.sitofp %mul3A_102 : i32 to f32
      %add3A_104 = arith.constant 2.000000e+01 : f32
      %add3A_105 = arith.addf %convert_element_type3A_103, %add3A_104 : f32
      %broadcast_in_dim3A = vector.broadcast %add3A_105 : f32 to vector<16xf32>
      %broadcast_in_dim3A_106 = vector.broadcast %convert_element_type3A_103 : f32 to vector<16xf32>
      %add3A_107 = arith.constant 3.900000e+01 : f32
      %add3A_108 = arith.addf %convert_element_type3A_103, %add3A_107 : f32
      %broadcast_in_dim3A_109 = vector.broadcast %add3A_108 : f32 to vector<16xf32>
      %parallel_loop3A = arith.constant 0 : i32
      %parallel_loop3A_110 = arith.constant 64 : i32
      %parallel_loop3A_111 = arith.constant 1 : i32
      scf.for %parallel_loop3A_188 = %parallel_loop3A to %parallel_loop3A_110 step %parallel_loop3A_111  : i32 {
        %parallel_loop3A_189 = arith.index_cast %parallel_loop3A_188 : i32 to index
        %parallel_loop3A_190 = arith.constant 0 : index
        %parallel_loop3A_191 = tpu.vector_load %arg6[%parallel_loop3A_189, %parallel_loop3A_190] {strides = array<i32>} : memref<64x384xf32, #tpu.memory_space<vmem>>, vector<16xf32>,
        %parallel_loop3A_192 = arith.constant 2.000000e+01 : f32
        %parallel_loop3A_193 = vector.broadcast %parallel_loop3A_192 : f32 to vector<16xf32>
        %parallel_loop3A_194 = arith.mulf %parallel_loop3A_191, %parallel_loop3A_193 : vector<16xf32>
        %parallel_loop3A_195 = arith.addf %parallel_loop3A_194, %broadcast_in_dim3A : vector<16xf32>
        %parallel_loop3A_196 = arith.maximumf %parallel_loop3A_195, %broadcast_in_dim3A_106 : vector<16xf32>
        %parallel_loop3A_197 = arith.minimumf %parallel_loop3A_196, %broadcast_in_dim3A_109 : vector<16xf32>
        %parallel_loop3A_198 = arith.fptosi %parallel_loop3A_197 : vector<16xf32> to vector<16xi32>
        %parallel_loop3A_199 = tpu.vector_load_idx %arg10[%parallel_loop3A_198] : memref<240xf32, #tpu.memory_space<vmem>>[vector<16xi32>], vector<16xf32>,
        %parallel_loop3A_200 = tpu.vector_load_idx %arg11[%parallel_loop3A_198] : memref<240xf32, #tpu.memory_space<vmem>>[vector<16xi32>], vector<16xf32>,
        %parallel_loop3A_201 = arith.mulf %parallel_loop3A_191, %parallel_loop3A_199 : vector<16xf32>
        %parallel_loop3A_202 = arith.addf %parallel_loop3A_201, %parallel_loop3A_200 : vector<16xf32>
        %parallel_loop3A_203 = arith.index_cast %parallel_loop3A_188 : i32 to index
        %parallel_loop3A_204 = arith.constant 0 : index
        %parallel_loop3A_205 = tpu.vector_load %arg8[%parallel_loop3A_203, %parallel_loop3A_204] {strides = array<i32>} : memref<64x384xf32, #tpu.memory_space<vmem>>, vector<16xf32>,
        tpu.vector_store %arg8[%parallel_loop3A_203, %parallel_loop3A_204], %parallel_loop3A_202 {strides = array<i32>} : memref<64x384xf32, #tpu.memory_space<vmem>>, vector<16xf32>,
        %parallel_loop3A_206 = arith.index_cast %parallel_loop3A_188 : i32 to index
        %parallel_loop3A_207 = arith.constant 16 : index
        %parallel_loop3A_208 = tpu.vector_load %arg6[%parallel_loop3A_206, %parallel_loop3A_207] {strides = array<i32>} : memref<64x384xf32, #tpu.memory_space<vmem>>, vector<16xf32>,
        %parallel_loop3A_209 = arith.constant 2.000000e+01 : f32
        %parallel_loop3A_210 = vector.broadcast %parallel_loop3A_209 : f32 to vector<16xf32>
        %parallel_loop3A_211 = arith.mulf %parallel_loop3A_208, %parallel_loop3A_210 : vector<16xf32>
        %parallel_loop3A_212 = arith.addf %parallel_loop3A_211, %broadcast_in_dim3A : vector<16xf32>
        %parallel_loop3A_213 = arith.maximumf %parallel_loop3A_212, %broadcast_in_dim3A_106 : vector<16xf32>
        %parallel_loop3A_214 = arith.minimumf %parallel_loop3A_213, %broadcast_in_dim3A_109 : vector<16xf32>
        %parallel_loop3A_215 = arith.fptosi %parallel_loop3A_214 : vector<16xf32> to vector<16xi32>
        %parallel_loop3A_216 = tpu.vector_load_idx %arg10[%parallel_loop3A_215] : memref<240xf32, #tpu.memory_space<vmem>>[vector<16xi32>], vector<16xf32>,
        %parallel_loop3A_217 = tpu.vector_load_idx %arg11[%parallel_loop3A_215] : memref<240xf32, #tpu.memory_space<vmem>>[vector<16xi32>], vector<16xf32>,
        %parallel_loop3A_218 = arith.mulf %parallel_loop3A_208, %parallel_loop3A_216 : vector<16xf32>
        %parallel_loop3A_219 = arith.addf %parallel_loop3A_218, %parallel_loop3A_217 : vector<16xf32>
        %parallel_loop3A_220 = arith.index_cast %parallel_loop3A_188 : i32 to index
        %parallel_loop3A_221 = arith.constant 16 : index
        %parallel_loop3A_222 = tpu.vector_load %arg8[%parallel_loop3A_220, %parallel_loop3A_221] {strides = array<i32>} : memref<64x384xf32, #tpu.memory_space<vmem>>, vector<16xf32>,
        tpu.vector_store %arg8[%parallel_loop3A_220, %parallel_loop3A_221], %parallel_loop3A_219 {strides = array<i32>} : memref<64x384xf32, #tpu.memory_space<vmem>>, vector<16xf32>,
        %parallel_loop3A_223 = arith.index_cast %parallel_loop3A_188 : i32 to index
        %parallel_loop3A_224 = arith.constant 32 : index
        %parallel_loop3A_225 = tpu.vector_load %arg6[%parallel_loop3A_223, %parallel_loop3A_224] {strides = array<i32>} : memref<64x384xf32, #tpu.memory_space<vmem>>, vector<16xf32>,
        %parallel_loop3A_226 = arith.constant 2.000000e+01 : f32
        %parallel_loop3A_227 = vector.broadcast %parallel_loop3A_226 : f32 to vector<16xf32>
        %parallel_loop3A_228 = arith.mulf %parallel_loop3A_225, %parallel_loop3A_227 : vector<16xf32>
        %parallel_loop3A_229 = arith.addf %parallel_loop3A_228, %broadcast_in_dim3A : vector<16xf32>
        %parallel_loop3A_230 = arith.maximumf %parallel_loop3A_229, %broadcast_in_dim3A_106 : vector<16xf32>
        %parallel_loop3A_231 = arith.minimumf %parallel_loop3A_230, %broadcast_in_dim3A_109 : vector<16xf32>
        %parallel_loop3A_232 = arith.fptosi %parallel_loop3A_231 : vector<16xf32> to vector<16xi32>
        %parallel_loop3A_233 = tpu.vector_load_idx %arg10[%parallel_loop3A_232] : memref<240xf32, #tpu.memory_space<vmem>>[vector<16xi32>], vector<16xf32>,
        %parallel_loop3A_234 = tpu.vector_load_idx %arg11[%parallel_loop3A_232] : memref<240xf32, #tpu.memory_space<vmem>>[vector<16xi32>], vector<16xf32>,
        %parallel_loop3A_235 = arith.mulf %parallel_loop3A_225, %parallel_loop3A_233 : vector<16xf32>
        %parallel_loop3A_236 = arith.addf %parallel_loop3A_235, %parallel_loop3A_234 : vector<16xf32>
        %parallel_loop3A_237 = arith.index_cast %parallel_loop3A_188 : i32 to index
        %parallel_loop3A_238 = arith.constant 32 : index
        %parallel_loop3A_239 = tpu.vector_load %arg8[%parallel_loop3A_237, %parallel_loop3A_238] {strides = array<i32>} : memref<64x384xf32, #tpu.memory_space<vmem>>, vector<16xf32>,
        tpu.vector_store %arg8[%parallel_loop3A_237, %parallel_loop3A_238], %parallel_loop3A_236 {strides = array<i32>} : memref<64x384xf32, #tpu.memory_space<vmem>>, vector<16xf32>,
        %parallel_loop3A_240 = arith.index_cast %parallel_loop3A_188 : i32 to index
        %parallel_loop3A_241 = arith.constant 48 : index
        %parallel_loop3A_242 = tpu.vector_load %arg6[%parallel_loop3A_240, %parallel_loop3A_241] {strides = array<i32>} : memref<64x384xf32, #tpu.memory_space<vmem>>, vector<16xf32>,
        %parallel_loop3A_243 = arith.constant 2.000000e+01 : f32
        %parallel_loop3A_244 = vector.broadcast %parallel_loop3A_243 : f32 to vector<16xf32>
        %parallel_loop3A_245 = arith.mulf %parallel_loop3A_242, %parallel_loop3A_244 : vector<16xf32>
        %parallel_loop3A_246 = arith.addf %parallel_loop3A_245, %broadcast_in_dim3A : vector<16xf32>
        %parallel_loop3A_247 = arith.maximumf %parallel_loop3A_246, %broadcast_in_dim3A_106 : vector<16xf32>
        %parallel_loop3A_248 = arith.minimumf %parallel_loop3A_247, %broadcast_in_dim3A_109 : vector<16xf32>
        %parallel_loop3A_249 = arith.fptosi %parallel_loop3A_248 : vector<16xf32> to vector<16xi32>
        %parallel_loop3A_250 = tpu.vector_load_idx %arg10[%parallel_loop3A_249] : memref<240xf32, #tpu.memory_space<vmem>>[vector<16xi32>], vector<16xf32>,
        %parallel_loop3A_251 = tpu.vector_load_idx %arg11[%parallel_loop3A_249] : memref<240xf32, #tpu.memory_space<vmem>>[vector<16xi32>], vector<16xf32>,
        %parallel_loop3A_252 = arith.mulf %parallel_loop3A_242, %parallel_loop3A_250 : vector<16xf32>
        %parallel_loop3A_253 = arith.addf %parallel_loop3A_252, %parallel_loop3A_251 : vector<16xf32>
        %parallel_loop3A_254 = arith.index_cast %parallel_loop3A_188 : i32 to index
        %parallel_loop3A_255 = arith.constant 48 : index
        %parallel_loop3A_256 = tpu.vector_load %arg8[%parallel_loop3A_254, %parallel_loop3A_255] {strides = array<i32>} : memref<64x384xf32, #tpu.memory_space<vmem>>, vector<16xf32>,
        tpu.vector_store %arg8[%parallel_loop3A_254, %parallel_loop3A_255], %parallel_loop3A_253 {strides = array<i32>} : memref<64x384xf32, #tpu.memory_space<vmem>>, vector<16xf32>,
        %parallel_loop3A_257 = arith.index_cast %parallel_loop3A_188 : i32 to index
        %parallel_loop3A_258 = arith.constant 64 : index
        %parallel_loop3A_259 = tpu.vector_load %arg6[%parallel_loop3A_257, %parallel_loop3A_258] {strides = array<i32>} : memref<64x384xf32, #tpu.memory_space<vmem>>, vector<16xf32>,
        %parallel_loop3A_260 = arith.constant 2.000000e+01 : f32
        %parallel_loop3A_261 = vector.broadcast %parallel_loop3A_260 : f32 to vector<16xf32>
        %parallel_loop3A_262 = arith.mulf %parallel_loop3A_259, %parallel_loop3A_261 : vector<16xf32>
        %parallel_loop3A_263 = arith.addf %parallel_loop3A_262, %broadcast_in_dim3A : vector<16xf32>
        %parallel_loop3A_264 = arith.maximumf %parallel_loop3A_263, %broadcast_in_dim3A_106 : vector<16xf32>
        %parallel_loop3A_265 = arith.minimumf %parallel_loop3A_264, %broadcast_in_dim3A_109 : vector<16xf32>
        %parallel_loop3A_266 = arith.fptosi %parallel_loop3A_265 : vector<16xf32> to vector<16xi32>
        %parallel_loop3A_267 = tpu.vector_load_idx %arg10[%parallel_loop3A_266] : memref<240xf32, #tpu.memory_space<vmem>>[vector<16xi32>], vector<16xf32>,
        %parallel_loop3A_268 = tpu.vector_load_idx %arg11[%parallel_loop3A_266] : memref<240xf32, #tpu.memory_space<vmem>>[vector<16xi32>], vector<16xf32>,
        %parallel_loop3A_269 = arith.mulf %parallel_loop3A_259, %parallel_loop3A_267 : vector<16xf32>
        %parallel_loop3A_270 = arith.addf %parallel_loop3A_269, %parallel_loop3A_268 : vector<16xf32>
        %parallel_loop3A_271 = arith.index_cast %parallel_loop3A_188 : i32 to index
        %parallel_loop3A_272 = arith.constant 64 : index
        %parallel_loop3A_273 = tpu.vector_load %arg8[%parallel_loop3A_271, %parallel_loop3A_272] {strides = array<i32>} : memref<64x384xf32, #tpu.memory_space<vmem>>, vector<16xf32>,
        tpu.vector_store %arg8[%parallel_loop3A_271, %parallel_loop3A_272], %parallel_loop3A_270 {strides = array<i32>} : memref<64x384xf32, #tpu.memory_space<vmem>>, vector<16xf32>,
        %parallel_loop3A_274 = arith.index_cast %parallel_loop3A_188 : i32 to index
        %parallel_loop3A_275 = arith.constant 80 : index
        %parallel_loop3A_276 = tpu.vector_load %arg6[%parallel_loop3A_274, %parallel_loop3A_275] {strides = array<i32>} : memref<64x384xf32, #tpu.memory_space<vmem>>, vector<16xf32>,
        %parallel_loop3A_277 = arith.constant 2.000000e+01 : f32
        %parallel_loop3A_278 = vector.broadcast %parallel_loop3A_277 : f32 to vector<16xf32>
        %parallel_loop3A_279 = arith.mulf %parallel_loop3A_276, %parallel_loop3A_278 : vector<16xf32>
        %parallel_loop3A_280 = arith.addf %parallel_loop3A_279, %broadcast_in_dim3A : vector<16xf32>
        %parallel_loop3A_281 = arith.maximumf %parallel_loop3A_280, %broadcast_in_dim3A_106 : vector<16xf32>
        %parallel_loop3A_282 = arith.minimumf %parallel_loop3A_281, %broadcast_in_dim3A_109 : vector<16xf32>
        %parallel_loop3A_283 = arith.fptosi %parallel_loop3A_282 : vector<16xf32> to vector<16xi32>
        %parallel_loop3A_284 = tpu.vector_load_idx %arg10[%parallel_loop3A_283] : memref<240xf32, #tpu.memory_space<vmem>>[vector<16xi32>], vector<16xf32>,
        %parallel_loop3A_285 = tpu.vector_load_idx %arg11[%parallel_loop3A_283] : memref<240xf32, #tpu.memory_space<vmem>>[vector<16xi32>], vector<16xf32>,
        %parallel_loop3A_286 = arith.mulf %parallel_loop3A_276, %parallel_loop3A_284 : vector<16xf32>
        %parallel_loop3A_287 = arith.addf %parallel_loop3A_286, %parallel_loop3A_285 : vector<16xf32>
        %parallel_loop3A_288 = arith.index_cast %parallel_loop3A_188 : i32 to index
        %parallel_loop3A_289 = arith.constant 80 : index
        %parallel_loop3A_290 = tpu.vector_load %arg8[%parallel_loop3A_288, %parallel_loop3A_289] {strides = array<i32>} : memref<64x384xf32, #tpu.memory_space<vmem>>, vector<16xf32>,
        tpu.vector_store %arg8[%parallel_loop3A_288, %parallel_loop3A_289], %parallel_loop3A_287 {strides = array<i32>} : memref<64x384xf32, #tpu.memory_space<vmem>>, vector<16xf32>,
        %parallel_loop3A_291 = arith.index_cast %parallel_loop3A_188 : i32 to index
        %parallel_loop3A_292 = arith.constant 96 : index
        %parallel_loop3A_293 = tpu.vector_load %arg6[%parallel_loop3A_291, %parallel_loop3A_292] {strides = array<i32>} : memref<64x384xf32, #tpu.memory_space<vmem>>, vector<16xf32>,
        %parallel_loop3A_294 = arith.constant 2.000000e+01 : f32
        %parallel_loop3A_295 = vector.broadcast %parallel_loop3A_294 : f32 to vector<16xf32>
        %parallel_loop3A_296 = arith.mulf %parallel_loop3A_293, %parallel_loop3A_295 : vector<16xf32>
        %parallel_loop3A_297 = arith.addf %parallel_loop3A_296, %broadcast_in_dim3A : vector<16xf32>
        %parallel_loop3A_298 = arith.maximumf %parallel_loop3A_297, %broadcast_in_dim3A_106 : vector<16xf32>
        %parallel_loop3A_299 = arith.minimumf %parallel_loop3A_298, %broadcast_in_dim3A_109 : vector<16xf32>
        %parallel_loop3A_300 = arith.fptosi %parallel_loop3A_299 : vector<16xf32> to vector<16xi32>
        %parallel_loop3A_301 = tpu.vector_load_idx %arg10[%parallel_loop3A_300] : memref<240xf32, #tpu.memory_space<vmem>>[vector<16xi32>], vector<16xf32>,
        %parallel_loop3A_302 = tpu.vector_load_idx %arg11[%parallel_loop3A_300] : memref<240xf32, #tpu.memory_space<vmem>>[vector<16xi32>], vector<16xf32>,
        %parallel_loop3A_303 = arith.mulf %parallel_loop3A_293, %parallel_loop3A_301 : vector<16xf32>
        %parallel_loop3A_304 = arith.addf %parallel_loop3A_303, %parallel_loop3A_302 : vector<16xf32>
        %parallel_loop3A_305 = arith.index_cast %parallel_loop3A_188 : i32 to index
        %parallel_loop3A_306 = arith.constant 96 : index
        %parallel_loop3A_307 = tpu.vector_load %arg8[%parallel_loop3A_305, %parallel_loop3A_306] {strides = array<i32>} : memref<64x384xf32, #tpu.memory_space<vmem>>, vector<16xf32>,
        tpu.vector_store %arg8[%parallel_loop3A_305, %parallel_loop3A_306], %parallel_loop3A_304 {strides = array<i32>} : memref<64x384xf32, #tpu.memory_space<vmem>>, vector<16xf32>,
        %parallel_loop3A_308 = arith.index_cast %parallel_loop3A_188 : i32 to index
        %parallel_loop3A_309 = arith.constant 112 : index
        %parallel_loop3A_310 = tpu.vector_load %arg6[%parallel_loop3A_308, %parallel_loop3A_309] {strides = array<i32>} : memref<64x384xf32, #tpu.memory_space<vmem>>, vector<16xf32>,
        %parallel_loop3A_311 = arith.constant 2.000000e+01 : f32
        %parallel_loop3A_312 = vector.broadcast %parallel_loop3A_311 : f32 to vector<16xf32>
        %parallel_loop3A_313 = arith.mulf %parallel_loop3A_310, %parallel_loop3A_312 : vector<16xf32>
        %parallel_loop3A_314 = arith.addf %parallel_loop3A_313, %broadcast_in_dim3A : vector<16xf32>
        %parallel_loop3A_315 = arith.maximumf %parallel_loop3A_314, %broadcast_in_dim3A_106 : vector<16xf32>
        %parallel_loop3A_316 = arith.minimumf %parallel_loop3A_315, %broadcast_in_dim3A_109 : vector<16xf32>
        %parallel_loop3A_317 = arith.fptosi %parallel_loop3A_316 : vector<16xf32> to vector<16xi32>
        %parallel_loop3A_318 = tpu.vector_load_idx %arg10[%parallel_loop3A_317] : memref<240xf32, #tpu.memory_space<vmem>>[vector<16xi32>], vector<16xf32>,
        %parallel_loop3A_319 = tpu.vector_load_idx %arg11[%parallel_loop3A_317] : memref<240xf32, #tpu.memory_space<vmem>>[vector<16xi32>], vector<16xf32>,
        %parallel_loop3A_320 = arith.mulf %parallel_loop3A_310, %parallel_loop3A_318 : vector<16xf32>
        %parallel_loop3A_321 = arith.addf %parallel_loop3A_320, %parallel_loop3A_319 : vector<16xf32>
        %parallel_loop3A_322 = arith.index_cast %parallel_loop3A_188 : i32 to index
        %parallel_loop3A_323 = arith.constant 112 : index
        %parallel_loop3A_324 = tpu.vector_load %arg8[%parallel_loop3A_322, %parallel_loop3A_323] {strides = array<i32>} : memref<64x384xf32, #tpu.memory_space<vmem>>, vector<16xf32>,
        tpu.vector_store %arg8[%parallel_loop3A_322, %parallel_loop3A_323], %parallel_loop3A_321 {strides = array<i32>} : memref<64x384xf32, #tpu.memory_space<vmem>>, vector<16xf32>,
        %parallel_loop3A_325 = arith.index_cast %parallel_loop3A_188 : i32 to index
        %parallel_loop3A_326 = arith.constant 128 : index
        %parallel_loop3A_327 = tpu.vector_load %arg6[%parallel_loop3A_325, %parallel_loop3A_326] {strides = array<i32>} : memref<64x384xf32, #tpu.memory_space<vmem>>, vector<16xf32>,
        %parallel_loop3A_328 = arith.constant 2.000000e+01 : f32
        %parallel_loop3A_329 = vector.broadcast %parallel_loop3A_328 : f32 to vector<16xf32>
        %parallel_loop3A_330 = arith.mulf %parallel_loop3A_327, %parallel_loop3A_329 : vector<16xf32>
        %parallel_loop3A_331 = arith.addf %parallel_loop3A_330, %broadcast_in_dim3A : vector<16xf32>
        %parallel_loop3A_332 = arith.maximumf %parallel_loop3A_331, %broadcast_in_dim3A_106 : vector<16xf32>
        %parallel_loop3A_333 = arith.minimumf %parallel_loop3A_332, %broadcast_in_dim3A_109 : vector<16xf32>
        %parallel_loop3A_334 = arith.fptosi %parallel_loop3A_333 : vector<16xf32> to vector<16xi32>
        %parallel_loop3A_335 = tpu.vector_load_idx %arg10[%parallel_loop3A_334] : memref<240xf32, #tpu.memory_space<vmem>>[vector<16xi32>], vector<16xf32>,
        %parallel_loop3A_336 = tpu.vector_load_idx %arg11[%parallel_loop3A_334] : memref<240xf32, #tpu.memory_space<vmem>>[vector<16xi32>], vector<16xf32>,
        %parallel_loop3A_337 = arith.mulf %parallel_loop3A_327, %parallel_loop3A_335 : vector<16xf32>
        %parallel_loop3A_338 = arith.addf %parallel_loop3A_337, %parallel_loop3A_336 : vector<16xf32>
        %parallel_loop3A_339 = arith.index_cast %parallel_loop3A_188 : i32 to index
        %parallel_loop3A_340 = arith.constant 128 : index
        %parallel_loop3A_341 = tpu.vector_load %arg8[%parallel_loop3A_339, %parallel_loop3A_340] {strides = array<i32>} : memref<64x384xf32, #tpu.memory_space<vmem>>, vector<16xf32>,
        tpu.vector_store %arg8[%parallel_loop3A_339, %parallel_loop3A_340], %parallel_loop3A_338 {strides = array<i32>} : memref<64x384xf32, #tpu.memory_space<vmem>>, vector<16xf32>,
        %parallel_loop3A_342 = arith.index_cast %parallel_loop3A_188 : i32 to index
        %parallel_loop3A_343 = arith.constant 144 : index
        %parallel_loop3A_344 = tpu.vector_load %arg6[%parallel_loop3A_342, %parallel_loop3A_343] {strides = array<i32>} : memref<64x384xf32, #tpu.memory_space<vmem>>, vector<16xf32>,
        %parallel_loop3A_345 = arith.constant 2.000000e+01 : f32
        %parallel_loop3A_346 = vector.broadcast %parallel_loop3A_345 : f32 to vector<16xf32>
        %parallel_loop3A_347 = arith.mulf %parallel_loop3A_344, %parallel_loop3A_346 : vector<16xf32>
        %parallel_loop3A_348 = arith.addf %parallel_loop3A_347, %broadcast_in_dim3A : vector<16xf32>
        %parallel_loop3A_349 = arith.maximumf %parallel_loop3A_348, %broadcast_in_dim3A_106 : vector<16xf32>
        %parallel_loop3A_350 = arith.minimumf %parallel_loop3A_349, %broadcast_in_dim3A_109 : vector<16xf32>
        %parallel_loop3A_351 = arith.fptosi %parallel_loop3A_350 : vector<16xf32> to vector<16xi32>
        %parallel_loop3A_352 = tpu.vector_load_idx %arg10[%parallel_loop3A_351] : memref<240xf32, #tpu.memory_space<vmem>>[vector<16xi32>], vector<16xf32>,
        %parallel_loop3A_353 = tpu.vector_load_idx %arg11[%parallel_loop3A_351] : memref<240xf32, #tpu.memory_space<vmem>>[vector<16xi32>], vector<16xf32>,
        %parallel_loop3A_354 = arith.mulf %parallel_loop3A_344, %parallel_loop3A_352 : vector<16xf32>
        %parallel_loop3A_355 = arith.addf %parallel_loop3A_354, %parallel_loop3A_353 : vector<16xf32>
        %parallel_loop3A_356 = arith.index_cast %parallel_loop3A_188 : i32 to index
        %parallel_loop3A_357 = arith.constant 144 : index
        %parallel_loop3A_358 = tpu.vector_load %arg8[%parallel_loop3A_356, %parallel_loop3A_357] {strides = array<i32>} : memref<64x384xf32, #tpu.memory_space<vmem>>, vector<16xf32>,
        tpu.vector_store %arg8[%parallel_loop3A_356, %parallel_loop3A_357], %parallel_loop3A_355 {strides = array<i32>} : memref<64x384xf32, #tpu.memory_space<vmem>>, vector<16xf32>,
        %parallel_loop3A_359 = arith.index_cast %parallel_loop3A_188 : i32 to index
        %parallel_loop3A_360 = arith.constant 160 : index
        %parallel_loop3A_361 = tpu.vector_load %arg6[%parallel_loop3A_359, %parallel_loop3A_360] {strides = array<i32>} : memref<64x384xf32, #tpu.memory_space<vmem>>, vector<16xf32>,
        %parallel_loop3A_362 = arith.constant 2.000000e+01 : f32
        %parallel_loop3A_363 = vector.broadcast %parallel_loop3A_362 : f32 to vector<16xf32>
        %parallel_loop3A_364 = arith.mulf %parallel_loop3A_361, %parallel_loop3A_363 : vector<16xf32>
        %parallel_loop3A_365 = arith.addf %parallel_loop3A_364, %broadcast_in_dim3A : vector<16xf32>
        %parallel_loop3A_366 = arith.maximumf %parallel_loop3A_365, %broadcast_in_dim3A_106 : vector<16xf32>
        %parallel_loop3A_367 = arith.minimumf %parallel_loop3A_366, %broadcast_in_dim3A_109 : vector<16xf32>
        %parallel_loop3A_368 = arith.fptosi %parallel_loop3A_367 : vector<16xf32> to vector<16xi32>
        %parallel_loop3A_369 = tpu.vector_load_idx %arg10[%parallel_loop3A_368] : memref<240xf32, #tpu.memory_space<vmem>>[vector<16xi32>], vector<16xf32>,
        %parallel_loop3A_370 = tpu.vector_load_idx %arg11[%parallel_loop3A_368] : memref<240xf32, #tpu.memory_space<vmem>>[vector<16xi32>], vector<16xf32>,
        %parallel_loop3A_371 = arith.mulf %parallel_loop3A_361, %parallel_loop3A_369 : vector<16xf32>
        %parallel_loop3A_372 = arith.addf %parallel_loop3A_371, %parallel_loop3A_370 : vector<16xf32>
        %parallel_loop3A_373 = arith.index_cast %parallel_loop3A_188 : i32 to index
        %parallel_loop3A_374 = arith.constant 160 : index
        %parallel_loop3A_375 = tpu.vector_load %arg8[%parallel_loop3A_373, %parallel_loop3A_374] {strides = array<i32>} : memref<64x384xf32, #tpu.memory_space<vmem>>, vector<16xf32>,
        tpu.vector_store %arg8[%parallel_loop3A_373, %parallel_loop3A_374], %parallel_loop3A_372 {strides = array<i32>} : memref<64x384xf32, #tpu.memory_space<vmem>>, vector<16xf32>,
        %parallel_loop3A_376 = arith.index_cast %parallel_loop3A_188 : i32 to index
        %parallel_loop3A_377 = arith.constant 176 : index
        %parallel_loop3A_378 = tpu.vector_load %arg6[%parallel_loop3A_376, %parallel_loop3A_377] {strides = array<i32>} : memref<64x384xf32, #tpu.memory_space<vmem>>, vector<16xf32>,
        %parallel_loop3A_379 = arith.constant 2.000000e+01 : f32
        %parallel_loop3A_380 = vector.broadcast %parallel_loop3A_379 : f32 to vector<16xf32>
        %parallel_loop3A_381 = arith.mulf %parallel_loop3A_378, %parallel_loop3A_380 : vector<16xf32>
        %parallel_loop3A_382 = arith.addf %parallel_loop3A_381, %broadcast_in_dim3A : vector<16xf32>
        %parallel_loop3A_383 = arith.maximumf %parallel_loop3A_382, %broadcast_in_dim3A_106 : vector<16xf32>
        %parallel_loop3A_384 = arith.minimumf %parallel_loop3A_383, %broadcast_in_dim3A_109 : vector<16xf32>
        %parallel_loop3A_385 = arith.fptosi %parallel_loop3A_384 : vector<16xf32> to vector<16xi32>
        %parallel_loop3A_386 = tpu.vector_load_idx %arg10[%parallel_loop3A_385] : memref<240xf32, #tpu.memory_space<vmem>>[vector<16xi32>], vector<16xf32>,
        %parallel_loop3A_387 = tpu.vector_load_idx %arg11[%parallel_loop3A_385] : memref<240xf32, #tpu.memory_space<vmem>>[vector<16xi32>], vector<16xf32>,
        %parallel_loop3A_388 = arith.mulf %parallel_loop3A_378, %parallel_loop3A_386 : vector<16xf32>
        %parallel_loop3A_389 = arith.addf %parallel_loop3A_388, %parallel_loop3A_387 : vector<16xf32>
        %parallel_loop3A_390 = arith.index_cast %parallel_loop3A_188 : i32 to index
        %parallel_loop3A_391 = arith.constant 176 : index
        %parallel_loop3A_392 = tpu.vector_load %arg8[%parallel_loop3A_390, %parallel_loop3A_391] {strides = array<i32>} : memref<64x384xf32, #tpu.memory_space<vmem>>, vector<16xf32>,
        tpu.vector_store %arg8[%parallel_loop3A_390, %parallel_loop3A_391], %parallel_loop3A_389 {strides = array<i32>} : memref<64x384xf32, #tpu.memory_space<vmem>>, vector<16xf32>,
        %parallel_loop3A_393 = arith.index_cast %parallel_loop3A_188 : i32 to index
        %parallel_loop3A_394 = arith.constant 192 : index
        %parallel_loop3A_395 = tpu.vector_load %arg6[%parallel_loop3A_393, %parallel_loop3A_394] {strides = array<i32>} : memref<64x384xf32, #tpu.memory_space<vmem>>, vector<16xf32>,
        %parallel_loop3A_396 = arith.constant 2.000000e+01 : f32
        %parallel_loop3A_397 = vector.broadcast %parallel_loop3A_396 : f32 to vector<16xf32>
        %parallel_loop3A_398 = arith.mulf %parallel_loop3A_395, %parallel_loop3A_397 : vector<16xf32>
        %parallel_loop3A_399 = arith.addf %parallel_loop3A_398, %broadcast_in_dim3A : vector<16xf32>
        %parallel_loop3A_400 = arith.maximumf %parallel_loop3A_399, %broadcast_in_dim3A_106 : vector<16xf32>
        %parallel_loop3A_401 = arith.minimumf %parallel_loop3A_400, %broadcast_in_dim3A_109 : vector<16xf32>
        %parallel_loop3A_402 = arith.fptosi %parallel_loop3A_401 : vector<16xf32> to vector<16xi32>
        %parallel_loop3A_403 = tpu.vector_load_idx %arg10[%parallel_loop3A_402] : memref<240xf32, #tpu.memory_space<vmem>>[vector<16xi32>], vector<16xf32>,
        %parallel_loop3A_404 = tpu.vector_load_idx %arg11[%parallel_loop3A_402] : memref<240xf32, #tpu.memory_space<vmem>>[vector<16xi32>], vector<16xf32>,
        %parallel_loop3A_405 = arith.mulf %parallel_loop3A_395, %parallel_loop3A_403 : vector<16xf32>
        %parallel_loop3A_406 = arith.addf %parallel_loop3A_405, %parallel_loop3A_404 : vector<16xf32>
        %parallel_loop3A_407 = arith.index_cast %parallel_loop3A_188 : i32 to index
        %parallel_loop3A_408 = arith.constant 192 : index
        %parallel_loop3A_409 = tpu.vector_load %arg8[%parallel_loop3A_407, %parallel_loop3A_408] {strides = array<i32>} : memref<64x384xf32, #tpu.memory_space<vmem>>, vector<16xf32>,
        tpu.vector_store %arg8[%parallel_loop3A_407, %parallel_loop3A_408], %parallel_loop3A_406 {strides = array<i32>} : memref<64x384xf32, #tpu.memory_space<vmem>>, vector<16xf32>,
        %parallel_loop3A_410 = arith.index_cast %parallel_loop3A_188 : i32 to index
        %parallel_loop3A_411 = arith.constant 208 : index
        %parallel_loop3A_412 = tpu.vector_load %arg6[%parallel_loop3A_410, %parallel_loop3A_411] {strides = array<i32>} : memref<64x384xf32, #tpu.memory_space<vmem>>, vector<16xf32>,
        %parallel_loop3A_413 = arith.constant 2.000000e+01 : f32
        %parallel_loop3A_414 = vector.broadcast %parallel_loop3A_413 : f32 to vector<16xf32>
        %parallel_loop3A_415 = arith.mulf %parallel_loop3A_412, %parallel_loop3A_414 : vector<16xf32>
        %parallel_loop3A_416 = arith.addf %parallel_loop3A_415, %broadcast_in_dim3A : vector<16xf32>
        %parallel_loop3A_417 = arith.maximumf %parallel_loop3A_416, %broadcast_in_dim3A_106 : vector<16xf32>
        %parallel_loop3A_418 = arith.minimumf %parallel_loop3A_417, %broadcast_in_dim3A_109 : vector<16xf32>
        %parallel_loop3A_419 = arith.fptosi %parallel_loop3A_418 : vector<16xf32> to vector<16xi32>
        %parallel_loop3A_420 = tpu.vector_load_idx %arg10[%parallel_loop3A_419] : memref<240xf32, #tpu.memory_space<vmem>>[vector<16xi32>], vector<16xf32>,
        %parallel_loop3A_421 = tpu.vector_load_idx %arg11[%parallel_loop3A_419] : memref<240xf32, #tpu.memory_space<vmem>>[vector<16xi32>], vector<16xf32>,
        %parallel_loop3A_422 = arith.mulf %parallel_loop3A_412, %parallel_loop3A_420 : vector<16xf32>
        %parallel_loop3A_423 = arith.addf %parallel_loop3A_422, %parallel_loop3A_421 : vector<16xf32>
        %parallel_loop3A_424 = arith.index_cast %parallel_loop3A_188 : i32 to index
        %parallel_loop3A_425 = arith.constant 208 : index
        %parallel_loop3A_426 = tpu.vector_load %arg8[%parallel_loop3A_424, %parallel_loop3A_425] {strides = array<i32>} : memref<64x384xf32, #tpu.memory_space<vmem>>, vector<16xf32>,
        tpu.vector_store %arg8[%parallel_loop3A_424, %parallel_loop3A_425], %parallel_loop3A_423 {strides = array<i32>} : memref<64x384xf32, #tpu.memory_space<vmem>>, vector<16xf32>,
        %parallel_loop3A_427 = arith.index_cast %parallel_loop3A_188 : i32 to index
        %parallel_loop3A_428 = arith.constant 224 : index
        %parallel_loop3A_429 = tpu.vector_load %arg6[%parallel_loop3A_427, %parallel_loop3A_428] {strides = array<i32>} : memref<64x384xf32, #tpu.memory_space<vmem>>, vector<16xf32>,
        %parallel_loop3A_430 = arith.constant 2.000000e+01 : f32
        %parallel_loop3A_431 = vector.broadcast %parallel_loop3A_430 : f32 to vector<16xf32>
        %parallel_loop3A_432 = arith.mulf %parallel_loop3A_429, %parallel_loop3A_431 : vector<16xf32>
        %parallel_loop3A_433 = arith.addf %parallel_loop3A_432, %broadcast_in_dim3A : vector<16xf32>
        %parallel_loop3A_434 = arith.maximumf %parallel_loop3A_433, %broadcast_in_dim3A_106 : vector<16xf32>
        %parallel_loop3A_435 = arith.minimumf %parallel_loop3A_434, %broadcast_in_dim3A_109 : vector<16xf32>
        %parallel_loop3A_436 = arith.fptosi %parallel_loop3A_435 : vector<16xf32> to vector<16xi32>
        %parallel_loop3A_437 = tpu.vector_load_idx %arg10[%parallel_loop3A_436] : memref<240xf32, #tpu.memory_space<vmem>>[vector<16xi32>], vector<16xf32>,
        %parallel_loop3A_438 = tpu.vector_load_idx %arg11[%parallel_loop3A_436] : memref<240xf32, #tpu.memory_space<vmem>>[vector<16xi32>], vector<16xf32>,
        %parallel_loop3A_439 = arith.mulf %parallel_loop3A_429, %parallel_loop3A_437 : vector<16xf32>
        %parallel_loop3A_440 = arith.addf %parallel_loop3A_439, %parallel_loop3A_438 : vector<16xf32>
        %parallel_loop3A_441 = arith.index_cast %parallel_loop3A_188 : i32 to index
        %parallel_loop3A_442 = arith.constant 224 : index
        %parallel_loop3A_443 = tpu.vector_load %arg8[%parallel_loop3A_441, %parallel_loop3A_442] {strides = array<i32>} : memref<64x384xf32, #tpu.memory_space<vmem>>, vector<16xf32>,
        tpu.vector_store %arg8[%parallel_loop3A_441, %parallel_loop3A_442], %parallel_loop3A_440 {strides = array<i32>} : memref<64x384xf32, #tpu.memory_space<vmem>>, vector<16xf32>,
        %parallel_loop3A_444 = arith.index_cast %parallel_loop3A_188 : i32 to index
        %parallel_loop3A_445 = arith.constant 240 : index
        %parallel_loop3A_446 = tpu.vector_load %arg6[%parallel_loop3A_444, %parallel_loop3A_445] {strides = array<i32>} : memref<64x384xf32, #tpu.memory_space<vmem>>, vector<16xf32>,
        %parallel_loop3A_447 = arith.constant 2.000000e+01 : f32
        %parallel_loop3A_448 = vector.broadcast %parallel_loop3A_447 : f32 to vector<16xf32>
        %parallel_loop3A_449 = arith.mulf %parallel_loop3A_446, %parallel_loop3A_448 : vector<16xf32>
        %parallel_loop3A_450 = arith.addf %parallel_loop3A_449, %broadcast_in_dim3A : vector<16xf32>
        %parallel_loop3A_451 = arith.maximumf %parallel_loop3A_450, %broadcast_in_dim3A_106 : vector<16xf32>
        %parallel_loop3A_452 = arith.minimumf %parallel_loop3A_451, %broadcast_in_dim3A_109 : vector<16xf32>
        %parallel_loop3A_453 = arith.fptosi %parallel_loop3A_452 : vector<16xf32> to vector<16xi32>
        %parallel_loop3A_454 = tpu.vector_load_idx %arg10[%parallel_loop3A_453] : memref<240xf32, #tpu.memory_space<vmem>>[vector<16xi32>], vector<16xf32>,
        %parallel_loop3A_455 = tpu.vector_load_idx %arg11[%parallel_loop3A_453] : memref<240xf32, #tpu.memory_space<vmem>>[vector<16xi32>], vector<16xf32>,
        %parallel_loop3A_456 = arith.mulf %parallel_loop3A_446, %parallel_loop3A_454 : vector<16xf32>
        %parallel_loop3A_457 = arith.addf %parallel_loop3A_456, %parallel_loop3A_455 : vector<16xf32>
        %parallel_loop3A_458 = arith.index_cast %parallel_loop3A_188 : i32 to index
        %parallel_loop3A_459 = arith.constant 240 : index
        %parallel_loop3A_460 = tpu.vector_load %arg8[%parallel_loop3A_458, %parallel_loop3A_459] {strides = array<i32>} : memref<64x384xf32, #tpu.memory_space<vmem>>, vector<16xf32>,
        tpu.vector_store %arg8[%parallel_loop3A_458, %parallel_loop3A_459], %parallel_loop3A_457 {strides = array<i32>} : memref<64x384xf32, #tpu.memory_space<vmem>>, vector<16xf32>,
        %parallel_loop3A_461 = arith.index_cast %parallel_loop3A_188 : i32 to index
        %parallel_loop3A_462 = arith.constant 256 : index
        %parallel_loop3A_463 = tpu.vector_load %arg6[%parallel_loop3A_461, %parallel_loop3A_462] {strides = array<i32>} : memref<64x384xf32, #tpu.memory_space<vmem>>, vector<16xf32>,
        %parallel_loop3A_464 = arith.constant 2.000000e+01 : f32
        %parallel_loop3A_465 = vector.broadcast %parallel_loop3A_464 : f32 to vector<16xf32>
        %parallel_loop3A_466 = arith.mulf %parallel_loop3A_463, %parallel_loop3A_465 : vector<16xf32>
        %parallel_loop3A_467 = arith.addf %parallel_loop3A_466, %broadcast_in_dim3A : vector<16xf32>
        %parallel_loop3A_468 = arith.maximumf %parallel_loop3A_467, %broadcast_in_dim3A_106 : vector<16xf32>
        %parallel_loop3A_469 = arith.minimumf %parallel_loop3A_468, %broadcast_in_dim3A_109 : vector<16xf32>
        %parallel_loop3A_470 = arith.fptosi %parallel_loop3A_469 : vector<16xf32> to vector<16xi32>
        %parallel_loop3A_471 = tpu.vector_load_idx %arg10[%parallel_loop3A_470] : memref<240xf32, #tpu.memory_space<vmem>>[vector<16xi32>], vector<16xf32>,
        %parallel_loop3A_472 = tpu.vector_load_idx %arg11[%parallel_loop3A_470] : memref<240xf32, #tpu.memory_space<vmem>>[vector<16xi32>], vector<16xf32>,
        %parallel_loop3A_473 = arith.mulf %parallel_loop3A_463, %parallel_loop3A_471 : vector<16xf32>
        %parallel_loop3A_474 = arith.addf %parallel_loop3A_473, %parallel_loop3A_472 : vector<16xf32>
        %parallel_loop3A_475 = arith.index_cast %parallel_loop3A_188 : i32 to index
        %parallel_loop3A_476 = arith.constant 256 : index
        %parallel_loop3A_477 = tpu.vector_load %arg8[%parallel_loop3A_475, %parallel_loop3A_476] {strides = array<i32>} : memref<64x384xf32, #tpu.memory_space<vmem>>, vector<16xf32>,
        tpu.vector_store %arg8[%parallel_loop3A_475, %parallel_loop3A_476], %parallel_loop3A_474 {strides = array<i32>} : memref<64x384xf32, #tpu.memory_space<vmem>>, vector<16xf32>,
        %parallel_loop3A_478 = arith.index_cast %parallel_loop3A_188 : i32 to index
        %parallel_loop3A_479 = arith.constant 272 : index
        %parallel_loop3A_480 = tpu.vector_load %arg6[%parallel_loop3A_478, %parallel_loop3A_479] {strides = array<i32>} : memref<64x384xf32, #tpu.memory_space<vmem>>, vector<16xf32>,
        %parallel_loop3A_481 = arith.constant 2.000000e+01 : f32
        %parallel_loop3A_482 = vector.broadcast %parallel_loop3A_481 : f32 to vector<16xf32>
        %parallel_loop3A_483 = arith.mulf %parallel_loop3A_480, %parallel_loop3A_482 : vector<16xf32>
        %parallel_loop3A_484 = arith.addf %parallel_loop3A_483, %broadcast_in_dim3A : vector<16xf32>
        %parallel_loop3A_485 = arith.maximumf %parallel_loop3A_484, %broadcast_in_dim3A_106 : vector<16xf32>
        %parallel_loop3A_486 = arith.minimumf %parallel_loop3A_485, %broadcast_in_dim3A_109 : vector<16xf32>
        %parallel_loop3A_487 = arith.fptosi %parallel_loop3A_486 : vector<16xf32> to vector<16xi32>
        %parallel_loop3A_488 = tpu.vector_load_idx %arg10[%parallel_loop3A_487] : memref<240xf32, #tpu.memory_space<vmem>>[vector<16xi32>], vector<16xf32>,
        %parallel_loop3A_489 = tpu.vector_load_idx %arg11[%parallel_loop3A_487] : memref<240xf32, #tpu.memory_space<vmem>>[vector<16xi32>], vector<16xf32>,
        %parallel_loop3A_490 = arith.mulf %parallel_loop3A_480, %parallel_loop3A_488 : vector<16xf32>
        %parallel_loop3A_491 = arith.addf %parallel_loop3A_490, %parallel_loop3A_489 : vector<16xf32>
        %parallel_loop3A_492 = arith.index_cast %parallel_loop3A_188 : i32 to index
        %parallel_loop3A_493 = arith.constant 272 : index
        %parallel_loop3A_494 = tpu.vector_load %arg8[%parallel_loop3A_492, %parallel_loop3A_493] {strides = array<i32>} : memref<64x384xf32, #tpu.memory_space<vmem>>, vector<16xf32>,
        tpu.vector_store %arg8[%parallel_loop3A_492, %parallel_loop3A_493], %parallel_loop3A_491 {strides = array<i32>} : memref<64x384xf32, #tpu.memory_space<vmem>>, vector<16xf32>,
        %parallel_loop3A_495 = arith.index_cast %parallel_loop3A_188 : i32 to index
        %parallel_loop3A_496 = arith.constant 288 : index
        %parallel_loop3A_497 = tpu.vector_load %arg6[%parallel_loop3A_495, %parallel_loop3A_496] {strides = array<i32>} : memref<64x384xf32, #tpu.memory_space<vmem>>, vector<16xf32>,
        %parallel_loop3A_498 = arith.constant 2.000000e+01 : f32
        %parallel_loop3A_499 = vector.broadcast %parallel_loop3A_498 : f32 to vector<16xf32>
        %parallel_loop3A_500 = arith.mulf %parallel_loop3A_497, %parallel_loop3A_499 : vector<16xf32>
        %parallel_loop3A_501 = arith.addf %parallel_loop3A_500, %broadcast_in_dim3A : vector<16xf32>
        %parallel_loop3A_502 = arith.maximumf %parallel_loop3A_501, %broadcast_in_dim3A_106 : vector<16xf32>
        %parallel_loop3A_503 = arith.minimumf %parallel_loop3A_502, %broadcast_in_dim3A_109 : vector<16xf32>
        %parallel_loop3A_504 = arith.fptosi %parallel_loop3A_503 : vector<16xf32> to vector<16xi32>
        %parallel_loop3A_505 = tpu.vector_load_idx %arg10[%parallel_loop3A_504] : memref<240xf32, #tpu.memory_space<vmem>>[vector<16xi32>], vector<16xf32>,
        %parallel_loop3A_506 = tpu.vector_load_idx %arg11[%parallel_loop3A_504] : memref<240xf32, #tpu.memory_space<vmem>>[vector<16xi32>], vector<16xf32>,
        %parallel_loop3A_507 = arith.mulf %parallel_loop3A_497, %parallel_loop3A_505 : vector<16xf32>
        %parallel_loop3A_508 = arith.addf %parallel_loop3A_507, %parallel_loop3A_506 : vector<16xf32>
        %parallel_loop3A_509 = arith.index_cast %parallel_loop3A_188 : i32 to index
        %parallel_loop3A_510 = arith.constant 288 : index
        %parallel_loop3A_511 = tpu.vector_load %arg8[%parallel_loop3A_509, %parallel_loop3A_510] {strides = array<i32>} : memref<64x384xf32, #tpu.memory_space<vmem>>, vector<16xf32>,
        tpu.vector_store %arg8[%parallel_loop3A_509, %parallel_loop3A_510], %parallel_loop3A_508 {strides = array<i32>} : memref<64x384xf32, #tpu.memory_space<vmem>>, vector<16xf32>,
        %parallel_loop3A_512 = arith.index_cast %parallel_loop3A_188 : i32 to index
        %parallel_loop3A_513 = arith.constant 304 : index
        %parallel_loop3A_514 = tpu.vector_load %arg6[%parallel_loop3A_512, %parallel_loop3A_513] {strides = array<i32>} : memref<64x384xf32, #tpu.memory_space<vmem>>, vector<16xf32>,
        %parallel_loop3A_515 = arith.constant 2.000000e+01 : f32
        %parallel_loop3A_516 = vector.broadcast %parallel_loop3A_515 : f32 to vector<16xf32>
        %parallel_loop3A_517 = arith.mulf %parallel_loop3A_514, %parallel_loop3A_516 : vector<16xf32>
        %parallel_loop3A_518 = arith.addf %parallel_loop3A_517, %broadcast_in_dim3A : vector<16xf32>
        %parallel_loop3A_519 = arith.maximumf %parallel_loop3A_518, %broadcast_in_dim3A_106 : vector<16xf32>
        %parallel_loop3A_520 = arith.minimumf %parallel_loop3A_519, %broadcast_in_dim3A_109 : vector<16xf32>
        %parallel_loop3A_521 = arith.fptosi %parallel_loop3A_520 : vector<16xf32> to vector<16xi32>
        %parallel_loop3A_522 = tpu.vector_load_idx %arg10[%parallel_loop3A_521] : memref<240xf32, #tpu.memory_space<vmem>>[vector<16xi32>], vector<16xf32>,
        %parallel_loop3A_523 = tpu.vector_load_idx %arg11[%parallel_loop3A_521] : memref<240xf32, #tpu.memory_space<vmem>>[vector<16xi32>], vector<16xf32>,
        %parallel_loop3A_524 = arith.mulf %parallel_loop3A_514, %parallel_loop3A_522 : vector<16xf32>
        %parallel_loop3A_525 = arith.addf %parallel_loop3A_524, %parallel_loop3A_523 : vector<16xf32>
        %parallel_loop3A_526 = arith.index_cast %parallel_loop3A_188 : i32 to index
        %parallel_loop3A_527 = arith.constant 304 : index
        %parallel_loop3A_528 = tpu.vector_load %arg8[%parallel_loop3A_526, %parallel_loop3A_527] {strides = array<i32>} : memref<64x384xf32, #tpu.memory_space<vmem>>, vector<16xf32>,
        tpu.vector_store %arg8[%parallel_loop3A_526, %parallel_loop3A_527], %parallel_loop3A_525 {strides = array<i32>} : memref<64x384xf32, #tpu.memory_space<vmem>>, vector<16xf32>,
        %parallel_loop3A_529 = arith.index_cast %parallel_loop3A_188 : i32 to index
        %parallel_loop3A_530 = arith.constant 320 : index
        %parallel_loop3A_531 = tpu.vector_load %arg6[%parallel_loop3A_529, %parallel_loop3A_530] {strides = array<i32>} : memref<64x384xf32, #tpu.memory_space<vmem>>, vector<16xf32>,
        %parallel_loop3A_532 = arith.constant 2.000000e+01 : f32
        %parallel_loop3A_533 = vector.broadcast %parallel_loop3A_532 : f32 to vector<16xf32>
        %parallel_loop3A_534 = arith.mulf %parallel_loop3A_531, %parallel_loop3A_533 : vector<16xf32>
        %parallel_loop3A_535 = arith.addf %parallel_loop3A_534, %broadcast_in_dim3A : vector<16xf32>
        %parallel_loop3A_536 = arith.maximumf %parallel_loop3A_535, %broadcast_in_dim3A_106 : vector<16xf32>
        %parallel_loop3A_537 = arith.minimumf %parallel_loop3A_536, %broadcast_in_dim3A_109 : vector<16xf32>
        %parallel_loop3A_538 = arith.fptosi %parallel_loop3A_537 : vector<16xf32> to vector<16xi32>
        %parallel_loop3A_539 = tpu.vector_load_idx %arg10[%parallel_loop3A_538] : memref<240xf32, #tpu.memory_space<vmem>>[vector<16xi32>], vector<16xf32>,
        %parallel_loop3A_540 = tpu.vector_load_idx %arg11[%parallel_loop3A_538] : memref<240xf32, #tpu.memory_space<vmem>>[vector<16xi32>], vector<16xf32>,
        %parallel_loop3A_541 = arith.mulf %parallel_loop3A_531, %parallel_loop3A_539 : vector<16xf32>
        %parallel_loop3A_542 = arith.addf %parallel_loop3A_541, %parallel_loop3A_540 : vector<16xf32>
        %parallel_loop3A_543 = arith.index_cast %parallel_loop3A_188 : i32 to index
        %parallel_loop3A_544 = arith.constant 320 : index
        %parallel_loop3A_545 = tpu.vector_load %arg8[%parallel_loop3A_543, %parallel_loop3A_544] {strides = array<i32>} : memref<64x384xf32, #tpu.memory_space<vmem>>, vector<16xf32>,
        tpu.vector_store %arg8[%parallel_loop3A_543, %parallel_loop3A_544], %parallel_loop3A_542 {strides = array<i32>} : memref<64x384xf32, #tpu.memory_space<vmem>>, vector<16xf32>,
        %parallel_loop3A_546 = arith.index_cast %parallel_loop3A_188 : i32 to index
        %parallel_loop3A_547 = arith.constant 336 : index
        %parallel_loop3A_548 = tpu.vector_load %arg6[%parallel_loop3A_546, %parallel_loop3A_547] {strides = array<i32>} : memref<64x384xf32, #tpu.memory_space<vmem>>, vector<16xf32>,
        %parallel_loop3A_549 = arith.constant 2.000000e+01 : f32
        %parallel_loop3A_550 = vector.broadcast %parallel_loop3A_549 : f32 to vector<16xf32>
        %parallel_loop3A_551 = arith.mulf %parallel_loop3A_548, %parallel_loop3A_550 : vector<16xf32>
        %parallel_loop3A_552 = arith.addf %parallel_loop3A_551, %broadcast_in_dim3A : vector<16xf32>
        %parallel_loop3A_553 = arith.maximumf %parallel_loop3A_552, %broadcast_in_dim3A_106 : vector<16xf32>
        %parallel_loop3A_554 = arith.minimumf %parallel_loop3A_553, %broadcast_in_dim3A_109 : vector<16xf32>
        %parallel_loop3A_555 = arith.fptosi %parallel_loop3A_554 : vector<16xf32> to vector<16xi32>
        %parallel_loop3A_556 = tpu.vector_load_idx %arg10[%parallel_loop3A_555] : memref<240xf32, #tpu.memory_space<vmem>>[vector<16xi32>], vector<16xf32>,
        %parallel_loop3A_557 = tpu.vector_load_idx %arg11[%parallel_loop3A_555] : memref<240xf32, #tpu.memory_space<vmem>>[vector<16xi32>], vector<16xf32>,
        %parallel_loop3A_558 = arith.mulf %parallel_loop3A_548, %parallel_loop3A_556 : vector<16xf32>
        %parallel_loop3A_559 = arith.addf %parallel_loop3A_558, %parallel_loop3A_557 : vector<16xf32>
        %parallel_loop3A_560 = arith.index_cast %parallel_loop3A_188 : i32 to index
        %parallel_loop3A_561 = arith.constant 336 : index
        %parallel_loop3A_562 = tpu.vector_load %arg8[%parallel_loop3A_560, %parallel_loop3A_561] {strides = array<i32>} : memref<64x384xf32, #tpu.memory_space<vmem>>, vector<16xf32>,
        tpu.vector_store %arg8[%parallel_loop3A_560, %parallel_loop3A_561], %parallel_loop3A_559 {strides = array<i32>} : memref<64x384xf32, #tpu.memory_space<vmem>>, vector<16xf32>,
        %parallel_loop3A_563 = arith.index_cast %parallel_loop3A_188 : i32 to index
        %parallel_loop3A_564 = arith.constant 352 : index
        %parallel_loop3A_565 = tpu.vector_load %arg6[%parallel_loop3A_563, %parallel_loop3A_564] {strides = array<i32>} : memref<64x384xf32, #tpu.memory_space<vmem>>, vector<16xf32>,
        %parallel_loop3A_566 = arith.constant 2.000000e+01 : f32
        %parallel_loop3A_567 = vector.broadcast %parallel_loop3A_566 : f32 to vector<16xf32>
        %parallel_loop3A_568 = arith.mulf %parallel_loop3A_565, %parallel_loop3A_567 : vector<16xf32>
        %parallel_loop3A_569 = arith.addf %parallel_loop3A_568, %broadcast_in_dim3A : vector<16xf32>
        %parallel_loop3A_570 = arith.maximumf %parallel_loop3A_569, %broadcast_in_dim3A_106 : vector<16xf32>
        %parallel_loop3A_571 = arith.minimumf %parallel_loop3A_570, %broadcast_in_dim3A_109 : vector<16xf32>
        %parallel_loop3A_572 = arith.fptosi %parallel_loop3A_571 : vector<16xf32> to vector<16xi32>
        %parallel_loop3A_573 = tpu.vector_load_idx %arg10[%parallel_loop3A_572] : memref<240xf32, #tpu.memory_space<vmem>>[vector<16xi32>], vector<16xf32>,
        %parallel_loop3A_574 = tpu.vector_load_idx %arg11[%parallel_loop3A_572] : memref<240xf32, #tpu.memory_space<vmem>>[vector<16xi32>], vector<16xf32>,
        %parallel_loop3A_575 = arith.mulf %parallel_loop3A_565, %parallel_loop3A_573 : vector<16xf32>
        %parallel_loop3A_576 = arith.addf %parallel_loop3A_575, %parallel_loop3A_574 : vector<16xf32>
        %parallel_loop3A_577 = arith.index_cast %parallel_loop3A_188 : i32 to index
        %parallel_loop3A_578 = arith.constant 352 : index
        %parallel_loop3A_579 = tpu.vector_load %arg8[%parallel_loop3A_577, %parallel_loop3A_578] {strides = array<i32>} : memref<64x384xf32, #tpu.memory_space<vmem>>, vector<16xf32>,
        tpu.vector_store %arg8[%parallel_loop3A_577, %parallel_loop3A_578], %parallel_loop3A_576 {strides = array<i32>} : memref<64x384xf32, #tpu.memory_space<vmem>>, vector<16xf32>,
        %parallel_loop3A_580 = arith.index_cast %parallel_loop3A_188 : i32 to index
        %parallel_loop3A_581 = arith.constant 368 : index
        %parallel_loop3A_582 = tpu.vector_load %arg6[%parallel_loop3A_580, %parallel_loop3A_581] {strides = array<i32>} : memref<64x384xf32, #tpu.memory_space<vmem>>, vector<16xf32>,
        %parallel_loop3A_583 = arith.constant 2.000000e+01 : f32
        %parallel_loop3A_584 = vector.broadcast %parallel_loop3A_583 : f32 to vector<16xf32>
        %parallel_loop3A_585 = arith.mulf %parallel_loop3A_582, %parallel_loop3A_584 : vector<16xf32>
        %parallel_loop3A_586 = arith.addf %parallel_loop3A_585, %broadcast_in_dim3A : vector<16xf32>
        %parallel_loop3A_587 = arith.maximumf %parallel_loop3A_586, %broadcast_in_dim3A_106 : vector<16xf32>
        %parallel_loop3A_588 = arith.minimumf %parallel_loop3A_587, %broadcast_in_dim3A_109 : vector<16xf32>
        %parallel_loop3A_589 = arith.fptosi %parallel_loop3A_588 : vector<16xf32> to vector<16xi32>
        %parallel_loop3A_590 = tpu.vector_load_idx %arg10[%parallel_loop3A_589] : memref<240xf32, #tpu.memory_space<vmem>>[vector<16xi32>], vector<16xf32>,
        %parallel_loop3A_591 = tpu.vector_load_idx %arg11[%parallel_loop3A_589] : memref<240xf32, #tpu.memory_space<vmem>>[vector<16xi32>], vector<16xf32>,
        %parallel_loop3A_592 = arith.mulf %parallel_loop3A_582, %parallel_loop3A_590 : vector<16xf32>
        %parallel_loop3A_593 = arith.addf %parallel_loop3A_592, %parallel_loop3A_591 : vector<16xf32>
        %parallel_loop3A_594 = arith.index_cast %parallel_loop3A_188 : i32 to index
        %parallel_loop3A_595 = arith.constant 368 : index
        %parallel_loop3A_596 = tpu.vector_load %arg8[%parallel_loop3A_594, %parallel_loop3A_595] {strides = array<i32>} : memref<64x384xf32, #tpu.memory_space<vmem>>, vector<16xf32>,
        tpu.vector_store %arg8[%parallel_loop3A_594, %parallel_loop3A_595], %parallel_loop3A_593 {strides = array<i32>} : memref<64x384xf32, #tpu.memory_space<vmem>>, vector<16xf32>,
      } {sc.loop_unroll_factor = 1 : i64, sc.parallel_access}
      %div3A_112 = arith.constant 6 : i32
      %div3A_113 = arith.divsi %add3A_81, %div3A_112 : i32
      %add3A_114 = arith.addi %mul3A_2, %div3A_113 : i32
      %rem3A_115 = arith.constant 6 : i32
      %rem3A_116 = arith.remsi %add3A_81, %rem3A_115 : i32
      %mul3A_117 = arith.constant 64 : i32
      %mul3A_118 = arith.muli %rem3A_116, %mul3A_117 : i32
      %dma_start3A_119 = tpu.memref_reshape %arg5 : memref<2x96x384x384xf32, #tpu.memory_space<hbm>> -> memref<192x384x384xf32, #tpu.memory_space<hbm>>
      %dma_start3A_120 = arith.constant 0 : i32
      %dma_start3A_121 = tpu.memref_slice %dma_start3A_119[%add3A_114, %mul3A_118, %dma_start3A_120] : memref<192x384x384xf32, #tpu.memory_space<hbm>> -> memref<1x64x384xf32, #tpu.memory_space<hbm>>
      %dma_start3A_122 = tpu.memref_squeeze %dma_start3A_121 : memref<1x64x384xf32, #tpu.memory_space<hbm>> -> memref<64x384xf32, #tpu.memory_space<hbm>>
      %dma_start3A_123 = tpu.memref_reshape %arg5 : memref<2x96x384x384xf32, #tpu.memory_space<hbm>> -> memref<192x384x384xf32, #tpu.memory_space<hbm>>
      %dma_start3A_124 = arith.constant 0 : i32
      %dma_start3A_125 = tpu.memref_slice %dma_start3A_123[%add3A_114, %mul3A_118, %dma_start3A_124] : memref<192x384x384xf32, #tpu.memory_space<hbm>> -> memref<1x64x384xf32, #tpu.memory_space<hbm>>
      %dma_start3A_126 = tpu.memref_squeeze %dma_start3A_125 : memref<1x64x384xf32, #tpu.memory_space<hbm>> -> memref<64x384xf32, #tpu.memory_space<hbm>>
      tpu.enqueue_dma source(%arg8 : memref<64x384xf32, #tpu.memory_space<vmem>>) target(%dma_start3A_126 : memref<64x384xf32, #tpu.memory_space<hbm>>) target_semaphore(%arg14 : memref<!tpu.dma_semaphore, #tpu.memory_space<semaphore_mem>>)
      %lt3A = arith.constant 34 : i32
      %lt3A_127 = arith.cmpi slt, %add3A_81, %lt3A : i32
      %convert_element_type3A_128 = arith.extui %lt3A_127 : i1 to i32
      %cond3A_129 = arith.constant 0 : i32
      %cond3A_130 = arith.cmpi ne, %convert_element_type3A_128, %cond3A_129 : i32
      scf.if %cond3A_130 {
        %add3A_188 = arith.constant 2 : i32
        %add3A_189 = arith.addi %add3A_81, %add3A_188 : i32
        %div3A_190 = arith.constant 6 : i32
        %div3A_191 = arith.divsi %add3A_189, %div3A_190 : i32
        %add3A_192 = arith.addi %mul3A_2, %div3A_191 : i32
        %rem3A_193 = arith.constant 6 : i32
        %rem3A_194 = arith.remsi %add3A_189, %rem3A_193 : i32
        %mul3A_195 = arith.constant 64 : i32
        %mul3A_196 = arith.muli %rem3A_194, %mul3A_195 : i32
        %dma_start3A_197 = tpu.memref_reshape %arg2 : memref<2x96x384x384xf32, #tpu.memory_space<hbm>> -> memref<192x384x384xf32, #tpu.memory_space<hbm>>
        %dma_start3A_198 = arith.constant 0 : i32
        %dma_start3A_199 = tpu.memref_slice %dma_start3A_197[%add3A_192, %mul3A_196, %dma_start3A_198] : memref<192x384x384xf32, #tpu.memory_space<hbm>> -> memref<1x64x384xf32, #tpu.memory_space<hbm>>
        %dma_start3A_200 = tpu.memref_squeeze %dma_start3A_199 : memref<1x64x384xf32, #tpu.memory_space<hbm>> -> memref<64x384xf32, #tpu.memory_space<hbm>>
        %dma_start3A_201 = tpu.memref_reshape %arg2 : memref<2x96x384x384xf32, #tpu.memory_space<hbm>> -> memref<192x384x384xf32, #tpu.memory_space<hbm>>
        %dma_start3A_202 = arith.constant 0 : i32
        %dma_start3A_203 = tpu.memref_slice %dma_start3A_201[%add3A_192, %mul3A_196, %dma_start3A_202] : memref<192x384x384xf32, #tpu.memory_space<hbm>> -> memref<1x64x384xf32, #tpu.memory_space<hbm>>
        %dma_start3A_204 = tpu.memref_squeeze %dma_start3A_203 : memref<1x64x384xf32, #tpu.memory_space<hbm>> -> memref<64x384xf32, #tpu.memory_space<hbm>>
        tpu.enqueue_dma source(%dma_start3A_204 : memref<64x384xf32, #tpu.memory_space<hbm>>) target(%arg6 : memref<64x384xf32, #tpu.memory_space<vmem>>) target_semaphore(%arg12 : memref<!tpu.dma_semaphore, #tpu.memory_space<semaphore_mem>>)
      } else {
      }
      %add3A_131 = arith.constant 1 : i32
      %add3A_132 = arith.addi %add3A_79, %add3A_131 : i32
      %div3A_133 = arith.constant 6 : i32
      %div3A_134 = arith.divsi %add3A_132, %div3A_133 : i32
      %add3A_135 = arith.addi %mul3A_2, %div3A_134 : i32
      %rem3A_136 = arith.constant 6 : i32
      %rem3A_137 = arith.remsi %add3A_132, %rem3A_136 : i32
      %mul3A_138 = arith.constant 64 : i32
      %mul3A_139 = arith.muli %rem3A_137, %mul3A_138 : i32
      %dma_wait3A_140 = tpu.memref_reshape %arg2 : memref<2x96x384x384xf32, #tpu.memory_space<hbm>> -> memref<192x384x384xf32, #tpu.memory_space<hbm>>
      %dma_wait3A_141 = arith.constant 0 : i32
      %dma_wait3A_142 = tpu.memref_slice %dma_wait3A_140[%add3A_135, %mul3A_139, %dma_wait3A_141] : memref<192x384x384xf32, #tpu.memory_space<hbm>> -> memref<1x64x384xf32, #tpu.memory_space<hbm>>
      %dma_wait3A_143 = tpu.memref_squeeze %dma_wait3A_142 : memref<1x64x384xf32, #tpu.memory_space<hbm>> -> memref<64x384xf32, #tpu.memory_space<hbm>>
      %dma_wait3A_144 = tpu.memref_reshape %arg2 : memref<2x96x384x384xf32, #tpu.memory_space<hbm>> -> memref<192x384x384xf32, #tpu.memory_space<hbm>>
      %dma_wait3A_145 = arith.constant 0 : i32
      %dma_wait3A_146 = tpu.memref_slice %dma_wait3A_144[%add3A_135, %mul3A_139, %dma_wait3A_145] : memref<192x384x384xf32, #tpu.memory_space<hbm>> -> memref<1x64x384xf32, #tpu.memory_space<hbm>>
      %dma_wait3A_147 = tpu.memref_squeeze %dma_wait3A_146 : memref<1x64x384xf32, #tpu.memory_space<hbm>> -> memref<64x384xf32, #tpu.memory_space<hbm>>
      tpu.wait_dma2 semaphore(%arg13 : memref<!tpu.dma_semaphore, #tpu.memory_space<semaphore_mem>>) src(%dma_wait3A_147 : memref<64x384xf32, #tpu.memory_space<hbm>>) dst(%arg7 : memref<64x384xf32, #tpu.memory_space<vmem>>)
      %gt3A_148 = arith.constant 0 : i32
      %gt3A_149 = arith.cmpi sgt, %add3A_79, %gt3A_148 : i32
      %convert_element_type3A_150 = arith.extui %gt3A_149 : i1 to i32
      %cond3A_151 = arith.constant 0 : i32
      %cond3A_152 = arith.cmpi ne, %convert_element_type3A_150, %cond3A_151 : i32
      scf.if %cond3A_152 {
        %div3A_188 = arith.constant 6 : i32
        %div3A_189 = arith.divsi %add3A_132, %div3A_188 : i32
        %add3A_190 = arith.addi %mul3A_2, %div3A_189 : i32
        %rem3A_191 = arith.constant 6 : i32
        %rem3A_192 = arith.remsi %add3A_132, %rem3A_191 : i32
        %mul3A_193 = arith.constant 64 : i32
        %mul3A_194 = arith.muli %rem3A_192, %mul3A_193 : i32
        %dma_wait3A_195 = tpu.memref_reshape %arg5 : memref<2x96x384x384xf32, #tpu.memory_space<hbm>> -> memref<192x384x384xf32, #tpu.memory_space<hbm>>
        %dma_wait3A_196 = arith.constant 0 : i32
        %dma_wait3A_197 = tpu.memref_slice %dma_wait3A_195[%add3A_190, %mul3A_194, %dma_wait3A_196] : memref<192x384x384xf32, #tpu.memory_space<hbm>> -> memref<1x64x384xf32, #tpu.memory_space<hbm>>
        %dma_wait3A_198 = tpu.memref_squeeze %dma_wait3A_197 : memref<1x64x384xf32, #tpu.memory_space<hbm>> -> memref<64x384xf32, #tpu.memory_space<hbm>>
        %dma_wait3A_199 = tpu.memref_reshape %arg5 : memref<2x96x384x384xf32, #tpu.memory_space<hbm>> -> memref<192x384x384xf32, #tpu.memory_space<hbm>>
        %dma_wait3A_200 = arith.constant 0 : i32
        %dma_wait3A_201 = tpu.memref_slice %dma_wait3A_199[%add3A_190, %mul3A_194, %dma_wait3A_200] : memref<192x384x384xf32, #tpu.memory_space<hbm>> -> memref<1x64x384xf32, #tpu.memory_space<hbm>>
        %dma_wait3A_202 = tpu.memref_squeeze %dma_wait3A_201 : memref<1x64x384xf32, #tpu.memory_space<hbm>> -> memref<64x384xf32, #tpu.memory_space<hbm>>
        tpu.wait_dma2 semaphore(%arg15 : memref<!tpu.dma_semaphore, #tpu.memory_space<semaphore_mem>>) src(%arg9 : memref<64x384xf32, #tpu.memory_space<vmem>>) dst(%dma_wait3A_202 : memref<64x384xf32, #tpu.memory_space<hbm>>)
      } else {
      }
      %div3A_153 = arith.constant 6 : i32
      %div3A_154 = arith.divsi %add3A_132, %div3A_153 : i32
      %mul3A_155 = arith.constant 40 : i32
      %mul3A_156 = arith.muli %div3A_154, %mul3A_155 : i32
      %convert_element_type3A_157 = arith.sitofp %mul3A_156 : i32 to f32
      %add3A_158 = arith.constant 2.000000e+01 : f32
      %add3A_159 = arith.addf %convert_element_type3A_157, %add3A_158 : f32
      %broadcast_in_dim3A_160 = vector.broadcast %add3A_159 : f32 to vector<16xf32>
      %broadcast_in_dim3A_161 = vector.broadcast %convert_element_type3A_157 : f32 to vector<16xf32>
      %add3A_162 = arith.constant 3.900000e+01 : f32
      %add3A_163 = arith.addf %convert_element_type3A_157, %add3A_162 : f32
      %broadcast_in_dim3A_164 = vector.broadcast %add3A_163 : f32 to vector<16xf32>
      %parallel_loop3A_165 = arith.constant 0 : i32
      %parallel_loop3A_166 = arith.constant 64 : i32
      %parallel_loop3A_167 = arith.constant 1 : i32
      scf.for %parallel_loop3A_188 = %parallel_loop3A_165 to %parallel_loop3A_166 step %parallel_loop3A_167  : i32 {
        %parallel_loop3A_189 = arith.index_cast %parallel_loop3A_188 : i32 to index
        %parallel_loop3A_190 = arith.constant 0 : index
        %parallel_loop3A_191 = tpu.vector_load %arg7[%parallel_loop3A_189, %parallel_loop3A_190] {strides = array<i32>} : memref<64x384xf32, #tpu.memory_space<vmem>>, vector<16xf32>,
        %parallel_loop3A_192 = arith.constant 2.000000e+01 : f32
        %parallel_loop3A_193 = vector.broadcast %parallel_loop3A_192 : f32 to vector<16xf32>
        %parallel_loop3A_194 = arith.mulf %parallel_loop3A_191, %parallel_loop3A_193 : vector<16xf32>
        %parallel_loop3A_195 = arith.addf %parallel_loop3A_194, %broadcast_in_dim3A_160 : vector<16xf32>
        %parallel_loop3A_196 = arith.maximumf %parallel_loop3A_195, %broadcast_in_dim3A_161 : vector<16xf32>
        %parallel_loop3A_197 = arith.minimumf %parallel_loop3A_196, %broadcast_in_dim3A_164 : vector<16xf32>
        %parallel_loop3A_198 = arith.fptosi %parallel_loop3A_197 : vector<16xf32> to vector<16xi32>
        %parallel_loop3A_199 = tpu.vector_load_idx %arg10[%parallel_loop3A_198] : memref<240xf32, #tpu.memory_space<vmem>>[vector<16xi32>], vector<16xf32>,
        %parallel_loop3A_200 = tpu.vector_load_idx %arg11[%parallel_loop3A_198] : memref<240xf32, #tpu.memory_space<vmem>>[vector<16xi32>], vector<16xf32>,
        %parallel_loop3A_201 = arith.mulf %parallel_loop3A_191, %parallel_loop3A_199 : vector<16xf32>
        %parallel_loop3A_202 = arith.addf %parallel_loop3A_201, %parallel_loop3A_200 : vector<16xf32>
        %parallel_loop3A_203 = arith.index_cast %parallel_loop3A_188 : i32 to index
        %parallel_loop3A_204 = arith.constant 0 : index
        %parallel_loop3A_205 = tpu.vector_load %arg9[%parallel_loop3A_203, %parallel_loop3A_204] {strides = array<i32>} : memref<64x384xf32, #tpu.memory_space<vmem>>, vector<16xf32>,
        tpu.vector_store %arg9[%parallel_loop3A_203, %parallel_loop3A_204], %parallel_loop3A_202 {strides = array<i32>} : memref<64x384xf32, #tpu.memory_space<vmem>>, vector<16xf32>,
        %parallel_loop3A_206 = arith.index_cast %parallel_loop3A_188 : i32 to index
        %parallel_loop3A_207 = arith.constant 16 : index
        %parallel_loop3A_208 = tpu.vector_load %arg7[%parallel_loop3A_206, %parallel_loop3A_207] {strides = array<i32>} : memref<64x384xf32, #tpu.memory_space<vmem>>, vector<16xf32>,
        %parallel_loop3A_209 = arith.constant 2.000000e+01 : f32
        %parallel_loop3A_210 = vector.broadcast %parallel_loop3A_209 : f32 to vector<16xf32>
        %parallel_loop3A_211 = arith.mulf %parallel_loop3A_208, %parallel_loop3A_210 : vector<16xf32>
        %parallel_loop3A_212 = arith.addf %parallel_loop3A_211, %broadcast_in_dim3A_160 : vector<16xf32>
        %parallel_loop3A_213 = arith.maximumf %parallel_loop3A_212, %broadcast_in_dim3A_161 : vector<16xf32>
        %parallel_loop3A_214 = arith.minimumf %parallel_loop3A_213, %broadcast_in_dim3A_164 : vector<16xf32>
        %parallel_loop3A_215 = arith.fptosi %parallel_loop3A_214 : vector<16xf32> to vector<16xi32>
        %parallel_loop3A_216 = tpu.vector_load_idx %arg10[%parallel_loop3A_215] : memref<240xf32, #tpu.memory_space<vmem>>[vector<16xi32>], vector<16xf32>,
        %parallel_loop3A_217 = tpu.vector_load_idx %arg11[%parallel_loop3A_215] : memref<240xf32, #tpu.memory_space<vmem>>[vector<16xi32>], vector<16xf32>,
        %parallel_loop3A_218 = arith.mulf %parallel_loop3A_208, %parallel_loop3A_216 : vector<16xf32>
        %parallel_loop3A_219 = arith.addf %parallel_loop3A_218, %parallel_loop3A_217 : vector<16xf32>
        %parallel_loop3A_220 = arith.index_cast %parallel_loop3A_188 : i32 to index
        %parallel_loop3A_221 = arith.constant 16 : index
        %parallel_loop3A_222 = tpu.vector_load %arg9[%parallel_loop3A_220, %parallel_loop3A_221] {strides = array<i32>} : memref<64x384xf32, #tpu.memory_space<vmem>>, vector<16xf32>,
        tpu.vector_store %arg9[%parallel_loop3A_220, %parallel_loop3A_221], %parallel_loop3A_219 {strides = array<i32>} : memref<64x384xf32, #tpu.memory_space<vmem>>, vector<16xf32>,
        %parallel_loop3A_223 = arith.index_cast %parallel_loop3A_188 : i32 to index
        %parallel_loop3A_224 = arith.constant 32 : index
        %parallel_loop3A_225 = tpu.vector_load %arg7[%parallel_loop3A_223, %parallel_loop3A_224] {strides = array<i32>} : memref<64x384xf32, #tpu.memory_space<vmem>>, vector<16xf32>,
        %parallel_loop3A_226 = arith.constant 2.000000e+01 : f32
        %parallel_loop3A_227 = vector.broadcast %parallel_loop3A_226 : f32 to vector<16xf32>
        %parallel_loop3A_228 = arith.mulf %parallel_loop3A_225, %parallel_loop3A_227 : vector<16xf32>
        %parallel_loop3A_229 = arith.addf %parallel_loop3A_228, %broadcast_in_dim3A_160 : vector<16xf32>
        %parallel_loop3A_230 = arith.maximumf %parallel_loop3A_229, %broadcast_in_dim3A_161 : vector<16xf32>
        %parallel_loop3A_231 = arith.minimumf %parallel_loop3A_230, %broadcast_in_dim3A_164 : vector<16xf32>
        %parallel_loop3A_232 = arith.fptosi %parallel_loop3A_231 : vector<16xf32> to vector<16xi32>
        %parallel_loop3A_233 = tpu.vector_load_idx %arg10[%parallel_loop3A_232] : memref<240xf32, #tpu.memory_space<vmem>>[vector<16xi32>], vector<16xf32>,
        %parallel_loop3A_234 = tpu.vector_load_idx %arg11[%parallel_loop3A_232] : memref<240xf32, #tpu.memory_space<vmem>>[vector<16xi32>], vector<16xf32>,
        %parallel_loop3A_235 = arith.mulf %parallel_loop3A_225, %parallel_loop3A_233 : vector<16xf32>
        %parallel_loop3A_236 = arith.addf %parallel_loop3A_235, %parallel_loop3A_234 : vector<16xf32>
        %parallel_loop3A_237 = arith.index_cast %parallel_loop3A_188 : i32 to index
        %parallel_loop3A_238 = arith.constant 32 : index
        %parallel_loop3A_239 = tpu.vector_load %arg9[%parallel_loop3A_237, %parallel_loop3A_238] {strides = array<i32>} : memref<64x384xf32, #tpu.memory_space<vmem>>, vector<16xf32>,
        tpu.vector_store %arg9[%parallel_loop3A_237, %parallel_loop3A_238], %parallel_loop3A_236 {strides = array<i32>} : memref<64x384xf32, #tpu.memory_space<vmem>>, vector<16xf32>,
        %parallel_loop3A_240 = arith.index_cast %parallel_loop3A_188 : i32 to index
        %parallel_loop3A_241 = arith.constant 48 : index
        %parallel_loop3A_242 = tpu.vector_load %arg7[%parallel_loop3A_240, %parallel_loop3A_241] {strides = array<i32>} : memref<64x384xf32, #tpu.memory_space<vmem>>, vector<16xf32>,
        %parallel_loop3A_243 = arith.constant 2.000000e+01 : f32
        %parallel_loop3A_244 = vector.broadcast %parallel_loop3A_243 : f32 to vector<16xf32>
        %parallel_loop3A_245 = arith.mulf %parallel_loop3A_242, %parallel_loop3A_244 : vector<16xf32>
        %parallel_loop3A_246 = arith.addf %parallel_loop3A_245, %broadcast_in_dim3A_160 : vector<16xf32>
        %parallel_loop3A_247 = arith.maximumf %parallel_loop3A_246, %broadcast_in_dim3A_161 : vector<16xf32>
        %parallel_loop3A_248 = arith.minimumf %parallel_loop3A_247, %broadcast_in_dim3A_164 : vector<16xf32>
        %parallel_loop3A_249 = arith.fptosi %parallel_loop3A_248 : vector<16xf32> to vector<16xi32>
        %parallel_loop3A_250 = tpu.vector_load_idx %arg10[%parallel_loop3A_249] : memref<240xf32, #tpu.memory_space<vmem>>[vector<16xi32>], vector<16xf32>,
        %parallel_loop3A_251 = tpu.vector_load_idx %arg11[%parallel_loop3A_249] : memref<240xf32, #tpu.memory_space<vmem>>[vector<16xi32>], vector<16xf32>,
        %parallel_loop3A_252 = arith.mulf %parallel_loop3A_242, %parallel_loop3A_250 : vector<16xf32>
        %parallel_loop3A_253 = arith.addf %parallel_loop3A_252, %parallel_loop3A_251 : vector<16xf32>
        %parallel_loop3A_254 = arith.index_cast %parallel_loop3A_188 : i32 to index
        %parallel_loop3A_255 = arith.constant 48 : index
        %parallel_loop3A_256 = tpu.vector_load %arg9[%parallel_loop3A_254, %parallel_loop3A_255] {strides = array<i32>} : memref<64x384xf32, #tpu.memory_space<vmem>>, vector<16xf32>,
        tpu.vector_store %arg9[%parallel_loop3A_254, %parallel_loop3A_255], %parallel_loop3A_253 {strides = array<i32>} : memref<64x384xf32, #tpu.memory_space<vmem>>, vector<16xf32>,
        %parallel_loop3A_257 = arith.index_cast %parallel_loop3A_188 : i32 to index
        %parallel_loop3A_258 = arith.constant 64 : index
        %parallel_loop3A_259 = tpu.vector_load %arg7[%parallel_loop3A_257, %parallel_loop3A_258] {strides = array<i32>} : memref<64x384xf32, #tpu.memory_space<vmem>>, vector<16xf32>,
        %parallel_loop3A_260 = arith.constant 2.000000e+01 : f32
        %parallel_loop3A_261 = vector.broadcast %parallel_loop3A_260 : f32 to vector<16xf32>
        %parallel_loop3A_262 = arith.mulf %parallel_loop3A_259, %parallel_loop3A_261 : vector<16xf32>
        %parallel_loop3A_263 = arith.addf %parallel_loop3A_262, %broadcast_in_dim3A_160 : vector<16xf32>
        %parallel_loop3A_264 = arith.maximumf %parallel_loop3A_263, %broadcast_in_dim3A_161 : vector<16xf32>
        %parallel_loop3A_265 = arith.minimumf %parallel_loop3A_264, %broadcast_in_dim3A_164 : vector<16xf32>
        %parallel_loop3A_266 = arith.fptosi %parallel_loop3A_265 : vector<16xf32> to vector<16xi32>
        %parallel_loop3A_267 = tpu.vector_load_idx %arg10[%parallel_loop3A_266] : memref<240xf32, #tpu.memory_space<vmem>>[vector<16xi32>], vector<16xf32>,
        %parallel_loop3A_268 = tpu.vector_load_idx %arg11[%parallel_loop3A_266] : memref<240xf32, #tpu.memory_space<vmem>>[vector<16xi32>], vector<16xf32>,
        %parallel_loop3A_269 = arith.mulf %parallel_loop3A_259, %parallel_loop3A_267 : vector<16xf32>
        %parallel_loop3A_270 = arith.addf %parallel_loop3A_269, %parallel_loop3A_268 : vector<16xf32>
        %parallel_loop3A_271 = arith.index_cast %parallel_loop3A_188 : i32 to index
        %parallel_loop3A_272 = arith.constant 64 : index
        %parallel_loop3A_273 = tpu.vector_load %arg9[%parallel_loop3A_271, %parallel_loop3A_272] {strides = array<i32>} : memref<64x384xf32, #tpu.memory_space<vmem>>, vector<16xf32>,
        tpu.vector_store %arg9[%parallel_loop3A_271, %parallel_loop3A_272], %parallel_loop3A_270 {strides = array<i32>} : memref<64x384xf32, #tpu.memory_space<vmem>>, vector<16xf32>,
        %parallel_loop3A_274 = arith.index_cast %parallel_loop3A_188 : i32 to index
        %parallel_loop3A_275 = arith.constant 80 : index
        %parallel_loop3A_276 = tpu.vector_load %arg7[%parallel_loop3A_274, %parallel_loop3A_275] {strides = array<i32>} : memref<64x384xf32, #tpu.memory_space<vmem>>, vector<16xf32>,
        %parallel_loop3A_277 = arith.constant 2.000000e+01 : f32
        %parallel_loop3A_278 = vector.broadcast %parallel_loop3A_277 : f32 to vector<16xf32>
        %parallel_loop3A_279 = arith.mulf %parallel_loop3A_276, %parallel_loop3A_278 : vector<16xf32>
        %parallel_loop3A_280 = arith.addf %parallel_loop3A_279, %broadcast_in_dim3A_160 : vector<16xf32>
        %parallel_loop3A_281 = arith.maximumf %parallel_loop3A_280, %broadcast_in_dim3A_161 : vector<16xf32>
        %parallel_loop3A_282 = arith.minimumf %parallel_loop3A_281, %broadcast_in_dim3A_164 : vector<16xf32>
        %parallel_loop3A_283 = arith.fptosi %parallel_loop3A_282 : vector<16xf32> to vector<16xi32>
        %parallel_loop3A_284 = tpu.vector_load_idx %arg10[%parallel_loop3A_283] : memref<240xf32, #tpu.memory_space<vmem>>[vector<16xi32>], vector<16xf32>,
        %parallel_loop3A_285 = tpu.vector_load_idx %arg11[%parallel_loop3A_283] : memref<240xf32, #tpu.memory_space<vmem>>[vector<16xi32>], vector<16xf32>,
        %parallel_loop3A_286 = arith.mulf %parallel_loop3A_276, %parallel_loop3A_284 : vector<16xf32>
        %parallel_loop3A_287 = arith.addf %parallel_loop3A_286, %parallel_loop3A_285 : vector<16xf32>
        %parallel_loop3A_288 = arith.index_cast %parallel_loop3A_188 : i32 to index
        %parallel_loop3A_289 = arith.constant 80 : index
        %parallel_loop3A_290 = tpu.vector_load %arg9[%parallel_loop3A_288, %parallel_loop3A_289] {strides = array<i32>} : memref<64x384xf32, #tpu.memory_space<vmem>>, vector<16xf32>,
        tpu.vector_store %arg9[%parallel_loop3A_288, %parallel_loop3A_289], %parallel_loop3A_287 {strides = array<i32>} : memref<64x384xf32, #tpu.memory_space<vmem>>, vector<16xf32>,
        %parallel_loop3A_291 = arith.index_cast %parallel_loop3A_188 : i32 to index
        %parallel_loop3A_292 = arith.constant 96 : index
        %parallel_loop3A_293 = tpu.vector_load %arg7[%parallel_loop3A_291, %parallel_loop3A_292] {strides = array<i32>} : memref<64x384xf32, #tpu.memory_space<vmem>>, vector<16xf32>,
        %parallel_loop3A_294 = arith.constant 2.000000e+01 : f32
        %parallel_loop3A_295 = vector.broadcast %parallel_loop3A_294 : f32 to vector<16xf32>
        %parallel_loop3A_296 = arith.mulf %parallel_loop3A_293, %parallel_loop3A_295 : vector<16xf32>
        %parallel_loop3A_297 = arith.addf %parallel_loop3A_296, %broadcast_in_dim3A_160 : vector<16xf32>
        %parallel_loop3A_298 = arith.maximumf %parallel_loop3A_297, %broadcast_in_dim3A_161 : vector<16xf32>
        %parallel_loop3A_299 = arith.minimumf %parallel_loop3A_298, %broadcast_in_dim3A_164 : vector<16xf32>
        %parallel_loop3A_300 = arith.fptosi %parallel_loop3A_299 : vector<16xf32> to vector<16xi32>
        %parallel_loop3A_301 = tpu.vector_load_idx %arg10[%parallel_loop3A_300] : memref<240xf32, #tpu.memory_space<vmem>>[vector<16xi32>], vector<16xf32>,
        %parallel_loop3A_302 = tpu.vector_load_idx %arg11[%parallel_loop3A_300] : memref<240xf32, #tpu.memory_space<vmem>>[vector<16xi32>], vector<16xf32>,
        %parallel_loop3A_303 = arith.mulf %parallel_loop3A_293, %parallel_loop3A_301 : vector<16xf32>
        %parallel_loop3A_304 = arith.addf %parallel_loop3A_303, %parallel_loop3A_302 : vector<16xf32>
        %parallel_loop3A_305 = arith.index_cast %parallel_loop3A_188 : i32 to index
        %parallel_loop3A_306 = arith.constant 96 : index
        %parallel_loop3A_307 = tpu.vector_load %arg9[%parallel_loop3A_305, %parallel_loop3A_306] {strides = array<i32>} : memref<64x384xf32, #tpu.memory_space<vmem>>, vector<16xf32>,
        tpu.vector_store %arg9[%parallel_loop3A_305, %parallel_loop3A_306], %parallel_loop3A_304 {strides = array<i32>} : memref<64x384xf32, #tpu.memory_space<vmem>>, vector<16xf32>,
        %parallel_loop3A_308 = arith.index_cast %parallel_loop3A_188 : i32 to index
        %parallel_loop3A_309 = arith.constant 112 : index
        %parallel_loop3A_310 = tpu.vector_load %arg7[%parallel_loop3A_308, %parallel_loop3A_309] {strides = array<i32>} : memref<64x384xf32, #tpu.memory_space<vmem>>, vector<16xf32>,
        %parallel_loop3A_311 = arith.constant 2.000000e+01 : f32
        %parallel_loop3A_312 = vector.broadcast %parallel_loop3A_311 : f32 to vector<16xf32>
        %parallel_loop3A_313 = arith.mulf %parallel_loop3A_310, %parallel_loop3A_312 : vector<16xf32>
        %parallel_loop3A_314 = arith.addf %parallel_loop3A_313, %broadcast_in_dim3A_160 : vector<16xf32>
        %parallel_loop3A_315 = arith.maximumf %parallel_loop3A_314, %broadcast_in_dim3A_161 : vector<16xf32>
        %parallel_loop3A_316 = arith.minimumf %parallel_loop3A_315, %broadcast_in_dim3A_164 : vector<16xf32>
        %parallel_loop3A_317 = arith.fptosi %parallel_loop3A_316 : vector<16xf32> to vector<16xi32>
        %parallel_loop3A_318 = tpu.vector_load_idx %arg10[%parallel_loop3A_317] : memref<240xf32, #tpu.memory_space<vmem>>[vector<16xi32>], vector<16xf32>,
        %parallel_loop3A_319 = tpu.vector_load_idx %arg11[%parallel_loop3A_317] : memref<240xf32, #tpu.memory_space<vmem>>[vector<16xi32>], vector<16xf32>,
        %parallel_loop3A_320 = arith.mulf %parallel_loop3A_310, %parallel_loop3A_318 : vector<16xf32>
        %parallel_loop3A_321 = arith.addf %parallel_loop3A_320, %parallel_loop3A_319 : vector<16xf32>
        %parallel_loop3A_322 = arith.index_cast %parallel_loop3A_188 : i32 to index
        %parallel_loop3A_323 = arith.constant 112 : index
        %parallel_loop3A_324 = tpu.vector_load %arg9[%parallel_loop3A_322, %parallel_loop3A_323] {strides = array<i32>} : memref<64x384xf32, #tpu.memory_space<vmem>>, vector<16xf32>,
        tpu.vector_store %arg9[%parallel_loop3A_322, %parallel_loop3A_323], %parallel_loop3A_321 {strides = array<i32>} : memref<64x384xf32, #tpu.memory_space<vmem>>, vector<16xf32>,
        %parallel_loop3A_325 = arith.index_cast %parallel_loop3A_188 : i32 to index
        %parallel_loop3A_326 = arith.constant 128 : index
        %parallel_loop3A_327 = tpu.vector_load %arg7[%parallel_loop3A_325, %parallel_loop3A_326] {strides = array<i32>} : memref<64x384xf32, #tpu.memory_space<vmem>>, vector<16xf32>,
        %parallel_loop3A_328 = arith.constant 2.000000e+01 : f32
        %parallel_loop3A_329 = vector.broadcast %parallel_loop3A_328 : f32 to vector<16xf32>
        %parallel_loop3A_330 = arith.mulf %parallel_loop3A_327, %parallel_loop3A_329 : vector<16xf32>
        %parallel_loop3A_331 = arith.addf %parallel_loop3A_330, %broadcast_in_dim3A_160 : vector<16xf32>
        %parallel_loop3A_332 = arith.maximumf %parallel_loop3A_331, %broadcast_in_dim3A_161 : vector<16xf32>
        %parallel_loop3A_333 = arith.minimumf %parallel_loop3A_332, %broadcast_in_dim3A_164 : vector<16xf32>
        %parallel_loop3A_334 = arith.fptosi %parallel_loop3A_333 : vector<16xf32> to vector<16xi32>
        %parallel_loop3A_335 = tpu.vector_load_idx %arg10[%parallel_loop3A_334] : memref<240xf32, #tpu.memory_space<vmem>>[vector<16xi32>], vector<16xf32>,
        %parallel_loop3A_336 = tpu.vector_load_idx %arg11[%parallel_loop3A_334] : memref<240xf32, #tpu.memory_space<vmem>>[vector<16xi32>], vector<16xf32>,
        %parallel_loop3A_337 = arith.mulf %parallel_loop3A_327, %parallel_loop3A_335 : vector<16xf32>
        %parallel_loop3A_338 = arith.addf %parallel_loop3A_337, %parallel_loop3A_336 : vector<16xf32>
        %parallel_loop3A_339 = arith.index_cast %parallel_loop3A_188 : i32 to index
        %parallel_loop3A_340 = arith.constant 128 : index
        %parallel_loop3A_341 = tpu.vector_load %arg9[%parallel_loop3A_339, %parallel_loop3A_340] {strides = array<i32>} : memref<64x384xf32, #tpu.memory_space<vmem>>, vector<16xf32>,
        tpu.vector_store %arg9[%parallel_loop3A_339, %parallel_loop3A_340], %parallel_loop3A_338 {strides = array<i32>} : memref<64x384xf32, #tpu.memory_space<vmem>>, vector<16xf32>,
        %parallel_loop3A_342 = arith.index_cast %parallel_loop3A_188 : i32 to index
        %parallel_loop3A_343 = arith.constant 144 : index
        %parallel_loop3A_344 = tpu.vector_load %arg7[%parallel_loop3A_342, %parallel_loop3A_343] {strides = array<i32>} : memref<64x384xf32, #tpu.memory_space<vmem>>, vector<16xf32>,
        %parallel_loop3A_345 = arith.constant 2.000000e+01 : f32
        %parallel_loop3A_346 = vector.broadcast %parallel_loop3A_345 : f32 to vector<16xf32>
        %parallel_loop3A_347 = arith.mulf %parallel_loop3A_344, %parallel_loop3A_346 : vector<16xf32>
        %parallel_loop3A_348 = arith.addf %parallel_loop3A_347, %broadcast_in_dim3A_160 : vector<16xf32>
        %parallel_loop3A_349 = arith.maximumf %parallel_loop3A_348, %broadcast_in_dim3A_161 : vector<16xf32>
        %parallel_loop3A_350 = arith.minimumf %parallel_loop3A_349, %broadcast_in_dim3A_164 : vector<16xf32>
        %parallel_loop3A_351 = arith.fptosi %parallel_loop3A_350 : vector<16xf32> to vector<16xi32>
        %parallel_loop3A_352 = tpu.vector_load_idx %arg10[%parallel_loop3A_351] : memref<240xf32, #tpu.memory_space<vmem>>[vector<16xi32>], vector<16xf32>,
        %parallel_loop3A_353 = tpu.vector_load_idx %arg11[%parallel_loop3A_351] : memref<240xf32, #tpu.memory_space<vmem>>[vector<16xi32>], vector<16xf32>,
        %parallel_loop3A_354 = arith.mulf %parallel_loop3A_344, %parallel_loop3A_352 : vector<16xf32>
        %parallel_loop3A_355 = arith.addf %parallel_loop3A_354, %parallel_loop3A_353 : vector<16xf32>
        %parallel_loop3A_356 = arith.index_cast %parallel_loop3A_188 : i32 to index
        %parallel_loop3A_357 = arith.constant 144 : index
        %parallel_loop3A_358 = tpu.vector_load %arg9[%parallel_loop3A_356, %parallel_loop3A_357] {strides = array<i32>} : memref<64x384xf32, #tpu.memory_space<vmem>>, vector<16xf32>,
        tpu.vector_store %arg9[%parallel_loop3A_356, %parallel_loop3A_357], %parallel_loop3A_355 {strides = array<i32>} : memref<64x384xf32, #tpu.memory_space<vmem>>, vector<16xf32>,
        %parallel_loop3A_359 = arith.index_cast %parallel_loop3A_188 : i32 to index
        %parallel_loop3A_360 = arith.constant 160 : index
        %parallel_loop3A_361 = tpu.vector_load %arg7[%parallel_loop3A_359, %parallel_loop3A_360] {strides = array<i32>} : memref<64x384xf32, #tpu.memory_space<vmem>>, vector<16xf32>,
        %parallel_loop3A_362 = arith.constant 2.000000e+01 : f32
        %parallel_loop3A_363 = vector.broadcast %parallel_loop3A_362 : f32 to vector<16xf32>
        %parallel_loop3A_364 = arith.mulf %parallel_loop3A_361, %parallel_loop3A_363 : vector<16xf32>
        %parallel_loop3A_365 = arith.addf %parallel_loop3A_364, %broadcast_in_dim3A_160 : vector<16xf32>
        %parallel_loop3A_366 = arith.maximumf %parallel_loop3A_365, %broadcast_in_dim3A_161 : vector<16xf32>
        %parallel_loop3A_367 = arith.minimumf %parallel_loop3A_366, %broadcast_in_dim3A_164 : vector<16xf32>
        %parallel_loop3A_368 = arith.fptosi %parallel_loop3A_367 : vector<16xf32> to vector<16xi32>
        %parallel_loop3A_369 = tpu.vector_load_idx %arg10[%parallel_loop3A_368] : memref<240xf32, #tpu.memory_space<vmem>>[vector<16xi32>], vector<16xf32>,
        %parallel_loop3A_370 = tpu.vector_load_idx %arg11[%parallel_loop3A_368] : memref<240xf32, #tpu.memory_space<vmem>>[vector<16xi32>], vector<16xf32>,
        %parallel_loop3A_371 = arith.mulf %parallel_loop3A_361, %parallel_loop3A_369 : vector<16xf32>
        %parallel_loop3A_372 = arith.addf %parallel_loop3A_371, %parallel_loop3A_370 : vector<16xf32>
        %parallel_loop3A_373 = arith.index_cast %parallel_loop3A_188 : i32 to index
        %parallel_loop3A_374 = arith.constant 160 : index
        %parallel_loop3A_375 = tpu.vector_load %arg9[%parallel_loop3A_373, %parallel_loop3A_374] {strides = array<i32>} : memref<64x384xf32, #tpu.memory_space<vmem>>, vector<16xf32>,
        tpu.vector_store %arg9[%parallel_loop3A_373, %parallel_loop3A_374], %parallel_loop3A_372 {strides = array<i32>} : memref<64x384xf32, #tpu.memory_space<vmem>>, vector<16xf32>,
        %parallel_loop3A_376 = arith.index_cast %parallel_loop3A_188 : i32 to index
        %parallel_loop3A_377 = arith.constant 176 : index
        %parallel_loop3A_378 = tpu.vector_load %arg7[%parallel_loop3A_376, %parallel_loop3A_377] {strides = array<i32>} : memref<64x384xf32, #tpu.memory_space<vmem>>, vector<16xf32>,
        %parallel_loop3A_379 = arith.constant 2.000000e+01 : f32
        %parallel_loop3A_380 = vector.broadcast %parallel_loop3A_379 : f32 to vector<16xf32>
        %parallel_loop3A_381 = arith.mulf %parallel_loop3A_378, %parallel_loop3A_380 : vector<16xf32>
        %parallel_loop3A_382 = arith.addf %parallel_loop3A_381, %broadcast_in_dim3A_160 : vector<16xf32>
        %parallel_loop3A_383 = arith.maximumf %parallel_loop3A_382, %broadcast_in_dim3A_161 : vector<16xf32>
        %parallel_loop3A_384 = arith.minimumf %parallel_loop3A_383, %broadcast_in_dim3A_164 : vector<16xf32>
        %parallel_loop3A_385 = arith.fptosi %parallel_loop3A_384 : vector<16xf32> to vector<16xi32>
        %parallel_loop3A_386 = tpu.vector_load_idx %arg10[%parallel_loop3A_385] : memref<240xf32, #tpu.memory_space<vmem>>[vector<16xi32>], vector<16xf32>,
        %parallel_loop3A_387 = tpu.vector_load_idx %arg11[%parallel_loop3A_385] : memref<240xf32, #tpu.memory_space<vmem>>[vector<16xi32>], vector<16xf32>,
        %parallel_loop3A_388 = arith.mulf %parallel_loop3A_378, %parallel_loop3A_386 : vector<16xf32>
        %parallel_loop3A_389 = arith.addf %parallel_loop3A_388, %parallel_loop3A_387 : vector<16xf32>
        %parallel_loop3A_390 = arith.index_cast %parallel_loop3A_188 : i32 to index
        %parallel_loop3A_391 = arith.constant 176 : index
        %parallel_loop3A_392 = tpu.vector_load %arg9[%parallel_loop3A_390, %parallel_loop3A_391] {strides = array<i32>} : memref<64x384xf32, #tpu.memory_space<vmem>>, vector<16xf32>,
        tpu.vector_store %arg9[%parallel_loop3A_390, %parallel_loop3A_391], %parallel_loop3A_389 {strides = array<i32>} : memref<64x384xf32, #tpu.memory_space<vmem>>, vector<16xf32>,
        %parallel_loop3A_393 = arith.index_cast %parallel_loop3A_188 : i32 to index
        %parallel_loop3A_394 = arith.constant 192 : index
        %parallel_loop3A_395 = tpu.vector_load %arg7[%parallel_loop3A_393, %parallel_loop3A_394] {strides = array<i32>} : memref<64x384xf32, #tpu.memory_space<vmem>>, vector<16xf32>,
        %parallel_loop3A_396 = arith.constant 2.000000e+01 : f32
        %parallel_loop3A_397 = vector.broadcast %parallel_loop3A_396 : f32 to vector<16xf32>
        %parallel_loop3A_398 = arith.mulf %parallel_loop3A_395, %parallel_loop3A_397 : vector<16xf32>
        %parallel_loop3A_399 = arith.addf %parallel_loop3A_398, %broadcast_in_dim3A_160 : vector<16xf32>
        %parallel_loop3A_400 = arith.maximumf %parallel_loop3A_399, %broadcast_in_dim3A_161 : vector<16xf32>
        %parallel_loop3A_401 = arith.minimumf %parallel_loop3A_400, %broadcast_in_dim3A_164 : vector<16xf32>
        %parallel_loop3A_402 = arith.fptosi %parallel_loop3A_401 : vector<16xf32> to vector<16xi32>
        %parallel_loop3A_403 = tpu.vector_load_idx %arg10[%parallel_loop3A_402] : memref<240xf32, #tpu.memory_space<vmem>>[vector<16xi32>], vector<16xf32>,
        %parallel_loop3A_404 = tpu.vector_load_idx %arg11[%parallel_loop3A_402] : memref<240xf32, #tpu.memory_space<vmem>>[vector<16xi32>], vector<16xf32>,
        %parallel_loop3A_405 = arith.mulf %parallel_loop3A_395, %parallel_loop3A_403 : vector<16xf32>
        %parallel_loop3A_406 = arith.addf %parallel_loop3A_405, %parallel_loop3A_404 : vector<16xf32>
        %parallel_loop3A_407 = arith.index_cast %parallel_loop3A_188 : i32 to index
        %parallel_loop3A_408 = arith.constant 192 : index
        %parallel_loop3A_409 = tpu.vector_load %arg9[%parallel_loop3A_407, %parallel_loop3A_408] {strides = array<i32>} : memref<64x384xf32, #tpu.memory_space<vmem>>, vector<16xf32>,
        tpu.vector_store %arg9[%parallel_loop3A_407, %parallel_loop3A_408], %parallel_loop3A_406 {strides = array<i32>} : memref<64x384xf32, #tpu.memory_space<vmem>>, vector<16xf32>,
        %parallel_loop3A_410 = arith.index_cast %parallel_loop3A_188 : i32 to index
        %parallel_loop3A_411 = arith.constant 208 : index
        %parallel_loop3A_412 = tpu.vector_load %arg7[%parallel_loop3A_410, %parallel_loop3A_411] {strides = array<i32>} : memref<64x384xf32, #tpu.memory_space<vmem>>, vector<16xf32>,
        %parallel_loop3A_413 = arith.constant 2.000000e+01 : f32
        %parallel_loop3A_414 = vector.broadcast %parallel_loop3A_413 : f32 to vector<16xf32>
        %parallel_loop3A_415 = arith.mulf %parallel_loop3A_412, %parallel_loop3A_414 : vector<16xf32>
        %parallel_loop3A_416 = arith.addf %parallel_loop3A_415, %broadcast_in_dim3A_160 : vector<16xf32>
        %parallel_loop3A_417 = arith.maximumf %parallel_loop3A_416, %broadcast_in_dim3A_161 : vector<16xf32>
        %parallel_loop3A_418 = arith.minimumf %parallel_loop3A_417, %broadcast_in_dim3A_164 : vector<16xf32>
        %parallel_loop3A_419 = arith.fptosi %parallel_loop3A_418 : vector<16xf32> to vector<16xi32>
        %parallel_loop3A_420 = tpu.vector_load_idx %arg10[%parallel_loop3A_419] : memref<240xf32, #tpu.memory_space<vmem>>[vector<16xi32>], vector<16xf32>,
        %parallel_loop3A_421 = tpu.vector_load_idx %arg11[%parallel_loop3A_419] : memref<240xf32, #tpu.memory_space<vmem>>[vector<16xi32>], vector<16xf32>,
        %parallel_loop3A_422 = arith.mulf %parallel_loop3A_412, %parallel_loop3A_420 : vector<16xf32>
        %parallel_loop3A_423 = arith.addf %parallel_loop3A_422, %parallel_loop3A_421 : vector<16xf32>
        %parallel_loop3A_424 = arith.index_cast %parallel_loop3A_188 : i32 to index
        %parallel_loop3A_425 = arith.constant 208 : index
        %parallel_loop3A_426 = tpu.vector_load %arg9[%parallel_loop3A_424, %parallel_loop3A_425] {strides = array<i32>} : memref<64x384xf32, #tpu.memory_space<vmem>>, vector<16xf32>,
        tpu.vector_store %arg9[%parallel_loop3A_424, %parallel_loop3A_425], %parallel_loop3A_423 {strides = array<i32>} : memref<64x384xf32, #tpu.memory_space<vmem>>, vector<16xf32>,
        %parallel_loop3A_427 = arith.index_cast %parallel_loop3A_188 : i32 to index
        %parallel_loop3A_428 = arith.constant 224 : index
        %parallel_loop3A_429 = tpu.vector_load %arg7[%parallel_loop3A_427, %parallel_loop3A_428] {strides = array<i32>} : memref<64x384xf32, #tpu.memory_space<vmem>>, vector<16xf32>,
        %parallel_loop3A_430 = arith.constant 2.000000e+01 : f32
        %parallel_loop3A_431 = vector.broadcast %parallel_loop3A_430 : f32 to vector<16xf32>
        %parallel_loop3A_432 = arith.mulf %parallel_loop3A_429, %parallel_loop3A_431 : vector<16xf32>
        %parallel_loop3A_433 = arith.addf %parallel_loop3A_432, %broadcast_in_dim3A_160 : vector<16xf32>
        %parallel_loop3A_434 = arith.maximumf %parallel_loop3A_433, %broadcast_in_dim3A_161 : vector<16xf32>
        %parallel_loop3A_435 = arith.minimumf %parallel_loop3A_434, %broadcast_in_dim3A_164 : vector<16xf32>
        %parallel_loop3A_436 = arith.fptosi %parallel_loop3A_435 : vector<16xf32> to vector<16xi32>
        %parallel_loop3A_437 = tpu.vector_load_idx %arg10[%parallel_loop3A_436] : memref<240xf32, #tpu.memory_space<vmem>>[vector<16xi32>], vector<16xf32>,
        %parallel_loop3A_438 = tpu.vector_load_idx %arg11[%parallel_loop3A_436] : memref<240xf32, #tpu.memory_space<vmem>>[vector<16xi32>], vector<16xf32>,
        %parallel_loop3A_439 = arith.mulf %parallel_loop3A_429, %parallel_loop3A_437 : vector<16xf32>
        %parallel_loop3A_440 = arith.addf %parallel_loop3A_439, %parallel_loop3A_438 : vector<16xf32>
        %parallel_loop3A_441 = arith.index_cast %parallel_loop3A_188 : i32 to index
        %parallel_loop3A_442 = arith.constant 224 : index
        %parallel_loop3A_443 = tpu.vector_load %arg9[%parallel_loop3A_441, %parallel_loop3A_442] {strides = array<i32>} : memref<64x384xf32, #tpu.memory_space<vmem>>, vector<16xf32>,
        tpu.vector_store %arg9[%parallel_loop3A_441, %parallel_loop3A_442], %parallel_loop3A_440 {strides = array<i32>} : memref<64x384xf32, #tpu.memory_space<vmem>>, vector<16xf32>,
        %parallel_loop3A_444 = arith.index_cast %parallel_loop3A_188 : i32 to index
        %parallel_loop3A_445 = arith.constant 240 : index
        %parallel_loop3A_446 = tpu.vector_load %arg7[%parallel_loop3A_444, %parallel_loop3A_445] {strides = array<i32>} : memref<64x384xf32, #tpu.memory_space<vmem>>, vector<16xf32>,
        %parallel_loop3A_447 = arith.constant 2.000000e+01 : f32
        %parallel_loop3A_448 = vector.broadcast %parallel_loop3A_447 : f32 to vector<16xf32>
        %parallel_loop3A_449 = arith.mulf %parallel_loop3A_446, %parallel_loop3A_448 : vector<16xf32>
        %parallel_loop3A_450 = arith.addf %parallel_loop3A_449, %broadcast_in_dim3A_160 : vector<16xf32>
        %parallel_loop3A_451 = arith.maximumf %parallel_loop3A_450, %broadcast_in_dim3A_161 : vector<16xf32>
        %parallel_loop3A_452 = arith.minimumf %parallel_loop3A_451, %broadcast_in_dim3A_164 : vector<16xf32>
        %parallel_loop3A_453 = arith.fptosi %parallel_loop3A_452 : vector<16xf32> to vector<16xi32>
        %parallel_loop3A_454 = tpu.vector_load_idx %arg10[%parallel_loop3A_453] : memref<240xf32, #tpu.memory_space<vmem>>[vector<16xi32>], vector<16xf32>,
        %parallel_loop3A_455 = tpu.vector_load_idx %arg11[%parallel_loop3A_453] : memref<240xf32, #tpu.memory_space<vmem>>[vector<16xi32>], vector<16xf32>,
        %parallel_loop3A_456 = arith.mulf %parallel_loop3A_446, %parallel_loop3A_454 : vector<16xf32>
        %parallel_loop3A_457 = arith.addf %parallel_loop3A_456, %parallel_loop3A_455 : vector<16xf32>
        %parallel_loop3A_458 = arith.index_cast %parallel_loop3A_188 : i32 to index
        %parallel_loop3A_459 = arith.constant 240 : index
        %parallel_loop3A_460 = tpu.vector_load %arg9[%parallel_loop3A_458, %parallel_loop3A_459] {strides = array<i32>} : memref<64x384xf32, #tpu.memory_space<vmem>>, vector<16xf32>,
        tpu.vector_store %arg9[%parallel_loop3A_458, %parallel_loop3A_459], %parallel_loop3A_457 {strides = array<i32>} : memref<64x384xf32, #tpu.memory_space<vmem>>, vector<16xf32>,
        %parallel_loop3A_461 = arith.index_cast %parallel_loop3A_188 : i32 to index
        %parallel_loop3A_462 = arith.constant 256 : index
        %parallel_loop3A_463 = tpu.vector_load %arg7[%parallel_loop3A_461, %parallel_loop3A_462] {strides = array<i32>} : memref<64x384xf32, #tpu.memory_space<vmem>>, vector<16xf32>,
        %parallel_loop3A_464 = arith.constant 2.000000e+01 : f32
        %parallel_loop3A_465 = vector.broadcast %parallel_loop3A_464 : f32 to vector<16xf32>
        %parallel_loop3A_466 = arith.mulf %parallel_loop3A_463, %parallel_loop3A_465 : vector<16xf32>
        %parallel_loop3A_467 = arith.addf %parallel_loop3A_466, %broadcast_in_dim3A_160 : vector<16xf32>
        %parallel_loop3A_468 = arith.maximumf %parallel_loop3A_467, %broadcast_in_dim3A_161 : vector<16xf32>
        %parallel_loop3A_469 = arith.minimumf %parallel_loop3A_468, %broadcast_in_dim3A_164 : vector<16xf32>
        %parallel_loop3A_470 = arith.fptosi %parallel_loop3A_469 : vector<16xf32> to vector<16xi32>
        %parallel_loop3A_471 = tpu.vector_load_idx %arg10[%parallel_loop3A_470] : memref<240xf32, #tpu.memory_space<vmem>>[vector<16xi32>], vector<16xf32>,
        %parallel_loop3A_472 = tpu.vector_load_idx %arg11[%parallel_loop3A_470] : memref<240xf32, #tpu.memory_space<vmem>>[vector<16xi32>], vector<16xf32>,
        %parallel_loop3A_473 = arith.mulf %parallel_loop3A_463, %parallel_loop3A_471 : vector<16xf32>
        %parallel_loop3A_474 = arith.addf %parallel_loop3A_473, %parallel_loop3A_472 : vector<16xf32>
        %parallel_loop3A_475 = arith.index_cast %parallel_loop3A_188 : i32 to index
        %parallel_loop3A_476 = arith.constant 256 : index
        %parallel_loop3A_477 = tpu.vector_load %arg9[%parallel_loop3A_475, %parallel_loop3A_476] {strides = array<i32>} : memref<64x384xf32, #tpu.memory_space<vmem>>, vector<16xf32>,
        tpu.vector_store %arg9[%parallel_loop3A_475, %parallel_loop3A_476], %parallel_loop3A_474 {strides = array<i32>} : memref<64x384xf32, #tpu.memory_space<vmem>>, vector<16xf32>,
        %parallel_loop3A_478 = arith.index_cast %parallel_loop3A_188 : i32 to index
        %parallel_loop3A_479 = arith.constant 272 : index
        %parallel_loop3A_480 = tpu.vector_load %arg7[%parallel_loop3A_478, %parallel_loop3A_479] {strides = array<i32>} : memref<64x384xf32, #tpu.memory_space<vmem>>, vector<16xf32>,
        %parallel_loop3A_481 = arith.constant 2.000000e+01 : f32
        %parallel_loop3A_482 = vector.broadcast %parallel_loop3A_481 : f32 to vector<16xf32>
        %parallel_loop3A_483 = arith.mulf %parallel_loop3A_480, %parallel_loop3A_482 : vector<16xf32>
        %parallel_loop3A_484 = arith.addf %parallel_loop3A_483, %broadcast_in_dim3A_160 : vector<16xf32>
        %parallel_loop3A_485 = arith.maximumf %parallel_loop3A_484, %broadcast_in_dim3A_161 : vector<16xf32>
        %parallel_loop3A_486 = arith.minimumf %parallel_loop3A_485, %broadcast_in_dim3A_164 : vector<16xf32>
        %parallel_loop3A_487 = arith.fptosi %parallel_loop3A_486 : vector<16xf32> to vector<16xi32>
        %parallel_loop3A_488 = tpu.vector_load_idx %arg10[%parallel_loop3A_487] : memref<240xf32, #tpu.memory_space<vmem>>[vector<16xi32>], vector<16xf32>,
        %parallel_loop3A_489 = tpu.vector_load_idx %arg11[%parallel_loop3A_487] : memref<240xf32, #tpu.memory_space<vmem>>[vector<16xi32>], vector<16xf32>,
        %parallel_loop3A_490 = arith.mulf %parallel_loop3A_480, %parallel_loop3A_488 : vector<16xf32>
        %parallel_loop3A_491 = arith.addf %parallel_loop3A_490, %parallel_loop3A_489 : vector<16xf32>
        %parallel_loop3A_492 = arith.index_cast %parallel_loop3A_188 : i32 to index
        %parallel_loop3A_493 = arith.constant 272 : index
        %parallel_loop3A_494 = tpu.vector_load %arg9[%parallel_loop3A_492, %parallel_loop3A_493] {strides = array<i32>} : memref<64x384xf32, #tpu.memory_space<vmem>>, vector<16xf32>,
        tpu.vector_store %arg9[%parallel_loop3A_492, %parallel_loop3A_493], %parallel_loop3A_491 {strides = array<i32>} : memref<64x384xf32, #tpu.memory_space<vmem>>, vector<16xf32>,
        %parallel_loop3A_495 = arith.index_cast %parallel_loop3A_188 : i32 to index
        %parallel_loop3A_496 = arith.constant 288 : index
        %parallel_loop3A_497 = tpu.vector_load %arg7[%parallel_loop3A_495, %parallel_loop3A_496] {strides = array<i32>} : memref<64x384xf32, #tpu.memory_space<vmem>>, vector<16xf32>,
        %parallel_loop3A_498 = arith.constant 2.000000e+01 : f32
        %parallel_loop3A_499 = vector.broadcast %parallel_loop3A_498 : f32 to vector<16xf32>
        %parallel_loop3A_500 = arith.mulf %parallel_loop3A_497, %parallel_loop3A_499 : vector<16xf32>
        %parallel_loop3A_501 = arith.addf %parallel_loop3A_500, %broadcast_in_dim3A_160 : vector<16xf32>
        %parallel_loop3A_502 = arith.maximumf %parallel_loop3A_501, %broadcast_in_dim3A_161 : vector<16xf32>
        %parallel_loop3A_503 = arith.minimumf %parallel_loop3A_502, %broadcast_in_dim3A_164 : vector<16xf32>
        %parallel_loop3A_504 = arith.fptosi %parallel_loop3A_503 : vector<16xf32> to vector<16xi32>
        %parallel_loop3A_505 = tpu.vector_load_idx %arg10[%parallel_loop3A_504] : memref<240xf32, #tpu.memory_space<vmem>>[vector<16xi32>], vector<16xf32>,
        %parallel_loop3A_506 = tpu.vector_load_idx %arg11[%parallel_loop3A_504] : memref<240xf32, #tpu.memory_space<vmem>>[vector<16xi32>], vector<16xf32>,
        %parallel_loop3A_507 = arith.mulf %parallel_loop3A_497, %parallel_loop3A_505 : vector<16xf32>
        %parallel_loop3A_508 = arith.addf %parallel_loop3A_507, %parallel_loop3A_506 : vector<16xf32>
        %parallel_loop3A_509 = arith.index_cast %parallel_loop3A_188 : i32 to index
        %parallel_loop3A_510 = arith.constant 288 : index
        %parallel_loop3A_511 = tpu.vector_load %arg9[%parallel_loop3A_509, %parallel_loop3A_510] {strides = array<i32>} : memref<64x384xf32, #tpu.memory_space<vmem>>, vector<16xf32>,
        tpu.vector_store %arg9[%parallel_loop3A_509, %parallel_loop3A_510], %parallel_loop3A_508 {strides = array<i32>} : memref<64x384xf32, #tpu.memory_space<vmem>>, vector<16xf32>,
        %parallel_loop3A_512 = arith.index_cast %parallel_loop3A_188 : i32 to index
        %parallel_loop3A_513 = arith.constant 304 : index
        %parallel_loop3A_514 = tpu.vector_load %arg7[%parallel_loop3A_512, %parallel_loop3A_513] {strides = array<i32>} : memref<64x384xf32, #tpu.memory_space<vmem>>, vector<16xf32>,
        %parallel_loop3A_515 = arith.constant 2.000000e+01 : f32
        %parallel_loop3A_516 = vector.broadcast %parallel_loop3A_515 : f32 to vector<16xf32>
        %parallel_loop3A_517 = arith.mulf %parallel_loop3A_514, %parallel_loop3A_516 : vector<16xf32>
        %parallel_loop3A_518 = arith.addf %parallel_loop3A_517, %broadcast_in_dim3A_160 : vector<16xf32>
        %parallel_loop3A_519 = arith.maximumf %parallel_loop3A_518, %broadcast_in_dim3A_161 : vector<16xf32>
        %parallel_loop3A_520 = arith.minimumf %parallel_loop3A_519, %broadcast_in_dim3A_164 : vector<16xf32>
        %parallel_loop3A_521 = arith.fptosi %parallel_loop3A_520 : vector<16xf32> to vector<16xi32>
        %parallel_loop3A_522 = tpu.vector_load_idx %arg10[%parallel_loop3A_521] : memref<240xf32, #tpu.memory_space<vmem>>[vector<16xi32>], vector<16xf32>,
        %parallel_loop3A_523 = tpu.vector_load_idx %arg11[%parallel_loop3A_521] : memref<240xf32, #tpu.memory_space<vmem>>[vector<16xi32>], vector<16xf32>,
        %parallel_loop3A_524 = arith.mulf %parallel_loop3A_514, %parallel_loop3A_522 : vector<16xf32>
        %parallel_loop3A_525 = arith.addf %parallel_loop3A_524, %parallel_loop3A_523 : vector<16xf32>
        %parallel_loop3A_526 = arith.index_cast %parallel_loop3A_188 : i32 to index
        %parallel_loop3A_527 = arith.constant 304 : index
        %parallel_loop3A_528 = tpu.vector_load %arg9[%parallel_loop3A_526, %parallel_loop3A_527] {strides = array<i32>} : memref<64x384xf32, #tpu.memory_space<vmem>>, vector<16xf32>,
        tpu.vector_store %arg9[%parallel_loop3A_526, %parallel_loop3A_527], %parallel_loop3A_525 {strides = array<i32>} : memref<64x384xf32, #tpu.memory_space<vmem>>, vector<16xf32>,
        %parallel_loop3A_529 = arith.index_cast %parallel_loop3A_188 : i32 to index
        %parallel_loop3A_530 = arith.constant 320 : index
        %parallel_loop3A_531 = tpu.vector_load %arg7[%parallel_loop3A_529, %parallel_loop3A_530] {strides = array<i32>} : memref<64x384xf32, #tpu.memory_space<vmem>>, vector<16xf32>,
        %parallel_loop3A_532 = arith.constant 2.000000e+01 : f32
        %parallel_loop3A_533 = vector.broadcast %parallel_loop3A_532 : f32 to vector<16xf32>
        %parallel_loop3A_534 = arith.mulf %parallel_loop3A_531, %parallel_loop3A_533 : vector<16xf32>
        %parallel_loop3A_535 = arith.addf %parallel_loop3A_534, %broadcast_in_dim3A_160 : vector<16xf32>
        %parallel_loop3A_536 = arith.maximumf %parallel_loop3A_535, %broadcast_in_dim3A_161 : vector<16xf32>
        %parallel_loop3A_537 = arith.minimumf %parallel_loop3A_536, %broadcast_in_dim3A_164 : vector<16xf32>
        %parallel_loop3A_538 = arith.fptosi %parallel_loop3A_537 : vector<16xf32> to vector<16xi32>
        %parallel_loop3A_539 = tpu.vector_load_idx %arg10[%parallel_loop3A_538] : memref<240xf32, #tpu.memory_space<vmem>>[vector<16xi32>], vector<16xf32>,
        %parallel_loop3A_540 = tpu.vector_load_idx %arg11[%parallel_loop3A_538] : memref<240xf32, #tpu.memory_space<vmem>>[vector<16xi32>], vector<16xf32>,
        %parallel_loop3A_541 = arith.mulf %parallel_loop3A_531, %parallel_loop3A_539 : vector<16xf32>
        %parallel_loop3A_542 = arith.addf %parallel_loop3A_541, %parallel_loop3A_540 : vector<16xf32>
        %parallel_loop3A_543 = arith.index_cast %parallel_loop3A_188 : i32 to index
        %parallel_loop3A_544 = arith.constant 320 : index
        %parallel_loop3A_545 = tpu.vector_load %arg9[%parallel_loop3A_543, %parallel_loop3A_544] {strides = array<i32>} : memref<64x384xf32, #tpu.memory_space<vmem>>, vector<16xf32>,
        tpu.vector_store %arg9[%parallel_loop3A_543, %parallel_loop3A_544], %parallel_loop3A_542 {strides = array<i32>} : memref<64x384xf32, #tpu.memory_space<vmem>>, vector<16xf32>,
        %parallel_loop3A_546 = arith.index_cast %parallel_loop3A_188 : i32 to index
        %parallel_loop3A_547 = arith.constant 336 : index
        %parallel_loop3A_548 = tpu.vector_load %arg7[%parallel_loop3A_546, %parallel_loop3A_547] {strides = array<i32>} : memref<64x384xf32, #tpu.memory_space<vmem>>, vector<16xf32>,
        %parallel_loop3A_549 = arith.constant 2.000000e+01 : f32
        %parallel_loop3A_550 = vector.broadcast %parallel_loop3A_549 : f32 to vector<16xf32>
        %parallel_loop3A_551 = arith.mulf %parallel_loop3A_548, %parallel_loop3A_550 : vector<16xf32>
        %parallel_loop3A_552 = arith.addf %parallel_loop3A_551, %broadcast_in_dim3A_160 : vector<16xf32>
        %parallel_loop3A_553 = arith.maximumf %parallel_loop3A_552, %broadcast_in_dim3A_161 : vector<16xf32>
        %parallel_loop3A_554 = arith.minimumf %parallel_loop3A_553, %broadcast_in_dim3A_164 : vector<16xf32>
        %parallel_loop3A_555 = arith.fptosi %parallel_loop3A_554 : vector<16xf32> to vector<16xi32>
        %parallel_loop3A_556 = tpu.vector_load_idx %arg10[%parallel_loop3A_555] : memref<240xf32, #tpu.memory_space<vmem>>[vector<16xi32>], vector<16xf32>,
        %parallel_loop3A_557 = tpu.vector_load_idx %arg11[%parallel_loop3A_555] : memref<240xf32, #tpu.memory_space<vmem>>[vector<16xi32>], vector<16xf32>,
        %parallel_loop3A_558 = arith.mulf %parallel_loop3A_548, %parallel_loop3A_556 : vector<16xf32>
        %parallel_loop3A_559 = arith.addf %parallel_loop3A_558, %parallel_loop3A_557 : vector<16xf32>
        %parallel_loop3A_560 = arith.index_cast %parallel_loop3A_188 : i32 to index
        %parallel_loop3A_561 = arith.constant 336 : index
        %parallel_loop3A_562 = tpu.vector_load %arg9[%parallel_loop3A_560, %parallel_loop3A_561] {strides = array<i32>} : memref<64x384xf32, #tpu.memory_space<vmem>>, vector<16xf32>,
        tpu.vector_store %arg9[%parallel_loop3A_560, %parallel_loop3A_561], %parallel_loop3A_559 {strides = array<i32>} : memref<64x384xf32, #tpu.memory_space<vmem>>, vector<16xf32>,
        %parallel_loop3A_563 = arith.index_cast %parallel_loop3A_188 : i32 to index
        %parallel_loop3A_564 = arith.constant 352 : index
        %parallel_loop3A_565 = tpu.vector_load %arg7[%parallel_loop3A_563, %parallel_loop3A_564] {strides = array<i32>} : memref<64x384xf32, #tpu.memory_space<vmem>>, vector<16xf32>,
        %parallel_loop3A_566 = arith.constant 2.000000e+01 : f32
        %parallel_loop3A_567 = vector.broadcast %parallel_loop3A_566 : f32 to vector<16xf32>
        %parallel_loop3A_568 = arith.mulf %parallel_loop3A_565, %parallel_loop3A_567 : vector<16xf32>
        %parallel_loop3A_569 = arith.addf %parallel_loop3A_568, %broadcast_in_dim3A_160 : vector<16xf32>
        %parallel_loop3A_570 = arith.maximumf %parallel_loop3A_569, %broadcast_in_dim3A_161 : vector<16xf32>
        %parallel_loop3A_571 = arith.minimumf %parallel_loop3A_570, %broadcast_in_dim3A_164 : vector<16xf32>
        %parallel_loop3A_572 = arith.fptosi %parallel_loop3A_571 : vector<16xf32> to vector<16xi32>
        %parallel_loop3A_573 = tpu.vector_load_idx %arg10[%parallel_loop3A_572] : memref<240xf32, #tpu.memory_space<vmem>>[vector<16xi32>], vector<16xf32>,
        %parallel_loop3A_574 = tpu.vector_load_idx %arg11[%parallel_loop3A_572] : memref<240xf32, #tpu.memory_space<vmem>>[vector<16xi32>], vector<16xf32>,
        %parallel_loop3A_575 = arith.mulf %parallel_loop3A_565, %parallel_loop3A_573 : vector<16xf32>
        %parallel_loop3A_576 = arith.addf %parallel_loop3A_575, %parallel_loop3A_574 : vector<16xf32>
        %parallel_loop3A_577 = arith.index_cast %parallel_loop3A_188 : i32 to index
        %parallel_loop3A_578 = arith.constant 352 : index
        %parallel_loop3A_579 = tpu.vector_load %arg9[%parallel_loop3A_577, %parallel_loop3A_578] {strides = array<i32>} : memref<64x384xf32, #tpu.memory_space<vmem>>, vector<16xf32>,
        tpu.vector_store %arg9[%parallel_loop3A_577, %parallel_loop3A_578], %parallel_loop3A_576 {strides = array<i32>} : memref<64x384xf32, #tpu.memory_space<vmem>>, vector<16xf32>,
        %parallel_loop3A_580 = arith.index_cast %parallel_loop3A_188 : i32 to index
        %parallel_loop3A_581 = arith.constant 368 : index
        %parallel_loop3A_582 = tpu.vector_load %arg7[%parallel_loop3A_580, %parallel_loop3A_581] {strides = array<i32>} : memref<64x384xf32, #tpu.memory_space<vmem>>, vector<16xf32>,
        %parallel_loop3A_583 = arith.constant 2.000000e+01 : f32
        %parallel_loop3A_584 = vector.broadcast %parallel_loop3A_583 : f32 to vector<16xf32>
        %parallel_loop3A_585 = arith.mulf %parallel_loop3A_582, %parallel_loop3A_584 : vector<16xf32>
        %parallel_loop3A_586 = arith.addf %parallel_loop3A_585, %broadcast_in_dim3A_160 : vector<16xf32>
        %parallel_loop3A_587 = arith.maximumf %parallel_loop3A_586, %broadcast_in_dim3A_161 : vector<16xf32>
        %parallel_loop3A_588 = arith.minimumf %parallel_loop3A_587, %broadcast_in_dim3A_164 : vector<16xf32>
        %parallel_loop3A_589 = arith.fptosi %parallel_loop3A_588 : vector<16xf32> to vector<16xi32>
        %parallel_loop3A_590 = tpu.vector_load_idx %arg10[%parallel_loop3A_589] : memref<240xf32, #tpu.memory_space<vmem>>[vector<16xi32>], vector<16xf32>,
        %parallel_loop3A_591 = tpu.vector_load_idx %arg11[%parallel_loop3A_589] : memref<240xf32, #tpu.memory_space<vmem>>[vector<16xi32>], vector<16xf32>,
        %parallel_loop3A_592 = arith.mulf %parallel_loop3A_582, %parallel_loop3A_590 : vector<16xf32>
        %parallel_loop3A_593 = arith.addf %parallel_loop3A_592, %parallel_loop3A_591 : vector<16xf32>
        %parallel_loop3A_594 = arith.index_cast %parallel_loop3A_188 : i32 to index
        %parallel_loop3A_595 = arith.constant 368 : index
        %parallel_loop3A_596 = tpu.vector_load %arg9[%parallel_loop3A_594, %parallel_loop3A_595] {strides = array<i32>} : memref<64x384xf32, #tpu.memory_space<vmem>>, vector<16xf32>,
        tpu.vector_store %arg9[%parallel_loop3A_594, %parallel_loop3A_595], %parallel_loop3A_593 {strides = array<i32>} : memref<64x384xf32, #tpu.memory_space<vmem>>, vector<16xf32>,
      } {sc.loop_unroll_factor = 1 : i64, sc.parallel_access}
      %div3A_168 = arith.constant 6 : i32
      %div3A_169 = arith.divsi %add3A_132, %div3A_168 : i32
      %add3A_170 = arith.addi %mul3A_2, %div3A_169 : i32
      %rem3A_171 = arith.constant 6 : i32
      %rem3A_172 = arith.remsi %add3A_132, %rem3A_171 : i32
      %mul3A_173 = arith.constant 64 : i32
      %mul3A_174 = arith.muli %rem3A_172, %mul3A_173 : i32
      %dma_start3A_175 = tpu.memref_reshape %arg5 : memref<2x96x384x384xf32, #tpu.memory_space<hbm>> -> memref<192x384x384xf32, #tpu.memory_space<hbm>>
      %dma_start3A_176 = arith.constant 0 : i32
      %dma_start3A_177 = tpu.memref_slice %dma_start3A_175[%add3A_170, %mul3A_174, %dma_start3A_176] : memref<192x384x384xf32, #tpu.memory_space<hbm>> -> memref<1x64x384xf32, #tpu.memory_space<hbm>>
      %dma_start3A_178 = tpu.memref_squeeze %dma_start3A_177 : memref<1x64x384xf32, #tpu.memory_space<hbm>> -> memref<64x384xf32, #tpu.memory_space<hbm>>
      %dma_start3A_179 = tpu.memref_reshape %arg5 : memref<2x96x384x384xf32, #tpu.memory_space<hbm>> -> memref<192x384x384xf32, #tpu.memory_space<hbm>>
      %dma_start3A_180 = arith.constant 0 : i32
      %dma_start3A_181 = tpu.memref_slice %dma_start3A_179[%add3A_170, %mul3A_174, %dma_start3A_180] : memref<192x384x384xf32, #tpu.memory_space<hbm>> -> memref<1x64x384xf32, #tpu.memory_space<hbm>>
      %dma_start3A_182 = tpu.memref_squeeze %dma_start3A_181 : memref<1x64x384xf32, #tpu.memory_space<hbm>> -> memref<64x384xf32, #tpu.memory_space<hbm>>
      tpu.enqueue_dma source(%arg9 : memref<64x384xf32, #tpu.memory_space<vmem>>) target(%dma_start3A_182 : memref<64x384xf32, #tpu.memory_space<hbm>>) target_semaphore(%arg15 : memref<!tpu.dma_semaphore, #tpu.memory_space<semaphore_mem>>)
      %lt3A_183 = arith.constant 34 : i32
      %lt3A_184 = arith.cmpi slt, %add3A_132, %lt3A_183 : i32
      %convert_element_type3A_185 = arith.extui %lt3A_184 : i1 to i32
      %cond3A_186 = arith.constant 0 : i32
      %cond3A_187 = arith.cmpi ne, %convert_element_type3A_185, %cond3A_186 : i32
      scf.if %cond3A_187 {
        %add3A_188 = arith.constant 2 : i32
        %add3A_189 = arith.addi %add3A_132, %add3A_188 : i32
        %div3A_190 = arith.constant 6 : i32
        %div3A_191 = arith.divsi %add3A_189, %div3A_190 : i32
        %add3A_192 = arith.addi %mul3A_2, %div3A_191 : i32
        %rem3A_193 = arith.constant 6 : i32
        %rem3A_194 = arith.remsi %add3A_189, %rem3A_193 : i32
        %mul3A_195 = arith.constant 64 : i32
        %mul3A_196 = arith.muli %rem3A_194, %mul3A_195 : i32
        %dma_start3A_197 = tpu.memref_reshape %arg2 : memref<2x96x384x384xf32, #tpu.memory_space<hbm>> -> memref<192x384x384xf32, #tpu.memory_space<hbm>>
        %dma_start3A_198 = arith.constant 0 : i32
        %dma_start3A_199 = tpu.memref_slice %dma_start3A_197[%add3A_192, %mul3A_196, %dma_start3A_198] : memref<192x384x384xf32, #tpu.memory_space<hbm>> -> memref<1x64x384xf32, #tpu.memory_space<hbm>>
        %dma_start3A_200 = tpu.memref_squeeze %dma_start3A_199 : memref<1x64x384xf32, #tpu.memory_space<hbm>> -> memref<64x384xf32, #tpu.memory_space<hbm>>
        %dma_start3A_201 = tpu.memref_reshape %arg2 : memref<2x96x384x384xf32, #tpu.memory_space<hbm>> -> memref<192x384x384xf32, #tpu.memory_space<hbm>>
        %dma_start3A_202 = arith.constant 0 : i32
        %dma_start3A_203 = tpu.memref_slice %dma_start3A_201[%add3A_192, %mul3A_196, %dma_start3A_202] : memref<192x384x384xf32, #tpu.memory_space<hbm>> -> memref<1x64x384xf32, #tpu.memory_space<hbm>>
        %dma_start3A_204 = tpu.memref_squeeze %dma_start3A_203 : memref<1x64x384xf32, #tpu.memory_space<hbm>> -> memref<64x384xf32, #tpu.memory_space<hbm>>
        tpu.enqueue_dma source(%dma_start3A_204 : memref<64x384xf32, #tpu.memory_space<hbm>>) target(%arg7 : memref<64x384xf32, #tpu.memory_space<vmem>>) target_semaphore(%arg13 : memref<!tpu.dma_semaphore, #tpu.memory_space<semaphore_mem>>)
      } else {
      }
    }
    %scan3A_41 = arith.constant 18 : i32
    %div3A_42 = arith.constant 34 : i32
    %div3A_43 = arith.constant 6 : i32
    %div3A_44 = arith.divsi %div3A_42, %div3A_43 : i32
    %add3A_45 = arith.addi %mul3A_2, %div3A_44 : i32
    %rem3A_46 = arith.constant 34 : i32
    %rem3A_47 = arith.constant 6 : i32
    %rem3A_48 = arith.remsi %rem3A_46, %rem3A_47 : i32
    %mul3A_49 = arith.constant 64 : i32
    %mul3A_50 = arith.muli %rem3A_48, %mul3A_49 : i32
    %dma_wait3A = tpu.memref_reshape %arg5 : memref<2x96x384x384xf32, #tpu.memory_space<hbm>> -> memref<192x384x384xf32, #tpu.memory_space<hbm>>
    %dma_wait3A_51 = arith.constant 0 : i32
    %dma_wait3A_52 = tpu.memref_slice %dma_wait3A[%add3A_45, %mul3A_50, %dma_wait3A_51] : memref<192x384x384xf32, #tpu.memory_space<hbm>> -> memref<1x64x384xf32, #tpu.memory_space<hbm>>
    %dma_wait3A_53 = tpu.memref_squeeze %dma_wait3A_52 : memref<1x64x384xf32, #tpu.memory_space<hbm>> -> memref<64x384xf32, #tpu.memory_space<hbm>>
    %dma_wait3A_54 = tpu.memref_reshape %arg5 : memref<2x96x384x384xf32, #tpu.memory_space<hbm>> -> memref<192x384x384xf32, #tpu.memory_space<hbm>>
    %dma_wait3A_55 = arith.constant 0 : i32
    %dma_wait3A_56 = tpu.memref_slice %dma_wait3A_54[%add3A_45, %mul3A_50, %dma_wait3A_55] : memref<192x384x384xf32, #tpu.memory_space<hbm>> -> memref<1x64x384xf32, #tpu.memory_space<hbm>>
    %dma_wait3A_57 = tpu.memref_squeeze %dma_wait3A_56 : memref<1x64x384xf32, #tpu.memory_space<hbm>> -> memref<64x384xf32, #tpu.memory_space<hbm>>
    tpu.wait_dma2 semaphore(%arg14 : memref<!tpu.dma_semaphore, #tpu.memory_space<semaphore_mem>>) src(%arg8 : memref<64x384xf32, #tpu.memory_space<vmem>>) dst(%dma_wait3A_57 : memref<64x384xf32, #tpu.memory_space<hbm>>)
    %div3A_58 = arith.constant 35 : i32
    %div3A_59 = arith.constant 6 : i32
    %div3A_60 = arith.divsi %div3A_58, %div3A_59 : i32
    %add3A_61 = arith.addi %mul3A_2, %div3A_60 : i32
    %rem3A_62 = arith.constant 35 : i32
    %rem3A_63 = arith.constant 6 : i32
    %rem3A_64 = arith.remsi %rem3A_62, %rem3A_63 : i32
    %mul3A_65 = arith.constant 64 : i32
    %mul3A_66 = arith.muli %rem3A_64, %mul3A_65 : i32
    %dma_wait3A_67 = tpu.memref_reshape %arg5 : memref<2x96x384x384xf32, #tpu.memory_space<hbm>> -> memref<192x384x384xf32, #tpu.memory_space<hbm>>
    %dma_wait3A_68 = arith.constant 0 : i32
    %dma_wait3A_69 = tpu.memref_slice %dma_wait3A_67[%add3A_61, %mul3A_66, %dma_wait3A_68] : memref<192x384x384xf32, #tpu.memory_space<hbm>> -> memref<1x64x384xf32, #tpu.memory_space<hbm>>
    %dma_wait3A_70 = tpu.memref_squeeze %dma_wait3A_69 : memref<1x64x384xf32, #tpu.memory_space<hbm>> -> memref<64x384xf32, #tpu.memory_space<hbm>>
    %dma_wait3A_71 = tpu.memref_reshape %arg5 : memref<2x96x384x384xf32, #tpu.memory_space<hbm>> -> memref<192x384x384xf32, #tpu.memory_space<hbm>>
    %dma_wait3A_72 = arith.constant 0 : i32
    %dma_wait3A_73 = tpu.memref_slice %dma_wait3A_71[%add3A_61, %mul3A_66, %dma_wait3A_72] : memref<192x384x384xf32, #tpu.memory_space<hbm>> -> memref<1x64x384xf32, #tpu.memory_space<hbm>>
    %dma_wait3A_74 = tpu.memref_squeeze %dma_wait3A_73 : memref<1x64x384xf32, #tpu.memory_space<hbm>> -> memref<64x384xf32, #tpu.memory_space<hbm>>
    tpu.wait_dma2 semaphore(%arg15 : memref<!tpu.dma_semaphore, #tpu.memory_space<semaphore_mem>>) src(%arg9 : memref<64x384xf32, #tpu.memory_space<vmem>>) dst(%dma_wait3A_74 : memref<64x384xf32, #tpu.memory_space<hbm>>)
    return
  }
}

</mosaic_0001>

<sc_bundles>
// kernel: _mtlu.3.cloned.1.call-start
scs
__scs_entry_jumppad:
0x0: {  	(pc) =	sbr.rel $0x88, $3  }
0x1: {  	(tag) =	ssettag $0x0;
	lr =	simm.s32 $0x1  }
0x2: {  	[smem:$0x3F9E] =	sst lr;
	_ =	strace $0xD0000000  }
0x3: {  	_ = 	snop  }
0x4: {  	_ = 	snop  }
0x5: {  	_ = 	snop  }
0x6: {  	_ = 	snop  }
0x7: {  	_ = 	snop  }
__scs_overlays_trampoline_lowered:
0x8: {  	[smem:$0x3FAD] =	sst s0  }
0x9: {  	[smem:$0x3FAE] =	sst s1  }
0xa: {  	[smem:$0x3FAF] =	sst s2  }
0xb: {  	[smem:$0x3FB0] =	sst s3  }
0xc: {  	[smem:$0x3FB1] =	sst s4  }
0xd: {  	[smem:$0x3FB2] =	sst s5  }
0xe: {  	[smem:$0x3FB3] =	sst s6  }
0xf: {  	[smem:$0x3FB4] =	sst s7  }
0x10: {  	[smem:$0x3FB5] =	sst s8  }
0x11: {  	[smem:$0x3FB6] =	sst s9;
	s0 =	simm.s32 @!p0 $0x0  }
0x12: {  	s1 =	sld [smem:$0x3F9C];
	s0 =	simm.s32 @p0 $0x1  }
0x13: {  	[smem:$0x3FB7] =	sst s0;
	s0 =	simm.s32 @!p1 $0x0  }
0x14: {  	s2 =	sld [smem:$0x3F9B];
	s0 =	simm.s32 @p1 $0x1  }
0x15: {  	[smem:$0x3FB8] =	sst s0;
	s0 =	simm.s32 @!p2 $0x0  }
0x16: {  	s3 =	sld [smem:$0x3FDB];
	s0 =	simm.s32 @p2 $0x1  }
0x17: {  	s4 =	simm.s32 $0x1BF5;
	[smem:$0x3FBA] =	sst s0  }
0x18: {  	s0 =	sld [smem:$0x3F9D];
	_ =	swait.ge [sflag:s4], $0x0  }
0x19: {  	s7 =	sld [smem:$0x3F9E]  }
0x1a: {  	s8 =	sadd.s32 $0xFFFFE003, lr  }
0x1b: {  	s9 =	sadd.s32 $0xFFFFFEF7, lr;
	s5 =	simm.s32 $0xFFFFFFFF;
	p2 =	slt.u32 s8, $0xFFFFF086  }
0x1c: {  	p1 =	slt.u32 s9, $0xF7A;
	s5 =	simm.s32 @!p2 $0x0  }
0x1d: {  	s5 =	simm.s32 @p1 $0x1;
	p0 =	seq.s32 s7, s2  }
0x1e: {  	s7 =	smul.u32 @!p0 $0xF7A, s2;
	p2 =	seq.s32 @!p0 s5, $0x0  }
0x1f: {  	s9 =	smul.u32 $0xF7A, s1;
	s8 =	simm.s32 @!p0 $0x1BF5;
	p2 =	por !p2, p0  }
0x20: {  	[sflag:s8] =	ssyncset.s32 @!p0 $0xFFFFF086;
	s6 =	sadd.s32 @!p0 s3, s7;
	s7 =	simm.s32 @!p0 $0x108  }
0x21: {  	s3 =	sadd.s32 s3, s9;
	s6 =	sadd.s32 @!p0 $0x88, s6;
	s7 =	simm.s32 @p2 $0x1082  }
0x22: {  	[simem:s7], [sflag:s8] =	dma.local @!p0 [hbm:s6], $0xF7A  }
0x23: {  	s9 =	sor.u32 $0xD0000000, s2;
	s6 =	simm.s32 $0x108;
	_ =	swait.ge @!p0 [sflag:s8], $0x0  }
0x24: {  	s3 =	sadd.s32 $0x88, s3;
	s6 =	simm.s32 @!p1 $0x1082;
	[sflag:s4] =	ssyncset.s32 $0xFFFFF086  }
0x25: {  	[simem:s6], [sflag:s4] =	dma.local [hbm:s3], $0xF7A  }
0x26: {  	[smem:$0x3F9E] =	sst s1;
	(tag) =	ssettag s2;
	_ =	strace s9  }
0x27: {  	s1 =	sld [smem:$0x3FAE]  }
0x28: {  	s2 =	sld [smem:$0x3FAF]  }
0x29: {  	s4 =	sld [smem:$0x3FB1]  }
0x2a: {  	p0 =	seq.s32 s5, $0x0;
	s5 =	sld [smem:$0x3FB2]  }
0x2b: {  	s6 =	sld [smem:$0x3FB3]  }
0x2c: {  	s7 =	sld [smem:$0x3FB4]  }
0x2d: {  	s3 =	simm.s32 $0x108;
	s8 =	sld [smem:$0x3FB5]  }
0x2e: {  	s3 =	simm.s32 @!p0 $0x1082;
	s9 =	sld [smem:$0x3FB6]  }
0x2f: {  	lr =	sadd.s32 s0, s3;
	s0 =	sld [smem:$0x3FAD]  }
0x30: {  	s3 =	sld [smem:$0x3FB0]  }
0x31: {  	[smem:$0x3FB9] =	sst s10  }
0x32: {  	s10 =	sld [smem:$0x3FB7];
	_ =	sdelay $0x3  }
0x33: {  	p0 =	seq.s32 s10, $0x1;
	s10 =	sld [smem:$0x3FB9];
	_ =	sdelay $0x3  }
0x34: {  	[smem:$0x3FB9] =	sst s10  }
0x35: {  	s10 =	sld [smem:$0x3FB8];
	_ =	sdelay $0x3  }
0x36: {  	p1 =	seq.s32 s10, $0x1;
	s10 =	sld [smem:$0x3FB9];
	_ =	sdelay $0x3  }
0x37: {  	[smem:$0x3FB9] =	sst s10  }
0x38: {  	s10 =	sld [smem:$0x3FBA]  }
0x39: {  	_ = 	snop;
	(pc) =	sbr.ind lr, $3  }
0x3a: {  	_ = 	snop  }
0x3b: {  	_ = 	snop  }
0x3c: {  	p2 =	seq.s32 s10, $0x1;
	s10 =	sld [smem:$0x3FB9]  }
0x3d: {  	_ =	shalt  }
0x3e: {  	_ =	shalt  }
0x3f: {  	_ =	shalt  }
0x40: {  	_ =	shalt  }
0x41: {  	_ =	shalt  }
0x42: {  	_ =	shalt  }
0x43: {  	_ =	shalt  }
0x44: {  	_ =	shalt  }
0x45: {  	_ =	shalt  }
0x46: {  	_ =	shalt  }
0x47: {  	_ =	shalt  }
0x48: {  	_ =	shalt  }
0x49: {  	_ =	shalt  }
0x4a: {  	_ =	shalt  }
0x4b: {  	_ =	shalt  }
0x4c: {  	_ =	shalt  }
0x4d: {  	_ =	shalt  }
0x4e: {  	_ =	shalt  }
0x4f: {  	_ =	shalt  }
0x50: {  	_ =	shalt  }
0x51: {  	_ =	shalt  }
0x52: {  	_ =	shalt  }
0x53: {  	_ =	shalt  }
0x54: {  	_ =	shalt  }
0x55: {  	_ =	shalt  }
0x56: {  	_ =	shalt  }
0x57: {  	_ =	shalt  }
0x58: {  	_ =	shalt  }
0x59: {  	_ =	shalt  }
0x5a: {  	_ =	shalt  }
0x5b: {  	_ =	shalt  }
0x5c: {  	_ =	shalt  }
0x5d: {  	_ =	shalt  }
0x5e: {  	_ =	shalt  }
0x5f: {  	_ =	shalt  }
0x60: {  	_ =	shalt  }
0x61: {  	_ =	shalt  }
0x62: {  	_ =	shalt  }
0x63: {  	_ =	shalt  }
0x64: {  	_ =	shalt  }
0x65: {  	_ =	shalt  }
0x66: {  	_ =	shalt  }
0x67: {  	_ =	shalt  }
0x68: {  	_ =	shalt  }
0x69: {  	_ =	shalt  }
0x6a: {  	_ =	shalt  }
0x6b: {  	_ =	shalt  }
0x6c: {  	_ =	shalt  }
0x6d: {  	_ =	shalt  }
0x6e: {  	_ =	shalt  }
0x6f: {  	_ =	shalt  }
0x70: {  	_ =	shalt  }
0x71: {  	_ =	shalt  }
0x72: {  	_ =	shalt  }
0x73: {  	_ =	shalt  }
0x74: {  	_ =	shalt  }
0x75: {  	_ =	shalt  }
0x76: {  	_ =	shalt  }
0x77: {  	_ =	shalt  }
0x78: {  	_ =	shalt  }
0x79: {  	_ =	shalt  }
0x7a: {  	_ =	shalt  }
0x7b: {  	_ =	shalt  }
0x7c: {  	_ =	shalt  }
0x7d: {  	_ =	shalt  }
0x7e: {  	_ =	shalt  }
0x7f: {  	_ =	shalt  }
0x80: {  	_ =	shalt  }
0x81: {  	_ =	shalt  }
0x82: {  	_ =	shalt  }
0x83: {  	_ =	shalt  }
0x84: {  	_ =	shalt  }
0x85: {  	_ =	shalt  }
0x86: {  	_ =	shalt  }
0x87: {  	_ =	shalt  }
.Lfunc_end0:
.L_simem_size_0:
called_computation_lowered:
.L_overlay_start_0:
0x88: {  	s2 =	sld [smem:$0x3FD9]  }
0x89: {  	s3 =	sld [smem:$0x3FFE];
	_ =	sdelay $0x1  }
0x8a: {  	s1 =	srdreg.scid  }
0x8b: {  	s0 =	sand.u32 $0x1, s1  }
0x8c: {  	s18 =	sshll.u32 s0, $0xA;
	s2 =	sadd.s32 s3, s2  }
0x8d: {  	s2 =	sadd.s32 s2, s18  }
0x8e: {  	[smem:$0x3FC5] =	sst s2  }
0x8f: {  	_ = 	snop  }
0x90: {  	s2 =	sld [smem:$0x3FC9]  }
0x91: {  	s19 =	sld [smem:$0x3FC8]  }
0x92: {  	s4 =	sld [smem:$0x3FC7]  }
0x93: {  	s5 =	sld [smem:$0x3FD0];
	(tm) =	ssettm $0x1  }
0x94: {  	s6 =	sld [smem:$0x3FFB];
	_ =	sdelay $0x3  }
0x95: {  	_ =	strace s6  }
0x96: {  	s6 =	sld [smem:$0x3FFC];
	_ =	sdelay $0x3  }
0x97: {  	_ =	strace s6  }
0x98: {  	s6 =	sld [smem:$0x3FFD];
	_ =	sdelay $0x3  }
0x99: {  	_ =	strace s6  }
0x9a: {  	_ =	strace $0x8FFFFFFF  }
0x9b: {  	s20 =	sld [smem:$0x3FDB];
	_ =	sdelay $0x1  }
0x9c: {  	s7 =	simm.s32 $_scs_section_size  }
0x9d: {  	s8 =	simm.s32 $_size__tile_overlayer_lowered;
	s9 =	simm.s32 $_tile_overlayer_lowered  }
0x9e: {  	s23 =	simm.s32 $0x1BFF;
	s22 =	sshll.u32 s9, $0x1;
	s6 =	sadd.s32 s7, s20  }
0x9f: {  	s10 =	simm.s32 $0x0;
	s21 =	sshll.u32 s8, $0x1;
	s8 =	sadd.s32 s22, s6  }
0xa0: {  	[timem:s10], [sflag:s23] =	dma.local [hbm:s8], s21  }
0xa1: {  	_ =	swait.ge [sflag:s23], s21  }
0xa2: {  	s7 =	ssub.s32 $0x0, s21;
	[sflag:s23] =	ssyncset.done $0x0  }
0xa3: {  	[sflag:s23] =	ssyncadd.s32 s7;
	_ =	sdelay $0x1  }
0xa4: {  	s24 =	simm.s32 $0x1B8B  }
0xa5: {  	_ =	swait.ge [sflag:s24], $0x1  }
0xa6: {  	[sflag:s24] =	ssyncset.done $0x0  }
0xa7: {  	s25 =	simm.s32 $0x1B8E;
	[sflag:s24] =	ssyncadd.s32 $0xFFFFFFFF  }
0xa8: {  	s26 =	simm.s32 $execute0_lowered;
	[smem:$0x3FD2] =	sst s25  }
0xa9: {  	s7 =	sshll.u32 s26, $0x1;
	_ =	strace $0x80000046;
	[dreg:$0x1] =	wrdreg $0xFFFFFFFF  }
0xaa: {  	s28 =	simm.s32 $_size_execute0_lowered;
	s6 =	sadd.s32 s6, s7;
	[dreg:$0x0] =	wrdreg $0x0  }
0xab: {  	s7 =	sshll.u32 s28, $0x1;
	[dreg:$0x2] =	wrdreg s6  }
0xac: {  	[dreg:$0x3] =	wrdreg s7  }
0xad: {  	[dreg:$0x4] =	wrdreg $0xC0  }
0xae: {  	_ =	task [dreg:s10], $0x5FFFF  }
0xaf: {  	[dreg:$0x1] =	wrdreg $0xFFFFFFFF  }
0xb0: {  	[dreg:$0x0] =	wrdreg $0x60  }
0xb1: {  	[dreg:$0x2] =	wrdreg s2  }
0xb2: {  	[dreg:$0x3] =	wrdreg s19  }
0xb3: {  	[dreg:$0x4] =	wrdreg s4  }
0xb4: {  	[dreg:$0x5] =	wrdreg s5  }
0xb5: {  	[dreg:$0x6] =	wrdreg $0x9  }
0xb6: {  	_ =	task.clear_ibuf [dreg:s10], $0x7FFFF;
	_ =	strace $0x90000046  }
0xb7: {  	s29 =	simm.s32 $0x9;
	_ =	strace $0x80000048  }
0xb8: {  	_ =	swait.ge [sflag:s29], $0x1  }
0xb9: {  	[sflag:s29] =	ssyncadd.s32 $0xFFFFFFFF  }
0xba: {  	_ =	strace $0x90000048  }
0xbb: {  	_ =	sfence  }
0xbc: {  	s30 =	sld [smem:$0x0];
	_ =	sdelay $0x2  }
0xbd: {  	s31 =	sshll.u32 s1, $0xD;
	s1 =	sshrl.u32 s1, $0x2  }
0xbe: {  	s3 =	sand.u32 $0x4000, s31;
	s1 =	sadd.s32 s1, s30  }
0xbf: {  	s0 =	sor.u32 s3, s0;
	s1 =	sshll.u32 s1, $0x11  }
0xc0: {  	s0 =	sor.u32 s1, s0  }
0xc1: {  	s0 =	sadd.s32 $0x8F2B, s0  }
0xc2: {  	[sflag:s0] =	ssyncadd.remote.s32 $0x1  }
0xc3: {  	_ =	sfence.sel $0xFFFF  }
0xc4: {  	[dreg:$0x0] =	wrdreg $0xFFFFFFFF;
	(pc) =	sbr.abs _section_cstart, $3  }
0xc5: {  	[dreg:$0x1] =	wrdreg $0xFFFFFFFF  }
0xc6: {  	_ =	task.clear_ibuf [dreg:s10], $0x2FFFF;
	_ =	strace $0x9FFFFFFF  }
0xc7: {  	(tm) =	ssettm $0x7FFFFFFF  }
tec
execute0_lowered:
.L_overlay_start_1:
0x0: {  	(tag) =	ssettag $0x1  }
0x1: {  	s1 =	rddreg [dreg:$0x0]  }
0x2: {  	s7 =	rddreg [dreg:$0x1]  }
0x3: {  	s2 =	srdreg.scid;
	s8 =	rddreg [dreg:$0x2]  }
0x4: {  	s0 =	stileid.u32;
	s4 =	rddreg [dreg:$0x3];
	s5 =	simm.s32 $0x0  }
0x5: {  	s11 =	simm.s32 $0x18000;
	s12 =	simm.s32 $0x5;
	s13 =	simm.s32 $0x18100  }
0x6: {  	s14 =	simm.s32 $0x6000;
	s2 =	sand.u32 $0x1, s2;
	s3 =	sshll.u32 s0, $0x1  }
0x7: {  	s15 =	simm.s32 $0x1;
	s16 =	simm.s32 $0xC000;
	s6 =	sor.u32 s2, s3  }
0x8: {  	s17 =	simm.s32 $0x2;
	s18 =	simm.s32 $0x12000;
	s3 =	smul.u32 $0x6, s6  }
0x9: {  	s19 =	simm.s32 $0x3;
	s20 =	simm.s32 $0x4;
	s21 =	simm.s32 $0x0  }
.Ltmp0:
0xa: {  	s2 =	ssub.s32 $0x2, s2;
	s9 =	sadd.s32 $0xFFFFFFA0, s3;
	(pc) =	sbr.rel .LBB2_1-.Ltmp0, $4  }
0xb: {  	s6 =	smul.u32 $0x1B000, s6;
	s10 =	sshrl.u32 s2, $0x1;
	s9 =	smin.u32 s3, s9  }
0xc: {  	[smem:$0x7FF] =	sst s5;
	s2 =	ssub.s32 s2, s10;
	s9 =	smul.u32 $0x5, s9  }
0xd: {  	_ =	strace $0x80000047;
	s6 =	sadd.s32 s1, s6;
	s10 =	smax.u32 s2, $0x1  }
0xe: {  	s7 =	sadd.s32 s7, s9;
	s8 =	sadd.s32 s8, s9;
	s9 =	sadd.s32 $0xC00, s6  }
.LBB2_8:
0xf: {  	s21 =	sadd.s32 $0x1, s21  }
0x10: {  	_ =	swait.ge [sflag:s19], $0x6000;
	p0 =	sne.s32 s21, s10  }
.Ltmp1:
0x11: {  	[sflag:s19] =	ssyncset.done $0x0;
	(pc) =	sbr.rel @!p0 .LBB2_9-.Ltmp1, $4  }
0x12: {  	[sflag:s19] =	ssyncadd.s32 $0xFFFFA000  }
0x13: {  	_ =	swait.ge [sflag:s20], $0x6000  }
0x14: {  	[sflag:s20] =	ssyncset.done $0x0  }
0x15: {  	[sflag:s20] =	ssyncadd.s32 $0xFFFFA000  }
.LBB2_1:
0x16: {  	[tilespmem:s11], [sflag:$0x5] =	stream.linear.gather [hbm4b:s7+s5], $0xF0, $0x38;
	[tilespmem:$0x18200] =	vst v63  }
0x17: {  	_ =	swait.ge [sflag:s12], $0xF0  }
0x18: {  	[sflag:s12] =	ssyncset.done $0x0  }
0x19: {  	[sflag:s12] =	ssyncadd.s32 $0xFFFFFF10  }
0x1a: {  	[tilespmem:s13], [sflag:$0x5] =	stream.linear.gather [hbm4b:s8+s5], $0xF0, $0x38;
	[tilespmem:$0x18200] =	vst v63  }
0x1b: {  	_ =	swait.ge [sflag:s12], $0xF0  }
0x1c: {  	[sflag:s12] =	ssyncset.done $0x0  }
0x1d: {  	[sflag:s12] =	ssyncadd.s32 $0xFFFFFF10  }
0x1e: {  	[tilespmem:s5], [sflag:$0x1] =	stream.linear.gather [hbm4b:s6+s5], $0x6000, $0x38;
	[tilespmem:$0x18200] =	vst v63  }
0x1f: {  	s22 =	simm.s32 $0x0  }
0x20: {  	[tilespmem:s14], [sflag:$0x2] =	stream.linear.gather [hbm4b:s9+s5], $0x6000, $0x38;
	[tilespmem:$0x18200] =	vst v63  }
.LBB2_2:
0x21: {  	_ =	swait.ge [sflag:s15], $0x6000  }
0x22: {  	s2 =	smul.u32 $0xAB, s22;
	p0 =	seq.s32 s22, $0x0;
	[sflag:s15] =	ssyncset.done $0x0  }
0x23: {  	s24 =	simm.s32 $0x0;
	s23 =	simm.s32 @!p0 $0x3;
	[sflag:s15] =	ssyncadd.s32 $0xFFFFA000  }
0x24: {  	s25 =	simm.s32 $0x0;
	s24 =	smul.u32 $0xC00, s24;
	_ =	swait.ge @!p0 [sflag:s23], $0x6000  }
0x25: {  	s25 =	sand.u32 $0x380, s25;
	[sflag:s23] =	ssyncset.done @!p0 $0x0  }
0x26: {  	s2 =	sshrl.u32 s2, $0x9;
	s25 =	sor.u32 s25, s24;
	[sflag:s23] =	ssyncadd.s32 @!p0 $0xFFFFA000  }
0x27: {  	s24 =	sand.u32 $0x7F, s2;
	v3 =	vld [tilespmem:s25+$0x0]  }
0x28: {  	s2 =	smul.u32 $0x28, s24;
	_ =	sdelay $0x1  }
0x29: {  	s0 =	sadd.s32 $0x14, s2  }
0x2a: {  	s23 =	scvt.s32.f32 s0  }
0x2b: {  	v0 =	vmul.f32 $2.000000000e+01, v3  }
0x2c: {  	s26 =	scvt.s32.f32 s2;
	s2 =	sadd.s32 $0x27, s2;
	v2 =	vmov s23  }
0x2d: {  	s2 =	scvt.s32.f32 s2;
	v4 =	vadd.f32 v0, v2  }
0x2e: {  	v1 =	vmov s26  }
0x2f: {  	v0 =	vmov s2;
	v4 =	vmax.f32 v4, v1  }
0x30: {  	v5 =	vld [tilespmem:s25+$0x10];
	v4 =	vmin.f32 v4, v0  }
0x31: {  	v4 =	vtrunc.f32 v4  }
0x32: {  	v4 =	vcvt.f32.s32 v4;
	_ =	sdelay $0x2  }
0x33: {  	v6 =	vmul.f32 $2.000000000e+01, v5;
	_ =	sdelay $0x1  }
0x34: {  	v6 =	vadd.f32 v6, v2  }
0x35: {  	v7 =	vld.idx.msk [tilespmem:v4+s11+$0x0], $0xffff  }
0x36: {  	v8 =	vld [tilespmem:s25+$0x20];
	v6 =	vmax.f32 v6, v1  }
0x37: {  	v6 =	vmin.f32 v6, v0;
	v4 =	vld.idx.msk [tilespmem:v4+s13+$0x0], $0xffff  }
0x38: {  	v6 =	vtrunc.f32 v6  }
0x39: {  	v6 =	vcvt.f32.s32 v6  }
0x3a: {  	v3 =	vmul.f32 v7, v3;
	_ =	sdelay $0x1  }
0x3b: {  	v7 =	vmul.f32 $2.000000000e+01, v8;
	v3 =	vadd.f32 v4, v3;
	_ =	sdelay $0x1  }
0x3c: {  	[tilespmem:s25+$0xC000] =	vst v3;
	v3 =	vadd.f32 v7, v2  }
0x3d: {  	v7 =	vld.idx.msk [tilespmem:v6+s11+$0x0], $0xffff  }
0x3e: {  	v4 =	vld [tilespmem:s25+$0x30];
	v3 =	vmax.f32 v3, v1  }
0x3f: {  	v6 =	vld.idx.msk [tilespmem:v6+s13+$0x0], $0xffff;
	v3 =	vmin.f32 v3, v0  }
0x40: {  	v3 =	vtrunc.f32 v3  }
0x41: {  	v3 =	vcvt.f32.s32 v3  }
0x42: {  	v5 =	vmul.f32 v7, v5;
	_ =	sdelay $0x1  }
0x43: {  	v7 =	vmul.f32 $2.000000000e+01, v4;
	v5 =	vadd.f32 v6, v5;
	_ =	sdelay $0x1  }
0x44: {  	[tilespmem:s25+$0xC010] =	vst v5;
	v5 =	vadd.f32 v7, v2  }
0x45: {  	v7 =	vld.idx.msk [tilespmem:v3+s11+$0x0], $0xffff  }
0x46: {  	v6 =	vld [tilespmem:s25+$0x40];
	v5 =	vmax.f32 v5, v1  }
0x47: {  	v3 =	vld.idx.msk [tilespmem:v3+s13+$0x0], $0xffff;
	v5 =	vmin.f32 v5, v0  }
0x48: {  	v5 =	vtrunc.f32 v5  }
0x49: {  	v5 =	vcvt.f32.s32 v5  }
0x4a: {  	v7 =	vmul.f32 v7, v8;
	_ =	sdelay $0x1  }
0x4b: {  	v8 =	vmul.f32 $2.000000000e+01, v6;
	v3 =	vadd.f32 v3, v7;
	_ =	sdelay $0x1  }
0x4c: {  	[tilespmem:s25+$0xC020] =	vst v3;
	v3 =	vadd.f32 v8, v2  }
0x4d: {  	v7 =	vld.idx.msk [tilespmem:v5+s11+$0x0], $0xffff  }
0x4e: {  	v8 =	vld [tilespmem:s25+$0x50];
	v3 =	vmax.f32 v3, v1  }
0x4f: {  	v5 =	vld.idx.msk [tilespmem:v5+s13+$0x0], $0xffff;
	v3 =	vmin.f32 v3, v0  }
0x50: {  	v3 =	vtrunc.f32 v3  }
0x51: {  	v3 =	vcvt.f32.s32 v3  }
0x52: {  	v4 =	vmul.f32 v7, v4;
	_ =	sdelay $0x1  }
0x53: {  	v4 =	vadd.f32 v5, v4;
	v5 =	vmul.f32 $2.000000000e+01, v8;
	_ =	sdelay $0x1  }
0x54: {  	[tilespmem:s25+$0xC030] =	vst v4;
	v4 =	vadd.f32 v5, v2  }
0x55: {  	v5 =	vld.idx.msk [tilespmem:v3+s11+$0x0], $0xffff  }
0x56: {  	v7 =	vld [tilespmem:s25+$0x60];
	v4 =	vmax.f32 v4, v1  }
0x57: {  	v3 =	vld.idx.msk [tilespmem:v3+s13+$0x0], $0xffff;
	v4 =	vmin.f32 v4, v0  }
0x58: {  	v4 =	vtrunc.f32 v4  }
0x59: {  	s26 =	simm.s32 $0x0;
	v4 =	vcvt.f32.s32 v4  }
0x5a: {  	s0 =	simm.s32 $0x80;
	s2 =	smul.u32 $0xC00, s26;
	v5 =	vmul.f32 v5, v6  }
0x5b: {  	s23 =	sand.u32 $0x380, s0  }
0x5c: {  	s26 =	sor.u32 s23, s2;
	v3 =	vadd.f32 v3, v5;
	v5 =	vmul.f32 $2.000000000e+01, v7  }
0x5d: {  	v6 =	vld [tilespmem:s26+$0x0]  }
0x5e: {  	[tilespmem:s25+$0xC040] =	vst v3;
	v3 =	vadd.f32 v5, v2  }
0x5f: {  	v5 =	vld.idx.msk [tilespmem:v4+s11+$0x0], $0xffff  }
0x60: {  	v9 =	vld [tilespmem:s25+$0x70];
	v3 =	vmax.f32 v3, v1  }
0x61: {  	v4 =	vld.idx.msk [tilespmem:v4+s13+$0x0], $0xffff;
	v3 =	vmin.f32 v3, v0  }
0x62: {  	v10 =	vmul.f32 $2.000000000e+01, v6;
	v3 =	vtrunc.f32 v3  }
0x63: {  	v3 =	vcvt.f32.s32 v3  }
0x64: {  	v10 =	vadd.f32 v10, v2;
	v5 =	vmul.f32 v5, v8;
	_ =	sdelay $0x1  }
0x65: {  	v8 =	vmax.f32 v10, v1;
	v4 =	vadd.f32 v4, v5;
	v5 =	vmul.f32 $2.000000000e+01, v9  }
0x66: {  	v10 =	vld [tilespmem:s26+$0x10];
	v8 =	vmin.f32 v8, v0  }
0x67: {  	v8 =	vtrunc.f32 v8;
	[tilespmem:s25+$0xC050] =	vst v4;
	v4 =	vadd.f32 v5, v2  }
0x68: {  	v5 =	vcvt.f32.s32 v8;
	v8 =	vld.idx.msk [tilespmem:v3+s11+$0x0], $0xffff  }
0x69: {  	v11 =	vld [tilespmem:s25+$0x400];
	v4 =	vmax.f32 v4, v1  }
0x6a: {  	v3 =	vld.idx.msk [tilespmem:v3+s13+$0x0], $0xffff;
	v4 =	vmin.f32 v4, v0  }
0x6b: {  	v12 =	vmul.f32 $2.000000000e+01, v10;
	v4 =	vtrunc.f32 v4  }
0x6c: {  	v4 =	vcvt.f32.s32 v4  }
0x6d: {  	v12 =	vadd.f32 v12, v2;
	v7 =	vmul.f32 v8, v7  }
0x6e: {  	v8 =	vld.idx.msk [tilespmem:v5+s11+$0x0], $0xffff  }
0x6f: {  	v13 =	vld [tilespmem:s26+$0x20];
	v12 =	vmax.f32 v12, v1;
	v3 =	vadd.f32 v3, v7;
	v7 =	vmul.f32 $2.000000000e+01, v11  }
0x70: {  	v5 =	vld.idx.msk [tilespmem:v5+s13+$0x0], $0xffff;
	v12 =	vmin.f32 v12, v0  }
0x71: {  	v12 =	vtrunc.f32 v12;
	[tilespmem:s25+$0xC060] =	vst v3;
	v3 =	vadd.f32 v7, v2  }
0x72: {  	v7 =	vcvt.f32.s32 v12;
	v12 =	vld.idx.msk [tilespmem:v4+s11+$0x0], $0xffff  }
0x73: {  	v6 =	vmul.f32 v8, v6;
	v4 =	vld.idx.msk [tilespmem:v4+s13+$0x0], $0xffff;
	v3 =	vmax.f32 v3, v1  }
0x74: {  	v8 =	vld [tilespmem:s25+$0x410];
	v3 =	vmin.f32 v3, v0  }
0x75: {  	v14 =	vmul.f32 $2.000000000e+01, v13;
	v5 =	vadd.f32 v5, v6;
	v3 =	vtrunc.f32 v3  }
0x76: {  	v3 =	vcvt.f32.s32 v3  }
0x77: {  	[tilespmem:s26+$0xC000] =	vst v5;
	v5 =	vadd.f32 v14, v2;
	v9 =	vmul.f32 v12, v9  }
0x78: {  	v12 =	vld.idx.msk [tilespmem:v7+s11+$0x0], $0xffff  }
0x79: {  	v6 =	vld [tilespmem:s26+$0x30];
	v5 =	vmax.f32 v5, v1;
	v4 =	vadd.f32 v4, v9;
	v9 =	vmul.f32 $2.000000000e+01, v8  }
0x7a: {  	v7 =	vld.idx.msk [tilespmem:v7+s13+$0x0], $0xffff;
	v5 =	vmin.f32 v5, v0  }
0x7b: {  	v5 =	vtrunc.f32 v5;
	[tilespmem:s25+$0xC070] =	vst v4;
	v4 =	vadd.f32 v9, v2  }
0x7c: {  	v5 =	vcvt.f32.s32 v5;
	v9 =	vld.idx.msk [tilespmem:v3+s11+$0x0], $0xffff  }
0x7d: {  	v10 =	vmul.f32 v12, v10;
	v3 =	vld.idx.msk [tilespmem:v3+s13+$0x0], $0xffff;
	v4 =	vmax.f32 v4, v1  }
0x7e: {  	v12 =	vld [tilespmem:s25+$0x420];
	v4 =	vmin.f32 v4, v0  }
0x7f: {  	v14 =	vmul.f32 $2.000000000e+01, v6;
	v7 =	vadd.f32 v7, v10;
	v4 =	vtrunc.f32 v4  }
0x80: {  	v4 =	vcvt.f32.s32 v4  }
0x81: {  	[tilespmem:s26+$0xC010] =	vst v7;
	v7 =	vadd.f32 v14, v2;
	v9 =	vmul.f32 v9, v11  }
0x82: {  	v11 =	vld.idx.msk [tilespmem:v5+s11+$0x0], $0xffff  }
0x83: {  	v10 =	vld [tilespmem:s26+$0x40];
	v7 =	vmax.f32 v7, v1;
	v3 =	vadd.f32 v3, v9;
	v9 =	vmul.f32 $2.000000000e+01, v12  }
0x84: {  	v5 =	vld.idx.msk [tilespmem:v5+s13+$0x0], $0xffff;
	v7 =	vmin.f32 v7, v0  }
0x85: {  	v7 =	vtrunc.f32 v7;
	[tilespmem:s25+$0xC400] =	vst v3;
	v3 =	vadd.f32 v9, v2  }
0x86: {  	v7 =	vcvt.f32.s32 v7;
	v9 =	vld.idx.msk [tilespmem:v4+s11+$0x0], $0xffff  }
0x87: {  	v11 =	vmul.f32 v11, v13;
	v4 =	vld.idx.msk [tilespmem:v4+s13+$0x0], $0xffff;
	v3 =	vmax.f32 v3, v1  }
0x88: {  	v13 =	vld [tilespmem:s25+$0x430];
	v3 =	vmin.f32 v3, v0  }
0x89: {  	v14 =	vmul.f32 $2.000000000e+01, v10;
	v5 =	vadd.f32 v5, v11;
	v3 =	vtrunc.f32 v3  }
0x8a: {  	v3 =	vcvt.f32.s32 v3  }
0x8b: {  	[tilespmem:s26+$0xC020] =	vst v5;
	v5 =	vadd.f32 v14, v2;
	v8 =	vmul.f32 v9, v8  }
0x8c: {  	v9 =	vld.idx.msk [tilespmem:v7+s11+$0x0], $0xffff  }
0x8d: {  	v11 =	vld [tilespmem:s26+$0x50];
	v5 =	vmax.f32 v5, v1;
	v4 =	vadd.f32 v4, v8;
	v8 =	vmul.f32 $2.000000000e+01, v13  }
0x8e: {  	v7 =	vld.idx.msk [tilespmem:v7+s13+$0x0], $0xffff;
	v5 =	vmin.f32 v5, v0  }
0x8f: {  	v5 =	vtrunc.f32 v5;
	[tilespmem:s25+$0xC410] =	vst v4;
	v4 =	vadd.f32 v8, v2  }
0x90: {  	v5 =	vcvt.f32.s32 v5;
	v8 =	vld.idx.msk [tilespmem:v3+s11+$0x0], $0xffff  }
0x91: {  	v6 =	vmul.f32 v9, v6;
	v3 =	vld.idx.msk [tilespmem:v3+s13+$0x0], $0xffff;
	v4 =	vmax.f32 v4, v1  }
0x92: {  	v9 =	vld [tilespmem:s25+$0x440];
	v4 =	vmin.f32 v4, v0  }
0x93: {  	v6 =	vadd.f32 v7, v6;
	v7 =	vmul.f32 $2.000000000e+01, v11;
	v4 =	vtrunc.f32 v4  }
0x94: {  	v4 =	vcvt.f32.s32 v4  }
0x95: {  	[tilespmem:s26+$0xC030] =	vst v6;
	v6 =	vadd.f32 v7, v2;
	v7 =	vmul.f32 v8, v12  }
0x96: {  	v8 =	vld.idx.msk [tilespmem:v5+s11+$0x0], $0xffff  }
0x97: {  	v5 =	vld.idx.msk [tilespmem:v5+s13+$0x0], $0xffff;
	v6 =	vmax.f32 v6, v1;
	v3 =	vadd.f32 v3, v7;
	v7 =	vmul.f32 $2.000000000e+01, v9  }
0x98: {  	v12 =	vld [tilespmem:s26+$0x60];
	v6 =	vmin.f32 v6, v0  }
0x99: {  	v6 =	vtrunc.f32 v6;
	[tilespmem:s25+$0xC420] =	vst v3;
	v3 =	vadd.f32 v7, v2  }
0x9a: {  	s23 =	simm.s32 $0x0;
	v6 =	vcvt.f32.s32 v6;
	v7 =	vld.idx.msk [tilespmem:v4+s11+$0x0], $0xffff  }
0x9b: {  	s0 =	simm.s32 $0x100;
	s2 =	smul.u32 $0xC00, s23;
	v8 =	vmul.f32 v8, v10;
	v3 =	vmax.f32 v3, v1  }
0x9c: {  	s23 =	sand.u32 $0x380, s0;
	v4 =	vld.idx.msk [tilespmem:v4+s13+$0x0], $0xffff;
	v3 =	vmin.f32 v3, v0  }
0x9d: {  	s28 =	sor.u32 s23, s2;
	v10 =	vld [tilespmem:s25+$0x450];
	v14 =	vmul.f32 $2.000000000e+01, v12;
	v5 =	vadd.f32 v5, v8;
	v3 =	vtrunc.f32 v3  }
0x9e: {  	v8 =	vld [tilespmem:s28+$0x0];
	v3 =	vcvt.f32.s32 v3  }
0x9f: {  	[tilespmem:s26+$0xC040] =	vst v5;
	v5 =	vadd.f32 v14, v2;
	v7 =	vmul.f32 v7, v13  }
0xa0: {  	v13 =	vld.idx.msk [tilespmem:v6+s11+$0x0], $0xffff  }
0xa1: {  	v15 =	vld [tilespmem:s26+$0x70];
	v5 =	vmax.f32 v5, v1;
	v4 =	vadd.f32 v4, v7  }
0xa2: {  	v6 =	vld.idx.msk [tilespmem:v6+s13+$0x0], $0xffff;
	v7 =	vmul.f32 $2.000000000e+01, v10;
	v5 =	vmin.f32 v5, v0  }
0xa3: {  	v14 =	vmul.f32 $2.000000000e+01, v8;
	v5 =	vtrunc.f32 v5;
	[tilespmem:s25+$0xC430] =	vst v4  }
0xa4: {  	v4 =	vcvt.f32.s32 v5;
	v7 =	vadd.f32 v7, v2;
	v5 =	vld.idx.msk [tilespmem:v3+s11+$0x0], $0xffff  }
0xa5: {  	v14 =	vadd.f32 v14, v2;
	v11 =	vmul.f32 v13, v11;
	v13 =	vld [tilespmem:s25+$0x460]  }
0xa6: {  	v16 =	vmul.f32 $2.000000000e+01, v15;
	v3 =	vld.idx.msk [tilespmem:v3+s13+$0x0], $0xffff;
	v7 =	vmax.f32 v7, v1  }
0xa7: {  	v14 =	vmax.f32 v14, v1;
	v6 =	vadd.f32 v6, v11;
	v7 =	vmin.f32 v7, v0;
	v11 =	vld [tilespmem:s28+$0x10]  }
0xa8: {  	v14 =	vmin.f32 v14, v0;
	v7 =	vtrunc.f32 v7  }
0xa9: {  	v14 =	vtrunc.f32 v14;
	[tilespmem:s26+$0xC050] =	vst v6;
	v6 =	vcvt.f32.s32 v7;
	v7 =	vadd.f32 v16, v2  }
0xaa: {  	v14 =	vcvt.f32.s32 v14;
	v16 =	vld.idx.msk [tilespmem:v4+s11+$0x0], $0xffff;
	v5 =	vmul.f32 v5, v9  }
0xab: {  	v17 =	vld [tilespmem:s26+$0x400];
	v9 =	vmul.f32 $2.000000000e+01, v13;
	v7 =	vmax.f32 v7, v1  }
0xac: {  	v4 =	vld.idx.msk [tilespmem:v4+s13+$0x0], $0xffff;
	v3 =	vadd.f32 v3, v5;
	v5 =	vmul.f32 $2.000000000e+01, v11;
	v7 =	vmin.f32 v7, v0  }
0xad: {  	v18 =	vld [tilespmem:s25+$0x470];
	v7 =	vtrunc.f32 v7  }
0xae: {  	v19 =	vld [tilespmem:s28+$0x20];
	[tilespmem:s25+$0xC440] =	vst v3;
	v3 =	vcvt.f32.s32 v7;
	v7 =	vadd.f32 v9, v2;
	v5 =	vadd.f32 v5, v2  }
0xaf: {  	v9 =	vld.idx.msk [tilespmem:v6+s11+$0x0], $0xffff;
	v12 =	vmul.f32 v16, v12  }
0xb0: {  	v16 =	vld.idx.msk [tilespmem:v14+s11+$0x0], $0xffff;
	v7 =	vmax.f32 v7, v1;
	v5 =	vmax.f32 v5, v1  }
0xb1: {  	v6 =	vld.idx.msk [tilespmem:v6+s13+$0x0], $0xffff;
	v4 =	vadd.f32 v4, v12;
	v7 =	vmin.f32 v7, v0;
	v12 =	vmul.f32 $2.000000000e+01, v17  }
0xb2: {  	v14 =	vld.idx.msk [tilespmem:v14+s13+$0x0], $0xffff;
	v5 =	vmin.f32 v5, v0;
	v7 =	vtrunc.f32 v7  }
0xb3: {  	v5 =	vtrunc.f32 v5;
	[tilespmem:s26+$0xC060] =	vst v4;
	v4 =	vcvt.f32.s32 v7;
	v7 =	vadd.f32 v12, v2  }
0xb4: {  	v5 =	vcvt.f32.s32 v5;
	v12 =	vld.idx.msk [tilespmem:v3+s11+$0x0], $0xffff;
	v9 =	vmul.f32 v9, v10  }
0xb5: {  	v20 =	vld [tilespmem:s26+$0x410];
	v10 =	vmul.f32 $2.000000000e+01, v18;
	v8 =	vmul.f32 v16, v8;
	v7 =	vmax.f32 v7, v1  }
0xb6: {  	v3 =	vld.idx.msk [tilespmem:v3+s13+$0x0], $0xffff;
	v16 =	vmul.f32 $2.000000000e+01, v19;
	v6 =	vadd.f32 v6, v9;
	v7 =	vmin.f32 v7, v0  }
0xb7: {  	v21 =	vld [tilespmem:s25+$0x800];
	v8 =	vadd.f32 v14, v8;
	v7 =	vtrunc.f32 v7  }
0xb8: {  	v14 =	vld [tilespmem:s28+$0x30];
	v9 =	vadd.f32 v16, v2;
	[tilespmem:s25+$0xC450] =	vst v6;
	v6 =	vcvt.f32.s32 v7;
	v7 =	vadd.f32 v10, v2  }
0xb9: {  	[tilespmem:s28+$0xC000] =	vst v8;
	v8 =	vld.idx.msk [tilespmem:v4+s11+$0x0], $0xffff;
	v10 =	vmul.f32 v12, v15  }
0xba: {  	v9 =	vmax.f32 v9, v1;
	v12 =	vld.idx.msk [tilespmem:v5+s11+$0x0], $0xffff;
	v7 =	vmax.f32 v7, v1  }
0xbb: {  	v4 =	vld.idx.msk [tilespmem:v4+s13+$0x0], $0xffff;
	v3 =	vadd.f32 v3, v10;
	v7 =	vmin.f32 v7, v0;
	v10 =	vmul.f32 $2.000000000e+01, v20  }
0xbc: {  	v5 =	vld.idx.msk [tilespmem:v5+s13+$0x0], $0xffff;
	v9 =	vmin.f32 v9, v0;
	v7 =	vtrunc.f32 v7  }
0xbd: {  	v9 =	vtrunc.f32 v9;
	[tilespmem:s26+$0xC070] =	vst v3;
	v3 =	vcvt.f32.s32 v7;
	v7 =	vadd.f32 v10, v2  }
0xbe: {  	v9 =	vcvt.f32.s32 v9;
	v10 =	vld.idx.msk [tilespmem:v6+s11+$0x0], $0xffff;
	v8 =	vmul.f32 v8, v13  }
0xbf: {  	v23 =	vld [tilespmem:s28+$0x40];
	v11 =	vmul.f32 v12, v11;
	v7 =	vmax.f32 v7, v1  }
0xc0: {  	v12 =	vmul.f32 $2.000000000e+01, v21;
	v6 =	vld.idx.msk [tilespmem:v6+s13+$0x0], $0xffff;
	v4 =	vadd.f32 v4, v8;
	v7 =	vmin.f32 v7, v0  }
0xc1: {  	v13 =	vld [tilespmem:s26+$0x420];
	v8 =	vmul.f32 $2.000000000e+01, v14;
	v5 =	vadd.f32 v5, v11;
	v7 =	vtrunc.f32 v7  }
0xc2: {  	v22 =	vld [tilespmem:s25+$0x810];
	[tilespmem:s25+$0xC460] =	vst v4;
	v4 =	vcvt.f32.s32 v7;
	v7 =	vadd.f32 v12, v2  }
0xc3: {  	[tilespmem:s28+$0xC010] =	vst v5;
	v8 =	vadd.f32 v8, v2;
	v5 =	vld.idx.msk [tilespmem:v3+s11+$0x0], $0xffff;
	v10 =	vmul.f32 v10, v17  }
0xc4: {  	v11 =	vld.idx.msk [tilespmem:v9+s11+$0x0], $0xffff;
	v7 =	vmax.f32 v7, v1  }
0xc5: {  	v12 =	vld.idx.msk [tilespmem:v3+s13+$0x0], $0xffff;
	v3 =	vmax.f32 v8, v1;
	v6 =	vadd.f32 v6, v10;
	v7 =	vmin.f32 v7, v0  }
0xc6: {  	v8 =	vld.idx.msk [tilespmem:v9+s13+$0x0], $0xffff;
	v9 =	vmin.f32 v3, v0;
	v10 =	vmul.f32 $2.000000000e+01, v13;
	v7 =	vtrunc.f32 v7  }
0xc7: {  	v9 =	vtrunc.f32 v9;
	[tilespmem:s26+$0xC400] =	vst v6;
	v7 =	vcvt.f32.s32 v7  }
0xc8: {  	v15 =	vcvt.f32.s32 v9;
	v6 =	vadd.f32 v10, v2;
	v16 =	vld.idx.msk [tilespmem:v4+s11+$0x0], $0xffff;
	v5 =	vmul.f32 v5, v18  }
0xc9: {  	v9 =	vmul.f32 v11, v19  }
0xca: {  	v10 =	vmul.f32 $2.000000000e+01, v22;
	v4 =	vld.idx.msk [tilespmem:v4+s13+$0x0], $0xffff;
	v11 =	vmax.f32 v6, v1;
	v5 =	vadd.f32 v12, v5  }
0xcb: {  	v12 =	vmul.f32 $2.000000000e+01, v23;
	v8 =	vadd.f32 v8, v9;
	v11 =	vmin.f32 v11, v0;
	v9 =	vld [tilespmem:s26+$0x430]  }
0xcc: {  	v6 =	vld [tilespmem:s25+$0x820];
	v11 =	vtrunc.f32 v11;
	[tilespmem:s25+$0xC470] =	vst v5;
	v5 =	vadd.f32 v10, v2  }
0xcd: {  	[tilespmem:s28+$0xC020] =	vst v8;
	v8 =	vcvt.f32.s32 v11;
	v10 =	vadd.f32 v12, v2;
	v11 =	vld.idx.msk [tilespmem:v7+s11+$0x0], $0xffff;
	v12 =	vmul.f32 v16, v20  }
0xce: {  	v16 =	vld.idx.msk [tilespmem:v15+s11+$0x0], $0xffff;
	v5 =	vmax.f32 v5, v1  }
0xcf: {  	v7 =	vld.idx.msk [tilespmem:v7+s13+$0x0], $0xffff;
	v10 =	vmax.f32 v10, v1;
	v4 =	vadd.f32 v4, v12;
	v5 =	vmin.f32 v5, v0  }
0xd0: {  	v12 =	vld.idx.msk [tilespmem:v15+s13+$0x0], $0xffff;
	v15 =	vmin.f32 v10, v0;
	v17 =	vmul.f32 $2.000000000e+01, v9;
	v5 =	vtrunc.f32 v5  }
0xd1: {  	v10 =	vld [tilespmem:s28+$0x50];
	v15 =	vtrunc.f32 v15;
	v5 =	vcvt.f32.s32 v5  }
0xd2: {  	v3 =	vld [tilespmem:s25+$0x870];
	[tilespmem:s26+$0xC410] =	vst v4;
	v15 =	vcvt.f32.s32 v15;
	v4 =	vadd.f32 v17, v2;
	v11 =	vmul.f32 v11, v21  }
0xd3: {  	v17 =	vld.idx.msk [tilespmem:v8+s11+$0x0], $0xffff;
	v14 =	vmul.f32 v16, v14  }
0xd4: {  	v16 =	vld.idx.msk [tilespmem:v8+s13+$0x0], $0xffff;
	v4 =	vmax.f32 v4, v1;
	v7 =	vadd.f32 v7, v11  }
0xd5: {  	v11 =	vadd.f32 v12, v14;
	v8 =	vmin.f32 v4, v0;
	v12 =	vmul.f32 $2.000000000e+01, v6;
	v4 =	vld [tilespmem:s25+$0x860]  }
0xd6: {  	v14 =	vmul.f32 $2.000000000e+01, v10;
	v18 =	vtrunc.f32 v8;
	v8 =	vld [tilespmem:s26+$0x440];
	[tilespmem:s25+$0xC800] =	vst v7  }
0xd7: {  	s23 =	smul.u32 $0x156, s22;
	[tilespmem:s28+$0xC030] =	vst v11;
	v11 =	vcvt.f32.s32 v18;
	v12 =	vadd.f32 v12, v2;
	v7 =	vld.idx.msk [tilespmem:v5+s11+$0x0], $0xffff  }
0xd8: {  	v14 =	vadd.f32 v14, v2;
	v18 =	vld.idx.msk [tilespmem:v15+s11+$0x0], $0xffff;
	v17 =	vmul.f32 v17, v13  }
0xd9: {  	s2 =	sshrl.u32 s23, $0xA;
	v13 =	vld.idx.msk [tilespmem:v5+s13+$0x0], $0xffff;
	v5 =	vmax.f32 v12, v1  }
0xda: {  	s2 =	sand.u32 $0x3F, s2;
	v19 =	vld.idx.msk [tilespmem:v15+s13+$0x0], $0xffff;
	v12 =	vmax.f32 v14, v1;
	v15 =	vadd.f32 v16, v17;
	v14 =	vmin.f32 v5, v0  }
0xdb: {  	s2 =	smul.u32 $0x6, s2;
	v12 =	vmin.f32 v12, v0;
	v5 =	vld [tilespmem:s25+$0x830];
	v16 =	vmul.f32 $2.000000000e+01, v8;
	v17 =	vtrunc.f32 v14  }
0xdc: {  	s30 =	simm.s32 $0x4;
	s23 =	sshll.u32 s22, $0x1;
	v20 =	vtrunc.f32 v12;
	v14 =	vld [tilespmem:s28+$0x60];
	[tilespmem:s26+$0xC420] =	vst v15;
	v12 =	vcvt.f32.s32 v17  }
0xdd: {  	s31 =	simm.s32 $0x180;
	s0 =	simm.s32 $0x0;
	s2 =	ssub.s32 s23, s2;
	v20 =	vcvt.f32.s32 v20;
	v15 =	vld.idx.msk [tilespmem:v11+s11+$0x0], $0xffff;
	v16 =	vadd.f32 v16, v2;
	v17 =	vmul.f32 v7, v22  }
0xde: {  	s24 =	sadd.s32 s24, s3;
	s29 =	sand.u32 $0xFE, s2;
	s2 =	smul.u32 $0xC00, s0;
	v18 =	vmul.f32 v18, v23;
	v7 =	vld [tilespmem:s26+$0x450]  }
.LBB2_3:
0xdf: {  	p1 =	sne.s32 s30, $0x3F;
	s0 =	sand.u32 $0x380, s31;
	v11 =	vld.idx.msk [tilespmem:v11+s13+$0x0], $0xffff;
	v16 =	vmax.f32 v16, v1;
	v17 =	vadd.f32 v13, v17  }
0xe0: {  	s2 =	sor.u32 s0, s2;
	v18 =	vadd.f32 v19, v18;
	v16 =	vmin.f32 v16, v0;
	v19 =	vmul.f32 $2.000000000e+01, v5;
	v13 =	vld [tilespmem:s25+$0x840]  }
0xe1: {  	v21 =	vld [tilespmem:s2+$0x0];
	v22 =	vmul.f32 $2.000000000e+01, v14;
	v16 =	vtrunc.f32 v16;
	[tilespmem:s25+$0xC810] =	vst v17  }
0xe2: {  	[tilespmem:s28+$0xC040] =	vst v18;
	v16 =	vcvt.f32.s32 v16;
	v17 =	vld.idx.msk [tilespmem:v12+s11+$0x0], $0xffff;
	v18 =	vadd.f32 v19, v2  }
0xe3: {  	v9 =	vmul.f32 v15, v9;
	v19 =	vld.idx.msk [tilespmem:v20+s11+$0x0], $0xffff;
	v22 =	vadd.f32 v22, v2  }
0xe4: {  	v15 =	vmul.f32 $2.000000000e+01, v7;
	v12 =	vld.idx.msk [tilespmem:v12+s13+$0x0], $0xffff;
	v18 =	vmax.f32 v18, v1  }
0xe5: {  	v11 =	vadd.f32 v11, v9;
	v20 =	vld.idx.msk [tilespmem:v20+s13+$0x0], $0xffff;
	v22 =	vmax.f32 v22, v1;
	v9 =	vmin.f32 v18, v0  }
0xe6: {  	v18 =	vmul.f32 $2.000000000e+01, v21;
	v22 =	vmin.f32 v22, v0;
	v23 =	vtrunc.f32 v9;
	v9 =	vld [tilespmem:s25+$0x850]  }
0xe7: {  	v22 =	vtrunc.f32 v22;
	v24 =	vld [tilespmem:s28+$0x70];
	[tilespmem:s26+$0xC430] =	vst v11;
	v11 =	vcvt.f32.s32 v23  }
0xe8: {  	v15 =	vadd.f32 v15, v2;
	v6 =	vmul.f32 v17, v6;
	v22 =	vcvt.f32.s32 v22;
	v23 =	vld.idx.msk [tilespmem:v16+s11+$0x0], $0xffff  }
0xe9: {  	v17 =	vadd.f32 v18, v2;
	v18 =	vmul.f32 v19, v10;
	v10 =	vld [tilespmem:s26+$0x460]  }
0xea: {  	v25 =	vmul.f32 $2.000000000e+01, v13;
	v15 =	vmax.f32 v15, v1;
	v12 =	vadd.f32 v12, v6;
	v19 =	vld.idx.msk [tilespmem:v16+s13+$0x0], $0xffff  }
0xeb: {  	v15 =	vmin.f32 v15, v0;
	v16 =	vmax.f32 v17, v1;
	v17 =	vadd.f32 v20, v18;
	v6 =	vld [tilespmem:s26+$0x470]  }
0xec: {  	v15 =	vtrunc.f32 v15;
	v18 =	vmin.f32 v16, v0;
	v16 =	vld [tilespmem:s2+$0x10];
	v20 =	vmul.f32 $2.000000000e+01, v24;
	[tilespmem:s25+$0xC820] =	vst v12  }
0xed: {  	v12 =	vtrunc.f32 v18;
	[tilespmem:s28+$0xC050] =	vst v17;
	v17 =	vcvt.f32.s32 v15;
	v18 =	vld.idx.msk [tilespmem:v11+s11+$0x0], $0xffff;
	v15 =	vadd.f32 v25, v2  }
0xee: {  	v12 =	vcvt.f32.s32 v12;
	v8 =	vmul.f32 v23, v8;
	v25 =	vld.idx.msk [tilespmem:v22+s11+$0x0], $0xffff;
	v20 =	vadd.f32 v20, v2  }
0xef: {  	v23 =	vmul.f32 $2.000000000e+01, v10;
	v11 =	vld.idx.msk [tilespmem:v11+s13+$0x0], $0xffff;
	v15 =	vmax.f32 v15, v1  }
0xf0: {  	v19 =	vadd.f32 v19, v8;
	v22 =	vld.idx.msk [tilespmem:v22+s13+$0x0], $0xffff;
	v20 =	vmax.f32 v20, v1;
	v8 =	vmin.f32 v15, v0  }
0xf1: {  	v26 =	vmul.f32 $2.000000000e+01, v16;
	v20 =	vmin.f32 v20, v0;
	v15 =	vld [tilespmem:s28+$0x400];
	v27 =	vtrunc.f32 v8  }
0xf2: {  	v8 =	vld [tilespmem:s2+$0x20];
	v20 =	vtrunc.f32 v20;
	[tilespmem:s26+$0xC440] =	vst v19;
	v19 =	vcvt.f32.s32 v27  }
0xf3: {  	v23 =	vadd.f32 v23, v2;
	v5 =	vmul.f32 v18, v5;
	v20 =	vcvt.f32.s32 v20;
	v27 =	vld.idx.msk [tilespmem:v17+s11+$0x0], $0xffff  }
0xf4: {  	v26 =	vadd.f32 v26, v2;
	v14 =	vmul.f32 v25, v14;
	v25 =	vmul.f32 $2.000000000e+01, v9;
	v18 =	vld.idx.msk [tilespmem:v12+s11+$0x0], $0xffff  }
0xf5: {  	v28 =	vmul.f32 $2.000000000e+01, v6;
	v23 =	vmax.f32 v23, v1;
	v11 =	vadd.f32 v11, v5;
	v17 =	vld.idx.msk [tilespmem:v17+s13+$0x0], $0xffff  }
0xf6: {  	v5 =	vmax.f32 v26, v1;
	v14 =	vadd.f32 v22, v14;
	v22 =	vmin.f32 v23, v0;
	v12 =	vld.idx.msk [tilespmem:v12+s13+$0x0], $0xffff  }
0xf7: {  	v23 =	vmin.f32 v5, v0;
	v26 =	vmul.f32 $2.000000000e+01, v15;
	v22 =	vtrunc.f32 v22;
	v5 =	vld [tilespmem:s26+$0x800];
	[tilespmem:s25+$0xC830] =	vst v11  }
0xf8: {  	v11 =	vtrunc.f32 v23;
	v23 =	vadd.f32 v25, v2;
	[tilespmem:s28+$0xC060] =	vst v14;
	v14 =	vcvt.f32.s32 v22;
	v22 =	vld.idx.msk [tilespmem:v19+s11+$0x0], $0xffff  }
0xf9: {  	v25 =	vcvt.f32.s32 v11;
	v11 =	vadd.f32 v26, v2;
	v7 =	vmul.f32 v27, v7;
	v29 =	vld.idx.msk [tilespmem:v20+s11+$0x0], $0xffff  }
0xfa: {  	v18 =	vmul.f32 v18, v21;
	v21 =	vmul.f32 $2.000000000e+01, v8;
	v23 =	vmax.f32 v23, v1;
	v19 =	vld.idx.msk [tilespmem:v19+s13+$0x0], $0xffff  }
0xfb: {  	v11 =	vmax.f32 v11, v1;
	v7 =	vadd.f32 v17, v7;
	v17 =	vmin.f32 v23, v0;
	v20 =	vld.idx.msk [tilespmem:v20+s13+$0x0], $0xffff  }
0xfc: {  	v18 =	vadd.f32 v12, v18;
	v23 =	vmin.f32 v11, v0;
	v17 =	vtrunc.f32 v17;
	v12 =	vld [tilespmem:s28+$0x410]  }
0xfd: {  	v23 =	vtrunc.f32 v23;
	v17 =	vcvt.f32.s32 v17;
	v11 =	vld [tilespmem:s2+$0x30];
	[tilespmem:s26+$0xC450] =	vst v7  }
0xfe: {  	v7 =	vadd.f32 v28, v2;
	v13 =	vmul.f32 v22, v13;
	[tilespmem:s2+$0xC000] =	vst v18;
	v18 =	vcvt.f32.s32 v23;
	v23 =	vld.idx.msk [tilespmem:v14+s11+$0x0], $0xffff  }
0xff: {  	v26 =	vmul.f32 $2.000000000e+01, v4;
	v21 =	vadd.f32 v21, v2;
	v24 =	vmul.f32 v29, v24;
	v22 =	vld.idx.msk [tilespmem:v25+s11+$0x0], $0xffff  }
0x100: {  	v27 =	vmul.f32 $2.000000000e+01, v5;
	v7 =	vmax.f32 v7, v1;
	v13 =	vadd.f32 v19, v13;
	v14 =	vld.idx.msk [tilespmem:v14+s13+$0x0], $0xffff  }
0x101: {  	v21 =	vmax.f32 v21, v1;
	v20 =	vadd.f32 v20, v24;
	v7 =	vmin.f32 v7, v0;
	v19 =	vld.idx.msk [tilespmem:v25+s13+$0x0], $0xffff  }
0x102: {  	v21 =	vmin.f32 v21, v0;
	v24 =	vmul.f32 $2.000000000e+01, v12;
	v25 =	vtrunc.f32 v7;
	v7 =	vld [tilespmem:s26+$0x810];
	[tilespmem:s25+$0xC840] =	vst v13  }
0x103: {  	v13 =	vtrunc.f32 v21;
	[tilespmem:s28+$0xC070] =	vst v20;
	v20 =	vcvt.f32.s32 v25;
	v21 =	vld.idx.msk [tilespmem:v17+s11+$0x0], $0xffff;
	v25 =	vadd.f32 v26, v2  }
0x104: {  	v13 =	vcvt.f32.s32 v13;
	v24 =	vadd.f32 v24, v2;
	v10 =	vmul.f32 v23, v10;
	v26 =	vld.idx.msk [tilespmem:v18+s11+$0x0], $0xffff  }
0x105: {  	v16 =	vmul.f32 v22, v16;
	v22 =	vmul.f32 $2.000000000e+01, v11;
	v17 =	vld.idx.msk [tilespmem:v17+s13+$0x0], $0xffff;
	v23 =	vmax.f32 v25, v1  }
0x106: {  	v10 =	vadd.f32 v14, v10;
	v25 =	vld.idx.msk [tilespmem:v18+s13+$0x0], $0xffff;
	v18 =	vmax.f32 v24, v1;
	v14 =	vmin.f32 v23, v0  }
0x107: {  	v16 =	vadd.f32 v19, v16;
	v19 =	vmin.f32 v18, v0;
	v23 =	vld [tilespmem:s28+$0x420];
	v14 =	vtrunc.f32 v14  }
0x108: {  	v18 =	vld [tilespmem:s2+$0x40];
	v19 =	vtrunc.f32 v19;
	[tilespmem:s26+$0xC460] =	vst v10;
	v10 =	vcvt.f32.s32 v14  }
0x109: {  	v9 =	vmul.f32 v21, v9;
	[tilespmem:s2+$0xC010] =	vst v16;
	v14 =	vcvt.f32.s32 v19;
	v16 =	vld.idx.msk [tilespmem:v20+s11+$0x0], $0xffff;
	v19 =	vadd.f32 v27, v2  }
0x10a: {  	v22 =	vadd.f32 v22, v2;
	v24 =	vmul.f32 $2.000000000e+01, v3;
	v15 =	vmul.f32 v26, v15;
	v21 =	vld.idx.msk [tilespmem:v13+s11+$0x0], $0xffff  }
0x10b: {  	v26 =	vmul.f32 $2.000000000e+01, v7;
	v9 =	vadd.f32 v17, v9;
	v20 =	vld.idx.msk [tilespmem:v20+s13+$0x0], $0xffff;
	v19 =	vmax.f32 v19, v1  }
0x10c: {  	v17 =	vmax.f32 v22, v1;
	v15 =	vadd.f32 v25, v15;
	v13 =	vld.idx.msk [tilespmem:v13+s13+$0x0], $0xffff;
	v19 =	vmin.f32 v19, v0  }
0x10d: {  	v17 =	vmin.f32 v17, v0;
	v22 =	vmul.f32 $2.000000000e+01, v23;
	v19 =	vtrunc.f32 v19;
	v25 =	vld [tilespmem:s26+$0x870];
	[tilespmem:s25+$0xC850] =	vst v9  }
0x10e: {  	v9 =	vtrunc.f32 v17;
	[tilespmem:s28+$0xC400] =	vst v15;
	v15 =	vcvt.f32.s32 v19;
	v17 =	vld.idx.msk [tilespmem:v10+s11+$0x0], $0xffff;
	v19 =	vadd.f32 v24, v2  }
0x10f: {  	v24 =	vcvt.f32.s32 v9;
	v9 =	vadd.f32 v22, v2;
	v6 =	vmul.f32 v16, v6;
	v27 =	vld.idx.msk [tilespmem:v14+s11+$0x0], $0xffff  }
0x110: {  	v16 =	vmul.f32 $2.000000000e+01, v18;
	v8 =	vmul.f32 v21, v8;
	v10 =	vld.idx.msk [tilespmem:v10+s13+$0x0], $0xffff;
	v19 =	vmax.f32 v19, v1  }
0x111: {  	v9 =	vmax.f32 v9, v1;
	v20 =	vadd.f32 v20, v6;
	v14 =	vld.idx.msk [tilespmem:v14+s13+$0x0], $0xffff;
	v19 =	vmin.f32 v19, v0  }
0x112: {  	v8 =	vadd.f32 v13, v8;
	v9 =	vmin.f32 v9, v0;
	v6 =	vld [tilespmem:s26+$0x820];
	v13 =	vtrunc.f32 v19  }
0x113: {  	v19 =	vtrunc.f32 v9;
	v9 =	vld [tilespmem:s28+$0x430];
	[tilespmem:s26+$0xC470] =	vst v20;
	v13 =	vcvt.f32.s32 v13  }
0x114: {  	v20 =	vadd.f32 v26, v2;
	v4 =	vmul.f32 v17, v4;
	[tilespmem:s2+$0xC020] =	vst v8;
	v8 =	vcvt.f32.s32 v19;
	v19 =	vld.idx.msk [tilespmem:v15+s11+$0x0], $0xffff  }
0x115: {  	v16 =	vadd.f32 v16, v2;
	v12 =	vmul.f32 v27, v12;
	v17 =	vld.idx.msk [tilespmem:v24+s11+$0x0], $0xffff  }
0x116: {  	v20 =	vmax.f32 v20, v1;
	v4 =	vadd.f32 v10, v4;
	v15 =	vld.idx.msk [tilespmem:v15+s13+$0x0], $0xffff  }
0x117: {  	v10 =	vmax.f32 v16, v1;
	v12 =	vadd.f32 v14, v12;
	v14 =	vmin.f32 v20, v0;
	v21 =	vld.idx.msk [tilespmem:v24+s13+$0x0], $0xffff  }
0x118: {  	v16 =	vmin.f32 v10, v0;
	v14 =	vtrunc.f32 v14;
	v10 =	vld [tilespmem:s2+$0x50];
	v20 =	vmul.f32 $2.000000000e+01, v9;
	[tilespmem:s25+$0xC860] =	vst v4  }
0x119: {  	v4 =	vtrunc.f32 v16;
	[tilespmem:s28+$0xC410] =	vst v12;
	v12 =	vcvt.f32.s32 v14;
	v14 =	vld.idx.msk [tilespmem:v13+s11+$0x0], $0xffff  }
0x11a: {  	v16 =	vcvt.f32.s32 v4;
	v5 =	vmul.f32 v19, v5;
	v22 =	vld.idx.msk [tilespmem:v8+s11+$0x0], $0xffff;
	v4 =	vadd.f32 v20, v2  }
0x11b: {  	v11 =	vmul.f32 v17, v11;
	v17 =	vld.idx.msk [tilespmem:v13+s13+$0x0], $0xffff  }
0x11c: {  	v5 =	vadd.f32 v15, v5;
	v20 =	vld.idx.msk [tilespmem:v8+s13+$0x0], $0xffff;
	v4 =	vmax.f32 v4, v1  }
0x11d: {  	v13 =	vmul.f32 $2.000000000e+01, v6;
	v11 =	vadd.f32 v21, v11;
	v8 =	vmin.f32 v4, v0;
	v4 =	vld [tilespmem:s26+$0x860]  }
0x11e: {  	v15 =	vmul.f32 $2.000000000e+01, v10;
	v19 =	vtrunc.f32 v8;
	v8 =	vld [tilespmem:s28+$0x440];
	[tilespmem:s26+$0xC800] =	vst v5  }
0x11f: {  	v5 =	vadd.f32 v13, v2;
	v14 =	vmul.f32 v14, v3;
	[tilespmem:s2+$0xC030] =	vst v11;
	v11 =	vcvt.f32.s32 v19;
	v21 =	vld.idx.msk [tilespmem:v12+s11+$0x0], $0xffff  }
0x120: {  	v3 =	vmov v25;
	v15 =	vadd.f32 v15, v2;
	v22 =	vmul.f32 v22, v23;
	v24 =	vld.idx.msk [tilespmem:v16+s11+$0x0], $0xffff  }
0x121: {  	v5 =	vmax.f32 v5, v1;
	v13 =	vld.idx.msk [tilespmem:v12+s13+$0x0], $0xffff;
	v12 =	vadd.f32 v17, v14  }
.Ltmp2:
0x122: {  	v14 =	vmax.f32 v15, v1;
	v15 =	vadd.f32 v20, v22;
	v5 =	vmin.f32 v5, v0;
	v19 =	vld.idx.msk [tilespmem:v16+s13+$0x0], $0xffff;
	(pc) =	sbr.rel @p1 .LBB2_3-.Ltmp2, $4  }
0x123: {  	v14 =	vmin.f32 v14, v0;
	v17 =	vtrunc.f32 v5;
	v16 =	vmul.f32 $2.000000000e+01, v8;
	v5 =	vld [tilespmem:s26+$0x830];
	[tilespmem:s25+$0xC870] =	vst v12;
	s25 =	smov.u32 s26;
	s26 =	smov.u32 s28;
	s28 =	smov.u32 s2  }
0x124: {  	v20 =	vtrunc.f32 v14;
	v12 =	vcvt.f32.s32 v17;
	v14 =	vld [tilespmem:s28+$0x60];
	[tilespmem:s26+$0xC420] =	vst v15  }
0x125: {  	s0 =	sshrl.u32 s30, $0x3;
	v20 =	vcvt.f32.s32 v20;
	v17 =	vmul.f32 v21, v7;
	v15 =	vld.idx.msk [tilespmem:v11+s11+$0x0], $0xffff;
	v16 =	vadd.f32 v16, v2  }
0x126: {  	s31 =	sadd.s32 $0x80, s31;
	s30 =	sadd.s32 $0x1, s30;
	s2 =	smul.u32 $0xC00, s0;
	v18 =	vmul.f32 v24, v18;
	v7 =	vld [tilespmem:s26+$0x450]  }
0x127: {  	s0 =	sand.u32 $0x380, s31  }
0x128: {  	s30 =	sor.u32 s0, s2  }
0x129: {  	v21 =	vld [tilespmem:s30+$0x0];
	_ =	sdelay $0x4  }
0x12a: {  	v22 =	vmul.f32 $2.000000000e+01, v21;
	_ =	sdelay $0x1  }
0x12b: {  	v22 =	vadd.f32 v22, v2;
	_ =	sdelay $0x1  }
0x12c: {  	v22 =	vmax.f32 v22, v1  }
0x12d: {  	v23 =	vld [tilespmem:s30+$0x10];
	v22 =	vmin.f32 v22, v0  }
0x12e: {  	v22 =	vtrunc.f32 v22  }
0x12f: {  	v22 =	vcvt.f32.s32 v22;
	_ =	sdelay $0x2  }
0x130: {  	v24 =	vmul.f32 $2.000000000e+01, v23;
	_ =	sdelay $0x1  }
0x131: {  	v24 =	vadd.f32 v24, v2  }
0x132: {  	v25 =	vld.idx.msk [tilespmem:v22+s11+$0x0], $0xffff  }
0x133: {  	v26 =	vld [tilespmem:s30+$0x20];
	v24 =	vmax.f32 v24, v1  }
0x134: {  	v24 =	vmin.f32 v24, v0;
	v22 =	vld.idx.msk [tilespmem:v22+s13+$0x0], $0xffff  }
0x135: {  	v24 =	vtrunc.f32 v24  }
0x136: {  	v24 =	vcvt.f32.s32 v24  }
0x137: {  	v21 =	vmul.f32 v25, v21;
	_ =	sdelay $0x1  }
0x138: {  	v39 =	vmul.f32 $2.000000000e+01, v26;
	v21 =	vadd.f32 v22, v21;
	_ =	sdelay $0x1  }
0x139: {  	[tilespmem:s30+$0xC000] =	vst v21;
	v21 =	vadd.f32 v39, v2  }
0x13a: {  	v22 =	vld.idx.msk [tilespmem:v24+s11+$0x0], $0xffff  }
0x13b: {  	v40 =	vld [tilespmem:s30+$0x30];
	v21 =	vmax.f32 v21, v1  }
0x13c: {  	v24 =	vld.idx.msk [tilespmem:v24+s13+$0x0], $0xffff;
	v21 =	vmin.f32 v21, v0  }
0x13d: {  	v21 =	vtrunc.f32 v21  }
0x13e: {  	v21 =	vcvt.f32.s32 v21  }
0x13f: {  	v22 =	vmul.f32 v22, v23;
	_ =	sdelay $0x1  }
0x140: {  	v23 =	vmul.f32 $2.000000000e+01, v40;
	v22 =	vadd.f32 v24, v22;
	_ =	sdelay $0x1  }
0x141: {  	[tilespmem:s30+$0xC010] =	vst v22;
	v22 =	vadd.f32 v23, v2  }
0x142: {  	v23 =	vld.idx.msk [tilespmem:v21+s11+$0x0], $0xffff  }
0x143: {  	v41 =	vld [tilespmem:s30+$0x40];
	v22 =	vmax.f32 v22, v1  }
0x144: {  	v21 =	vld.idx.msk [tilespmem:v21+s13+$0x0], $0xffff;
	v22 =	vmin.f32 v22, v0  }
0x145: {  	v22 =	vtrunc.f32 v22  }
0x146: {  	v22 =	vcvt.f32.s32 v22  }
0x147: {  	v23 =	vmul.f32 v23, v26;
	_ =	sdelay $0x1  }
0x148: {  	v42 =	vmul.f32 $2.000000000e+01, v41;
	v21 =	vadd.f32 v21, v23;
	_ =	sdelay $0x1  }
0x149: {  	[tilespmem:s30+$0xC020] =	vst v21;
	v21 =	vadd.f32 v42, v2  }
0x14a: {  	v23 =	vld.idx.msk [tilespmem:v22+s11+$0x0], $0xffff  }
0x14b: {  	v43 =	vld [tilespmem:s30+$0x50];
	v21 =	vmax.f32 v21, v1  }
0x14c: {  	v22 =	vld.idx.msk [tilespmem:v22+s13+$0x0], $0xffff;
	v21 =	vmin.f32 v21, v0  }
0x14d: {  	v21 =	vtrunc.f32 v21  }
0x14e: {  	v21 =	vcvt.f32.s32 v21  }
0x14f: {  	v23 =	vmul.f32 v23, v40;
	_ =	sdelay $0x1  }
0x150: {  	v22 =	vadd.f32 v22, v23;
	v23 =	vmul.f32 $2.000000000e+01, v43;
	_ =	sdelay $0x1  }
0x151: {  	[tilespmem:s30+$0xC030] =	vst v22;
	v22 =	vadd.f32 v23, v2  }
0x152: {  	v23 =	vld.idx.msk [tilespmem:v21+s11+$0x0], $0xffff  }
0x153: {  	v44 =	vld [tilespmem:s30+$0x60];
	v22 =	vmax.f32 v22, v1  }
0x154: {  	v18 =	vadd.f32 v19, v18;
	v19 =	vmul.f32 $2.000000000e+01, v14;
	v21 =	vld.idx.msk [tilespmem:v21+s13+$0x0], $0xffff;
	v22 =	vmin.f32 v22, v0  }
0x155: {  	v22 =	vtrunc.f32 v22  }
0x156: {  	[tilespmem:s28+$0xC040] =	vst v18;
	v18 =	vadd.f32 v19, v2;
	v22 =	vcvt.f32.s32 v22  }
0x157: {  	v19 =	vld.idx.msk [tilespmem:v20+s11+$0x0], $0xffff;
	v23 =	vmul.f32 v23, v41  }
0x158: {  	v45 =	vld [tilespmem:s28+$0x70];
	v18 =	vmax.f32 v18, v1  }
0x159: {  	v20 =	vld.idx.msk [tilespmem:v20+s13+$0x0], $0xffff;
	v18 =	vmin.f32 v18, v0;
	v21 =	vadd.f32 v21, v23;
	v23 =	vmul.f32 $2.000000000e+01, v44  }
0x15a: {  	v18 =	vtrunc.f32 v18  }
0x15b: {  	v18 =	vcvt.f32.s32 v18;
	[tilespmem:s30+$0xC040] =	vst v21;
	v21 =	vadd.f32 v23, v2  }
0x15c: {  	v10 =	vmul.f32 v19, v10;
	v23 =	vld.idx.msk [tilespmem:v22+s11+$0x0], $0xffff  }
0x15d: {  	v22 =	vld.idx.msk [tilespmem:v22+s13+$0x0], $0xffff;
	v21 =	vmax.f32 v21, v1  }
0x15e: {  	v10 =	vadd.f32 v20, v10;
	v20 =	vmul.f32 $2.000000000e+01, v45;
	v19 =	vmin.f32 v21, v0;
	v21 =	vld [tilespmem:s30+$0x70]  }
0x15f: {  	v19 =	vtrunc.f32 v19  }
0x160: {  	[tilespmem:s28+$0xC050] =	vst v10;
	v10 =	vadd.f32 v20, v2;
	v19 =	vcvt.f32.s32 v19  }
0x161: {  	v20 =	vld.idx.msk [tilespmem:v18+s11+$0x0], $0xffff;
	v23 =	vmul.f32 v23, v43  }
0x162: {  	v46 =	vld [tilespmem:s28+$0x400];
	v10 =	vmax.f32 v10, v1  }
0x163: {  	v18 =	vld.idx.msk [tilespmem:v18+s13+$0x0], $0xffff;
	v10 =	vmin.f32 v10, v0;
	v22 =	vadd.f32 v22, v23;
	v23 =	vmul.f32 $2.000000000e+01, v21  }
0x164: {  	v10 =	vtrunc.f32 v10  }
0x165: {  	v10 =	vcvt.f32.s32 v10;
	[tilespmem:s30+$0xC050] =	vst v22;
	v22 =	vadd.f32 v23, v2  }
0x166: {  	v14 =	vmul.f32 v20, v14;
	v23 =	vld.idx.msk [tilespmem:v19+s11+$0x0], $0xffff  }
0x167: {  	v19 =	vld.idx.msk [tilespmem:v19+s13+$0x0], $0xffff;
	v22 =	vmax.f32 v22, v1  }
0x168: {  	v14 =	vadd.f32 v18, v14;
	v18 =	vmul.f32 $2.000000000e+01, v46;
	v20 =	vmin.f32 v22, v0;
	v22 =	vld [tilespmem:s30+$0x400]  }
0x169: {  	v20 =	vtrunc.f32 v20  }
0x16a: {  	[tilespmem:s28+$0xC060] =	vst v14;
	v14 =	vadd.f32 v18, v2;
	v20 =	vcvt.f32.s32 v20  }
0x16b: {  	v18 =	vld.idx.msk [tilespmem:v10+s11+$0x0], $0xffff;
	v23 =	vmul.f32 v23, v44  }
0x16c: {  	v47 =	vld [tilespmem:s28+$0x410];
	v14 =	vmax.f32 v14, v1  }
0x16d: {  	v10 =	vld.idx.msk [tilespmem:v10+s13+$0x0], $0xffff;
	v14 =	vmin.f32 v14, v0;
	v19 =	vadd.f32 v19, v23;
	v23 =	vmul.f32 $2.000000000e+01, v22  }
0x16e: {  	v14 =	vtrunc.f32 v14  }
0x16f: {  	v14 =	vcvt.f32.s32 v14;
	[tilespmem:s30+$0xC060] =	vst v19;
	v19 =	vadd.f32 v23, v2  }
0x170: {  	v18 =	vmul.f32 v18, v45;
	v23 =	vld.idx.msk [tilespmem:v20+s11+$0x0], $0xffff  }
0x171: {  	v48 =	vld [tilespmem:s30+$0x410];
	v19 =	vmax.f32 v19, v1  }
0x172: {  	v10 =	vadd.f32 v10, v18;
	v18 =	vmul.f32 $2.000000000e+01, v47;
	v20 =	vld.idx.msk [tilespmem:v20+s13+$0x0], $0xffff;
	v19 =	vmin.f32 v19, v0  }
0x173: {  	v19 =	vtrunc.f32 v19  }
0x174: {  	[tilespmem:s28+$0xC070] =	vst v10;
	v10 =	vadd.f32 v18, v2;
	v19 =	vcvt.f32.s32 v19  }
0x175: {  	v18 =	vld.idx.msk [tilespmem:v14+s11+$0x0], $0xffff;
	v21 =	vmul.f32 v23, v21  }
0x176: {  	v10 =	vmax.f32 v10, v1  }
0x177: {  	v14 =	vld.idx.msk [tilespmem:v14+s13+$0x0], $0xffff;
	v10 =	vmin.f32 v10, v0;
	v20 =	vadd.f32 v20, v21;
	v21 =	vmul.f32 $2.000000000e+01, v48  }
0x178: {  	v10 =	vtrunc.f32 v10;
	v23 =	vld [tilespmem:s28+$0x420]  }
0x179: {  	v10 =	vcvt.f32.s32 v10;
	[tilespmem:s30+$0xC070] =	vst v20;
	v20 =	vadd.f32 v21, v2  }
0x17a: {  	v18 =	vmul.f32 v18, v46;
	v21 =	vld.idx.msk [tilespmem:v19+s11+$0x0], $0xffff  }
0x17b: {  	v49 =	vld [tilespmem:s30+$0x420];
	v20 =	vmax.f32 v20, v1  }
0x17c: {  	v14 =	vadd.f32 v14, v18;
	v19 =	vld.idx.msk [tilespmem:v19+s13+$0x0], $0xffff;
	v20 =	vmin.f32 v20, v0  }
0x17d: {  	v18 =	vmul.f32 $2.000000000e+01, v23;
	v20 =	vtrunc.f32 v20  }
0x17e: {  	[tilespmem:s28+$0xC400] =	vst v14;
	v20 =	vcvt.f32.s32 v20  }
0x17f: {  	v14 =	vadd.f32 v18, v2;
	v18 =	vld.idx.msk [tilespmem:v10+s11+$0x0], $0xffff;
	v21 =	vmul.f32 v21, v22  }
0x180: {  	v22 =	vld.idx.msk [tilespmem:v10+s13+$0x0], $0xffff  }
0x181: {  	v10 =	vmax.f32 v14, v1;
	v14 =	vld [tilespmem:s28+$0x430];
	v19 =	vadd.f32 v19, v21;
	v21 =	vmul.f32 $2.000000000e+01, v49  }
0x182: {  	v10 =	vmin.f32 v10, v0  }
0x183: {  	v10 =	vtrunc.f32 v10;
	[tilespmem:s30+$0xC400] =	vst v19;
	v19 =	vadd.f32 v21, v2  }
0x184: {  	v18 =	vmul.f32 v18, v47;
	v27 =	vcvt.f32.s32 v10;
	v21 =	vld.idx.msk [tilespmem:v20+s11+$0x0], $0xffff  }
0x185: {  	v10 =	vmax.f32 v19, v1  }
0x186: {  	v20 =	vld.idx.msk [tilespmem:v20+s13+$0x0], $0xffff;
	v18 =	vadd.f32 v22, v18;
	v22 =	vmul.f32 $2.000000000e+01, v14;
	v10 =	vmin.f32 v10, v0  }
0x187: {  	v13 =	vadd.f32 v13, v17;
	v19 =	vld [tilespmem:s30+$0x430];
	v17 =	vtrunc.f32 v10  }
0x188: {  	v16 =	vmax.f32 v16, v1;
	[tilespmem:s28+$0xC410] =	vst v18;
	v18 =	vadd.f32 v22, v2;
	v17 =	vcvt.f32.s32 v17  }
0x189: {  	v11 =	vld.idx.msk [tilespmem:v11+s13+$0x0], $0xffff;
	v16 =	vmin.f32 v16, v0;
	[tilespmem:s25+$0xC810] =	vst v13;
	v13 =	vmul.f32 v21, v48  }
0x18a: {  	v16 =	vtrunc.f32 v16;
	v22 =	vld.idx.msk [tilespmem:v27+s11+$0x0], $0xffff;
	v18 =	vmax.f32 v18, v1  }
0x18b: {  	v9 =	vmul.f32 v15, v9;
	v15 =	vmin.f32 v18, v0;
	v18 =	vld [tilespmem:s28+$0x440];
	v13 =	vadd.f32 v20, v13  }
0x18c: {  	v16 =	vcvt.f32.s32 v16;
	v50 =	vld.idx.msk [tilespmem:v27+s13+$0x0], $0xffff;
	v20 =	vmul.f32 $2.000000000e+01, v19  }
0x18d: {  	v15 =	vtrunc.f32 v15;
	[tilespmem:s30+$0xC410] =	vst v13  }
0x18e: {  	v9 =	vadd.f32 v11, v9;
	v11 =	vcvt.f32.s32 v15;
	v13 =	vadd.f32 v20, v2;
	v51 =	vld.idx.msk [tilespmem:v17+s11+$0x0], $0xffff  }
0x18f: {  	v20 =	vmul.f32 $2.000000000e+01, v7;
	v15 =	vld.idx.msk [tilespmem:v17+s13+$0x0], $0xffff;
	v17 =	vmul.f32 v22, v23  }
0x190: {  	v22 =	vld [tilespmem:s30+$0x440];
	v23 =	vmul.f32 $2.000000000e+01, v18;
	v13 =	vmax.f32 v13, v1  }
0x191: {  	v52 =	vld [tilespmem:s26+$0x460];
	[tilespmem:s26+$0xC430] =	vst v9;
	v9 =	vadd.f32 v20, v2;
	v13 =	vmin.f32 v13, v0;
	v17 =	vadd.f32 v50, v17  }
0x192: {  	v20 =	vld.idx.msk [tilespmem:v16+s11+$0x0], $0xffff;
	v13 =	vtrunc.f32 v13  }
0x193: {  	v16 =	vld.idx.msk [tilespmem:v16+s13+$0x0], $0xffff;
	v9 =	vmax.f32 v9, v1;
	v13 =	vcvt.f32.s32 v13;
	[tilespmem:s28+$0xC420] =	vst v17;
	v17 =	vadd.f32 v23, v2  }
0x194: {  	v9 =	vmin.f32 v9, v0;
	v25 =	vmul.f32 v51, v49;
	v23 =	vld.idx.msk [tilespmem:v11+s11+$0x0], $0xffff  }
0x195: {  	v55 =	vld [tilespmem:s28+$0x450];
	v54 =	vmul.f32 $2.000000000e+01, v22;
	v9 =	vtrunc.f32 v9;
	v17 =	vmax.f32 v17, v1  }
0x196: {  	v11 =	vld.idx.msk [tilespmem:v11+s13+$0x0], $0xffff;
	v9 =	vcvt.f32.s32 v9;
	v15 =	vadd.f32 v15, v25;
	v17 =	vmin.f32 v17, v0  }
0x197: {  	v57 =	vld [tilespmem:s30+$0x450];
	v8 =	vmul.f32 v20, v8;
	v17 =	vtrunc.f32 v17  }
0x198: {  	v21 =	vld.idx.msk [tilespmem:v12+s11+$0x0], $0xffff;
	[tilespmem:s30+$0xC420] =	vst v15;
	v15 =	vadd.f32 v54, v2;
	v17 =	vcvt.f32.s32 v17  }
0x199: {  	v16 =	vadd.f32 v16, v8;
	v20 =	vld.idx.msk [tilespmem:v13+s11+$0x0], $0xffff;
	v14 =	vmul.f32 v23, v14  }
0x19a: {  	v58 =	vmul.f32 $2.000000000e+01, v52;
	v12 =	vld.idx.msk [tilespmem:v12+s13+$0x0], $0xffff;
	v15 =	vmax.f32 v15, v1  }
0x19b: {  	v13 =	vld.idx.msk [tilespmem:v13+s13+$0x0], $0xffff;
	[tilespmem:s26+$0xC440] =	vst v16;
	v16 =	vmul.f32 $2.000000000e+01, v55;
	v8 =	vmin.f32 v15, v0;
	v11 =	vadd.f32 v11, v14  }
0x19c: {  	v25 =	vadd.f32 v58, v2;
	v23 =	vld [tilespmem:s26+$0x470];
	v28 =	vtrunc.f32 v8  }
0x19d: {  	v59 =	vld.idx.msk [tilespmem:v9+s11+$0x0], $0xffff;
	v14 =	vcvt.f32.s32 v28;
	[tilespmem:s28+$0xC430] =	vst v11;
	v11 =	vadd.f32 v16, v2  }
0x19e: {  	v60 =	vmul.f32 $2.000000000e+01, v57;
	v16 =	vmax.f32 v25, v1;
	v19 =	vmul.f32 v20, v19;
	v20 =	vld.idx.msk [tilespmem:v17+s11+$0x0], $0xffff  }
0x19f: {  	v6 =	vmul.f32 v21, v6;
	v9 =	vld.idx.msk [tilespmem:v9+s13+$0x0], $0xffff;
	v16 =	vmin.f32 v16, v0;
	v11 =	vmax.f32 v11, v1  }
0x1a0: {  	v17 =	vld.idx.msk [tilespmem:v17+s13+$0x0], $0xffff;
	v16 =	vtrunc.f32 v16;
	v13 =	vadd.f32 v13, v19;
	v11 =	vmin.f32 v11, v0  }
0x1a1: {  	v6 =	vadd.f32 v12, v6;
	v19 =	vld [tilespmem:s28+$0x460];
	v12 =	vcvt.f32.s32 v16;
	v11 =	vtrunc.f32 v11  }
0x1a2: {  	v21 =	vld [tilespmem:s30+$0x460];
	v7 =	vmul.f32 v59, v7;
	[tilespmem:s30+$0xC430] =	vst v13;
	v13 =	vadd.f32 v60, v2;
	v11 =	vcvt.f32.s32 v11  }
0x1a3: {  	[tilespmem:s25+$0xC820] =	vst v6;
	v16 =	vld.idx.msk [tilespmem:v14+s11+$0x0], $0xffff;
	v6 =	vmul.f32 v20, v18  }
0x1a4: {  	v7 =	vadd.f32 v9, v7;
	v14 =	vld.idx.msk [tilespmem:v14+s13+$0x0], $0xffff;
	v20 =	vmul.f32 $2.000000000e+01, v23;
	v13 =	vmax.f32 v13, v1  }
0x1a5: {  	v13 =	vmin.f32 v13, v0;
	v6 =	vadd.f32 v17, v6;
	v17 =	vld [tilespmem:s28+$0x470]  }
0x1a6: {  	[tilespmem:s26+$0xC450] =	vst v7;
	v61 =	vmul.f32 $2.000000000e+01, v19;
	v7 =	vadd.f32 v20, v2;
	v9 =	vtrunc.f32 v13;
	v13 =	vld [tilespmem:s26+$0x800]  }
0x1a7: {  	v20 =	vld.idx.msk [tilespmem:v12+s11+$0x0], $0xffff;
	v9 =	vcvt.f32.s32 v9;
	[tilespmem:s28+$0xC440] =	vst v6  }
0x1a8: {  	v6 =	vadd.f32 v61, v2;
	v7 =	vmax.f32 v7, v1;
	v16 =	vmul.f32 v16, v22;
	v22 =	vld.idx.msk [tilespmem:v11+s11+$0x0], $0xffff  }
0x1a9: {  	v53 =	vmul.f32 $2.000000000e+01, v5;
	v62 =	vmul.f32 $2.000000000e+01, v21;
	v12 =	vld.idx.msk [tilespmem:v12+s13+$0x0], $0xffff;
	v7 =	vmin.f32 v7, v0  }
0x1aa: {  	v11 =	vld.idx.msk [tilespmem:v11+s13+$0x0], $0xffff;
	v6 =	vmax.f32 v6, v1;
	v7 =	vtrunc.f32 v7;
	v14 =	vadd.f32 v14, v16  }
0x1ab: {  	v26 =	vadd.f32 v53, v2;
	v6 =	vmin.f32 v6, v0;
	v7 =	vcvt.f32.s32 v7  }
0x1ac: {  	v63 =	vld [tilespmem:s30+$0x470];
	v6 =	vtrunc.f32 v6;
	v20 =	vmul.f32 v20, v52;
	[tilespmem:s30+$0xC440] =	vst v14;
	v14 =	vadd.f32 v62, v2  }
0x1ad: {  	v56 =	vmax.f32 v26, v1;
	v6 =	vcvt.f32.s32 v6;
	v16 =	vld.idx.msk [tilespmem:v9+s11+$0x0], $0xffff;
	v22 =	vmul.f32 v22, v55  }
0x1ae: {  	v10 =	vld [tilespmem:s25+$0x840];
	v30 =	vmul.f32 $2.000000000e+01, v13;
	v20 =	vadd.f32 v12, v20;
	v14 =	vmax.f32 v14, v1  }
0x1af: {  	v31 =	vmul.f32 $2.000000000e+01, v17;
	v9 =	vld.idx.msk [tilespmem:v9+s13+$0x0], $0xffff;
	v14 =	vmin.f32 v14, v0;
	v11 =	vadd.f32 v11, v22  }
0x1b0: {  	v37 =	vld [tilespmem:s30+$0x800];
	v15 =	vmin.f32 v56, v0;
	[tilespmem:s26+$0xC460] =	vst v20;
	v20 =	vadd.f32 v30, v2;
	v14 =	vtrunc.f32 v14  }
0x1b1: {  	v15 =	vtrunc.f32 v15;
	v32 =	vld.idx.msk [tilespmem:v7+s11+$0x0], $0xffff;
	v14 =	vcvt.f32.s32 v14;
	[tilespmem:s28+$0xC450] =	vst v11;
	v11 =	vadd.f32 v31, v2  }
0x1b2: {  	v15 =	vcvt.f32.s32 v15;
	v7 =	vld.idx.msk [tilespmem:v7+s13+$0x0], $0xffff;
	v20 =	vmax.f32 v20, v1;
	v16 =	vmul.f32 v16, v57  }
0x1b3: {  	v34 =	vmul.f32 $2.000000000e+01, v63;
	v33 =	vld.idx.msk [tilespmem:v6+s11+$0x0], $0xffff;
	v20 =	vmin.f32 v20, v0;
	v11 =	vmax.f32 v11, v1  }
0x1b4: {  	v35 =	vld.idx.msk [tilespmem:v6+s13+$0x0], $0xffff;
	v9 =	vadd.f32 v9, v16;
	v16 =	vmul.f32 $2.000000000e+01, v10;
	v6 =	vmin.f32 v11, v0  }
0x1b5: {  	v12 =	vld [tilespmem:s26+$0x810];
	v20 =	vtrunc.f32 v20;
	v6 =	vtrunc.f32 v6  }
0x1b6: {  	v22 =	vld [tilespmem:s28+$0x800];
	[tilespmem:s30+$0xC450] =	vst v9;
	v9 =	vadd.f32 v34, v2;
	v11 =	vadd.f32 v16, v2;
	v16 =	vcvt.f32.s32 v20  }
0x1b7: {  	v23 =	vmul.f32 v32, v23;
	v36 =	vcvt.f32.s32 v6;
	v20 =	vld.idx.msk [tilespmem:v14+s11+$0x0], $0xffff  }
0x1b8: {  	v18 =	vld.idx.msk [tilespmem:v15+s11+$0x0], $0xffff;
	v6 =	vmax.f32 v9, v1;
	v9 =	vmax.f32 v11, v1;
	v11 =	vmul.f32 v33, v19  }
0x1b9: {  	v14 =	vld.idx.msk [tilespmem:v14+s13+$0x0], $0xffff;
	v7 =	vadd.f32 v7, v23;
	v19 =	vmin.f32 v6, v0  }
0x1ba: {  	v38 =	vmul.f32 $2.000000000e+01, v12;
	v19 =	vtrunc.f32 v19;
	v11 =	vadd.f32 v35, v11  }
0x1bb: {  	v15 =	vld.idx.msk [tilespmem:v15+s13+$0x0], $0xffff;
	v29 =	vmul.f32 $2.000000000e+01, v22;
	v9 =	vmin.f32 v9, v0;
	[tilespmem:s26+$0xC470] =	vst v7;
	v19 =	vcvt.f32.s32 v19  }
0x1bc: {  	v9 =	vtrunc.f32 v9;
	v7 =	vmul.f32 v20, v21;
	v20 =	vld.idx.msk [tilespmem:v16+s11+$0x0], $0xffff;
	[tilespmem:s28+$0xC460] =	vst v11  }
0x1bd: {  	v41 =	vmul.f32 $2.000000000e+01, v37;
	v40 =	vcvt.f32.s32 v9;
	v21 =	vadd.f32 v38, v2;
	v9 =	vld.idx.msk [tilespmem:v36+s11+$0x0], $0xffff  }
0x1be: {  	v5 =	vmul.f32 v18, v5;
	v11 =	vadd.f32 v29, v2;
	v18 =	vld.idx.msk [tilespmem:v36+s13+$0x0], $0xffff;
	v7 =	vadd.f32 v14, v7  }
0x1bf: {  	v14 =	vld.idx.msk [tilespmem:v16+s13+$0x0], $0xffff  }
0x1c0: {  	v39 =	vld [tilespmem:s28+$0x810];
	v16 =	vmax.f32 v21, v1;
	v11 =	vmax.f32 v11, v1;
	[tilespmem:s30+$0xC460] =	vst v7;
	v7 =	vadd.f32 v41, v2  }
0x1c1: {  	v5 =	vadd.f32 v15, v5;
	v11 =	vmin.f32 v11, v0;
	v15 =	vmin.f32 v16, v0;
	v16 =	vld.idx.msk [tilespmem:v19+s11+$0x0], $0xffff  }
0x1c2: {  	v21 =	vld [tilespmem:s30+$0x810];
	v11 =	vtrunc.f32 v11;
	v15 =	vtrunc.f32 v15;
	v7 =	vmax.f32 v7, v1  }
0x1c3: {  	[tilespmem:s25+$0xC830] =	vst v5;
	v11 =	vcvt.f32.s32 v11;
	v9 =	vmul.f32 v9, v17;
	v17 =	vld.idx.msk [tilespmem:v19+s13+$0x0], $0xffff;
	v5 =	vmin.f32 v7, v0  }
0x1c4: {  	v7 =	vmul.f32 v20, v13;
	v13 =	vtrunc.f32 v5  }
0x1c5: {  	v23 =	vld [tilespmem:s26+$0x820];
	v20 =	vmul.f32 $2.000000000e+01, v39;
	v9 =	vadd.f32 v18, v9;
	v13 =	vcvt.f32.s32 v13  }
0x1c6: {  	v15 =	vcvt.f32.s32 v15;
	v16 =	vmul.f32 v16, v63  }
0x1c7: {  	v44 =	vld [tilespmem:s30+$0x820];
	v14 =	vadd.f32 v14, v7;
	[tilespmem:s28+$0xC470] =	vst v9;
	v9 =	vadd.f32 v20, v2  }
0x1c8: {  	v18 =	vld [tilespmem:s28+$0x820];
	v20 =	vmul.f32 $2.000000000e+01, v21;
	v16 =	vadd.f32 v17, v16  }
0x1c9: {  	[tilespmem:s26+$0xC800] =	vst v14;
	v14 =	vld.idx.msk [tilespmem:v11+s11+$0x0], $0xffff;
	v9 =	vmax.f32 v9, v1  }
0x1ca: {  	v11 =	vld.idx.msk [tilespmem:v11+s13+$0x0], $0xffff;
	v17 =	vmul.f32 $2.000000000e+01, v23;
	v9 =	vmin.f32 v9, v0;
	[tilespmem:s30+$0xC470] =	vst v16;
	v16 =	vadd.f32 v20, v2  }
0x1cb: {  	v9 =	vtrunc.f32 v9;
	v20 =	vld.idx.msk [tilespmem:v13+s11+$0x0], $0xffff  }
0x1cc: {  	v42 =	vld.idx.msk [tilespmem:v15+s11+$0x0], $0xffff;
	v17 =	vadd.f32 v17, v2;
	v43 =	vcvt.f32.s32 v9;
	v9 =	vmax.f32 v16, v1  }
0x1cd: {  	v13 =	vld.idx.msk [tilespmem:v13+s13+$0x0], $0xffff;
	v9 =	vmin.f32 v9, v0  }
0x1ce: {  	v16 =	vmax.f32 v17, v1;
	v14 =	vmul.f32 v14, v22;
	v17 =	vld [tilespmem:s26+$0x830];
	v9 =	vtrunc.f32 v9  }
0x1cf: {  	v15 =	vld.idx.msk [tilespmem:v15+s13+$0x0], $0xffff;
	v30 =	vmul.f32 $2.000000000e+01, v18;
	v16 =	vmin.f32 v16, v0;
	v22 =	vcvt.f32.s32 v9  }
0x1d0: {  	v47 =	vld [tilespmem:s28+$0x830];
	v16 =	vtrunc.f32 v16;
	v14 =	vadd.f32 v11, v14;
	v20 =	vmul.f32 v20, v37  }
0x1d1: {  	v8 =	vld [tilespmem:s25+$0x850];
	v16 =	vcvt.f32.s32 v16  }
0x1d2: {  	v31 =	vld [tilespmem:s28+$0x840];
	v45 =	vadd.f32 v30, v2;
	v12 =	vmul.f32 v42, v12;
	[tilespmem:s28+$0xC800] =	vst v14;
	v13 =	vadd.f32 v13, v20  }
0x1d3: {  	v14 =	vld.idx.msk [tilespmem:v43+s11+$0x0], $0xffff;
	v46 =	vmul.f32 $2.000000000e+01, v17;
	v20 =	vmul.f32 $2.000000000e+01, v44  }
0x1d4: {  	v27 =	vmax.f32 v45, v1;
	v12 =	vadd.f32 v15, v12;
	v25 =	vld.idx.msk [tilespmem:v43+s13+$0x0], $0xffff;
	[tilespmem:s30+$0xC800] =	vst v13  }
0x1d5: {  	v15 =	vadd.f32 v46, v2;
	v13 =	vadd.f32 v20, v2;
	v20 =	vmin.f32 v27, v0;
	v48 =	vld.idx.msk [tilespmem:v22+s11+$0x0], $0xffff  }
0x1d6: {  	[tilespmem:s26+$0xC810] =	vst v12;
	v20 =	vtrunc.f32 v20;
	v22 =	vld.idx.msk [tilespmem:v22+s13+$0x0], $0xffff  }
0x1d7: {  	v12 =	vmax.f32 v15, v1;
	v49 =	vld.idx.msk [tilespmem:v16+s11+$0x0], $0xffff;
	v13 =	vmax.f32 v13, v1;
	v15 =	vcvt.f32.s32 v20  }
0x1d8: {  	v20 =	vld [tilespmem:s30+$0x830];
	v14 =	vmul.f32 v14, v39;
	v13 =	vmin.f32 v13, v0  }
0x1d9: {  	v50 =	vmul.f32 $2.000000000e+01, v47;
	v19 =	vld.idx.msk [tilespmem:v40+s11+$0x0], $0xffff;
	v13 =	vtrunc.f32 v13  }
0x1da: {  	v16 =	vld.idx.msk [tilespmem:v16+s13+$0x0], $0xffff;
	v12 =	vmin.f32 v12, v0;
	v14 =	vadd.f32 v25, v14;
	v13 =	vcvt.f32.s32 v13  }
0x1db: {  	v26 =	vld.idx.msk [tilespmem:v40+s13+$0x0], $0xffff;
	v12 =	vtrunc.f32 v12;
	v21 =	vmul.f32 v48, v21  }
0x1dc: {  	v51 =	vmul.f32 $2.000000000e+01, v8;
	v11 =	vld [tilespmem:s26+$0x840];
	v52 =	vcvt.f32.s32 v12;
	[tilespmem:s28+$0xC810] =	vst v14;
	v14 =	vadd.f32 v50, v2  }
0x1dd: {  	v23 =	vmul.f32 v49, v23;
	v21 =	vadd.f32 v22, v21;
	v22 =	vmul.f32 $2.000000000e+01, v20;
	v53 =	vld.idx.msk [tilespmem:v15+s11+$0x0], $0xffff  }
0x1de: {  	v24 =	vadd.f32 v51, v2;
	v10 =	vmul.f32 v19, v10;
	v15 =	vld.idx.msk [tilespmem:v15+s13+$0x0], $0xffff  }
0x1df: {  	v19 =	vld [tilespmem:s30+$0x840];
	v14 =	vmax.f32 v14, v1;
	v16 =	vadd.f32 v16, v23;
	[tilespmem:s30+$0xC810] =	vst v21;
	v21 =	vadd.f32 v22, v2  }
0x1e0: {  	v55 =	vmul.f32 $2.000000000e+01, v31;
	v14 =	vmin.f32 v14, v0;
	v22 =	vmax.f32 v24, v1;
	v23 =	vld.idx.msk [tilespmem:v13+s11+$0x0], $0xffff  }
0x1e1: {  	v12 =	vld [tilespmem:s26+$0x850];
	v14 =	vtrunc.f32 v14;
	[tilespmem:s26+$0xC820] =	vst v16;
	v16 =	vmul.f32 $2.000000000e+01, v11;
	v21 =	vmax.f32 v21, v1  }
0x1e2: {  	v14 =	vcvt.f32.s32 v14;
	v13 =	vld.idx.msk [tilespmem:v13+s13+$0x0], $0xffff;
	v22 =	vmin.f32 v22, v0;
	v21 =	vmin.f32 v21, v0  }
0x1e3: {  	v54 =	vld.idx.msk [tilespmem:v52+s11+$0x0], $0xffff;
	v16 =	vadd.f32 v16, v2;
	v18 =	vmul.f32 v53, v18;
	v21 =	vtrunc.f32 v21  }
0x1e4: {  	v10 =	vadd.f32 v26, v10;
	v22 =	vtrunc.f32 v22;
	v21 =	vcvt.f32.s32 v21  }
0x1e5: {  	v56 =	vld [tilespmem:s28+$0x850];
	v16 =	vmax.f32 v16, v1;
	v15 =	vadd.f32 v15, v18;
	v23 =	vmul.f32 v23, v44  }
0x1e6: {  	[tilespmem:s25+$0xC840] =	vst v10;
	v10 =	vmul.f32 $2.000000000e+01, v12;
	v22 =	vcvt.f32.s32 v22;
	v18 =	vld.idx.msk [tilespmem:v52+s13+$0x0], $0xffff;
	v16 =	vmin.f32 v16, v0  }
0x1e7: {  	v7 =	vld [tilespmem:s26+$0x860];
	[tilespmem:s28+$0xC820] =	vst v15;
	v15 =	vadd.f32 v55, v2;
	v13 =	vadd.f32 v13, v23;
	v23 =	vmul.f32 $2.000000000e+01, v19  }
0x1e8: {  	v10 =	vadd.f32 v10, v2;
	v17 =	vmul.f32 v54, v17;
	v16 =	vtrunc.f32 v16;
	v58 =	vld.idx.msk [tilespmem:v14+s11+$0x0], $0xffff  }
0x1e9: {  	v16 =	vcvt.f32.s32 v16;
	v14 =	vld.idx.msk [tilespmem:v14+s13+$0x0], $0xffff;
	v15 =	vmax.f32 v15, v1;
	[tilespmem:s30+$0xC820] =	vst v13;
	v13 =	vadd.f32 v23, v2  }
0x1ea: {  	v57 =	vmul.f32 $2.000000000e+01, v4;
	v10 =	vmax.f32 v10, v1;
	v15 =	vmin.f32 v15, v0;
	v59 =	vld.idx.msk [tilespmem:v21+s11+$0x0], $0xffff  }
0x1eb: {  	v17 =	vadd.f32 v18, v17;
	v18 =	vld [tilespmem:s30+$0x850];
	v15 =	vtrunc.f32 v15;
	v13 =	vmax.f32 v13, v1  }
0x1ec: {  	v23 =	vadd.f32 v57, v2;
	v21 =	vld.idx.msk [tilespmem:v21+s13+$0x0], $0xffff;
	v15 =	vcvt.f32.s32 v15;
	v13 =	vmin.f32 v13, v0  }
0x1ed: {  	v10 =	vmin.f32 v10, v0;
	v60 =	vld.idx.msk [tilespmem:v22+s11+$0x0], $0xffff;
	v24 =	vmul.f32 v58, v47;
	v13 =	vtrunc.f32 v13  }
0x1ee: {  	v22 =	vld.idx.msk [tilespmem:v22+s13+$0x0], $0xffff;
	v23 =	vmax.f32 v23, v1;
	[tilespmem:s26+$0xC830] =	vst v17;
	v17 =	vmul.f32 $2.000000000e+01, v56;
	v13 =	vcvt.f32.s32 v13  }
0x1ef: {  	v23 =	vmin.f32 v23, v0;
	v61 =	vld.idx.msk [tilespmem:v16+s11+$0x0], $0xffff;
	v14 =	vadd.f32 v14, v24;
	v20 =	vmul.f32 v59, v20  }
0x1f0: {  	v9 =	vld [tilespmem:s28+$0x860];
	v10 =	vtrunc.f32 v10;
	v23 =	vtrunc.f32 v23  }
0x1f1: {  	v16 =	vld.idx.msk [tilespmem:v16+s13+$0x0], $0xffff;
	[tilespmem:s28+$0xC830] =	vst v14;
	v14 =	vadd.f32 v17, v2;
	v17 =	vmul.f32 $2.000000000e+01, v18;
	v20 =	vadd.f32 v21, v20  }
0x1f2: {  	v8 =	vmul.f32 v60, v8;
	v21 =	vcvt.f32.s32 v23;
	v23 =	vld.idx.msk [tilespmem:v15+s11+$0x0], $0xffff  }
0x1f3: {  	v10 =	vcvt.f32.s32 v10;
	v15 =	vld.idx.msk [tilespmem:v15+s13+$0x0], $0xffff;
	v14 =	vmax.f32 v14, v1;
	v17 =	vadd.f32 v17, v2;
	[tilespmem:s30+$0xC830] =	vst v20  }
0x1f4: {  	v8 =	vadd.f32 v22, v8;
	v11 =	vmul.f32 v61, v11;
	v14 =	vmin.f32 v14, v0;
	v20 =	vld.idx.msk [tilespmem:v13+s11+$0x0], $0xffff  }
0x1f5: {  	v62 =	vmul.f32 $2.000000000e+01, v7;
	v22 =	vld [tilespmem:s30+$0x860];
	v14 =	vtrunc.f32 v14;
	v17 =	vmax.f32 v17, v1  }
0x1f6: {  	[tilespmem:s25+$0xC850] =	vst v8;
	v8 =	vadd.f32 v16, v11;
	v13 =	vld.idx.msk [tilespmem:v13+s13+$0x0], $0xffff;
	v14 =	vcvt.f32.s32 v14;
	v17 =	vmin.f32 v17, v0  }
0x1f7: {  	v6 =	vld [tilespmem:s26+$0x870];
	v11 =	vmul.f32 v23, v31;
	v16 =	vtrunc.f32 v17  }
0x1f8: {  	v5 =	vld [tilespmem:s28+$0x870];
	[tilespmem:s26+$0xC840] =	vst v8;
	v16 =	vcvt.f32.s32 v16  }
0x1f9: {  	v8 =	vadd.f32 v62, v2;
	v17 =	vld.idx.msk [tilespmem:v21+s11+$0x0], $0xffff;
	v11 =	vadd.f32 v15, v11;
	v15 =	vmul.f32 v20, v19  }
0x1fa: {  	v19 =	vld.idx.msk [tilespmem:v10+s11+$0x0], $0xffff;
	v20 =	vmul.f32 $2.000000000e+01, v9  }
0x1fb: {  	v8 =	vmax.f32 v8, v1;
	v10 =	vld.idx.msk [tilespmem:v10+s13+$0x0], $0xffff;
	[tilespmem:s28+$0xC840] =	vst v11;
	v11 =	vmul.f32 $2.000000000e+01, v22;
	v13 =	vadd.f32 v13, v15  }
0x1fc: {  	v8 =	vmin.f32 v8, v0;
	v15 =	vmul.f32 $2.000000000e+01, v3;
	v23 =	vld.idx.msk [tilespmem:v14+s11+$0x0], $0xffff;
	v20 =	vadd.f32 v20, v2  }
0x1fd: {  	v8 =	vtrunc.f32 v8;
	v14 =	vld.idx.msk [tilespmem:v14+s13+$0x0], $0xffff;
	v11 =	vadd.f32 v11, v2;
	[tilespmem:s30+$0xC840] =	vst v13  }
0x1fe: {  	v8 =	vcvt.f32.s32 v8;
	v13 =	vadd.f32 v15, v2;
	v15 =	vmax.f32 v20, v1;
	v20 =	vld.idx.msk [tilespmem:v16+s11+$0x0], $0xffff  }
0x1ff: {  	v12 =	vmul.f32 v19, v12;
	v15 =	vmin.f32 v15, v0;
	v19 =	vld [tilespmem:s30+$0x870];
	v11 =	vmax.f32 v11, v1  }
0x200: {  	v63 =	vmul.f32 $2.000000000e+01, v6;
	v16 =	vld.idx.msk [tilespmem:v16+s13+$0x0], $0xffff;
	v15 =	vtrunc.f32 v15;
	v11 =	vmin.f32 v11, v0  }
0x201: {  	v13 =	vmax.f32 v13, v1;
	v15 =	vcvt.f32.s32 v15;
	v11 =	vtrunc.f32 v11  }
0x202: {  	v10 =	vadd.f32 v10, v12;
	v12 =	vmul.f32 v23, v56;
	v11 =	vcvt.f32.s32 v11  }
0x203: {  	v21 =	vld.idx.msk [tilespmem:v21+s13+$0x0], $0xffff;
	v4 =	vmul.f32 v17, v4;
	v13 =	vmin.f32 v13, v0;
	v18 =	vmul.f32 v20, v18  }
0x204: {  	[tilespmem:s26+$0xC850] =	vst v10;
	v10 =	vadd.f32 v63, v2;
	v12 =	vadd.f32 v14, v12;
	v20 =	vmul.f32 $2.000000000e+01, v5  }
0x205: {  	v13 =	vtrunc.f32 v13;
	v14 =	vld.idx.msk [tilespmem:v8+s11+$0x0], $0xffff;
	v17 =	vmul.f32 $2.000000000e+01, v19;
	v16 =	vadd.f32 v16, v18  }
0x206: {  	v13 =	vcvt.f32.s32 v13;
	v8 =	vld.idx.msk [tilespmem:v8+s13+$0x0], $0xffff;
	v10 =	vmax.f32 v10, v1;
	[tilespmem:s28+$0xC850] =	vst v12;
	v12 =	vadd.f32 v20, v2  }
0x207: {  	v10 =	vmin.f32 v10, v0;
	v18 =	vld.idx.msk [tilespmem:v15+s11+$0x0], $0xffff;
	[tilespmem:s30+$0xC850] =	vst v16;
	v16 =	vadd.f32 v17, v2  }
0x208: {  	v4 =	vadd.f32 v21, v4;
	v10 =	vtrunc.f32 v10;
	v12 =	vmax.f32 v12, v1;
	v17 =	vld.idx.msk [tilespmem:v11+s11+$0x0], $0xffff  }
0x209: {  	v15 =	vld.idx.msk [tilespmem:v15+s13+$0x0], $0xffff;
	v10 =	vcvt.f32.s32 v10;
	v12 =	vmin.f32 v12, v0;
	v16 =	vmax.f32 v16, v1  }
0x20a: {  	v7 =	vmul.f32 v14, v7;
	v11 =	vld.idx.msk [tilespmem:v11+s13+$0x0], $0xffff;
	v12 =	vtrunc.f32 v12;
	v14 =	vmin.f32 v16, v0  }
0x20b: {  	[tilespmem:s25+$0xC860] =	vst v4;
	v12 =	vcvt.f32.s32 v12;
	v14 =	vtrunc.f32 v14  }
0x20c: {  	v4 =	vadd.f32 v8, v7;
	v7 =	vmul.f32 v18, v9;
	v9 =	vld.idx.msk [tilespmem:v13+s11+$0x0], $0xffff;
	v8 =	vcvt.f32.s32 v14  }
0x20d: {  	v14 =	vmul.f32 v17, v22  }
0x20e: {  	v13 =	vld.idx.msk [tilespmem:v13+s13+$0x0], $0xffff;
	[tilespmem:s26+$0xC860] =	vst v4;
	v4 =	vadd.f32 v15, v7  }
0x20f: {  	v7 =	vld.idx.msk [tilespmem:v10+s11+$0x0], $0xffff;
	v11 =	vadd.f32 v11, v14  }
0x210: {  	v10 =	vld.idx.msk [tilespmem:v10+s13+$0x0], $0xffff;
	[tilespmem:s28+$0xC860] =	vst v4  }
0x211: {  	p1 =	seq.s32 s22, $0x11;
	v4 =	vld.idx.msk [tilespmem:v12+s11+$0x0], $0xffff;
	v3 =	vmul.f32 v9, v3;
	[tilespmem:s30+$0xC860] =	vst v11  }
0x212: {  	s0 =	sadd.s32 @!p1 $0x2, s23;
	v11 =	vld.idx.msk [tilespmem:v8+s11+$0x0], $0xffff  }
0x213: {  	s2 =	smulhi.u32 @!p1 $0x2AAAAAAB, s0;
	v12 =	vld.idx.msk [tilespmem:v12+s13+$0x0], $0xffff;
	v3 =	vadd.f32 v13, v3  }
0x214: {  	s24 =	smul.u32 $0x24000, s24;
	v8 =	vld.idx.msk [tilespmem:v8+s13+$0x0], $0xffff  }
0x215: {  	v6 =	vmul.f32 v7, v6;
	[tilespmem:s25+$0xC870] =	vst v3;
	s25 =	smul.u32 @!p1 $0x6, s2  }
0x216: {  	s29 =	smul.u32 $0x6000, s29;
	s2 =	sadd.s32 @!p1 s3, s2;
	v4 =	vmul.f32 v4, v5  }
0x217: {  	v5 =	vadd.f32 v10, v6;
	s2 =	smul.u32 @!p1 $0x24000, s2;
	s0 =	ssub.s32 @!p1 s0, s25;
	v6 =	vmul.f32 v11, v19  }
0x218: {  	v3 =	vadd.f32 v12, v4;
	s0 =	smul.u32 @!p1 $0x6000, s0  }
0x219: {  	[tilespmem:s26+$0xC870] =	vst v5;
	s26 =	sadd.s32 s29, s24;
	v4 =	vadd.f32 v8, v6  }
0x21a: {  	s26 =	sshrl.u32 s26, $0x3;
	[tilespmem:s28+$0xC870] =	vst v3;
	s0 =	sadd.s32 @!p1 s0, s2  }
0x21b: {  	s26 =	sadd.s32 s4, s26;
	s0 =	sshrl.u32 @!p1 s0, $0x3;
	[tilespmem:s30+$0xC870] =	vst v4  }
0x21c: {  	[hbm4b:s26+s5] =	stream.linear.scatter [tilespmem:s16], [sflag:$0x3], $0x6000, $0x38;
	[tilespmem:$0x18200] =	vst v63  }
0x21d: {  	s2 =	simm.s32 @!p1 $0x0;
	s0 =	sadd.s32 @!p1 s1, s0  }
0x21e: {  	[tilespmem:s2], [sflag:$0x1] =	stream.linear.gather @!p1 [hbm4b:s0+s2], $0x6000, $0x38;
	[tilespmem:$0x18200] =	vst v63  }
0x21f: {  	_ =	swait.ge [sflag:s17], $0x6000  }
0x220: {  	[sflag:s17] =	ssyncset.done $0x0  }
0x221: {  	s25 =	simm.s32 $0x0;
	s0 =	simm.s32 @!p0 $0x4;
	[sflag:s17] =	ssyncadd.s32 $0xFFFFA000  }
0x222: {  	s26 =	simm.s32 $0x0;
	s2 =	smul.u32 $0xC00, s25;
	_ =	swait.ge @!p0 [sflag:s0], $0x6000  }
0x223: {  	s25 =	sand.u32 $0x380, s26;
	[sflag:s0] =	ssyncset.done @!p0 $0x0  }
0x224: {  	s25 =	sor.u32 s25, s2;
	[sflag:s0] =	ssyncadd.s32 @!p0 $0xFFFFA000  }
0x225: {  	v3 =	vld [tilespmem:s25+$0x6000];
	_ =	sdelay $0x4  }
0x226: {  	v4 =	vmul.f32 $2.000000000e+01, v3;
	_ =	sdelay $0x1  }
0x227: {  	v4 =	vadd.f32 v4, v2;
	_ =	sdelay $0x1  }
0x228: {  	v4 =	vmax.f32 v4, v1  }
0x229: {  	v5 =	vld [tilespmem:s25+$0x6010];
	v4 =	vmin.f32 v4, v0  }
0x22a: {  	v4 =	vtrunc.f32 v4  }
0x22b: {  	v4 =	vcvt.f32.s32 v4;
	_ =	sdelay $0x2  }
0x22c: {  	v6 =	vmul.f32 $2.000000000e+01, v5;
	_ =	sdelay $0x1  }
0x22d: {  	v6 =	vadd.f32 v6, v2  }
0x22e: {  	v7 =	vld.idx.msk [tilespmem:v4+s11+$0x0], $0xffff  }
0x22f: {  	v8 =	vld [tilespmem:s25+$0x6020];
	v6 =	vmax.f32 v6, v1  }
0x230: {  	v6 =	vmin.f32 v6, v0;
	v4 =	vld.idx.msk [tilespmem:v4+s13+$0x0], $0xffff  }
0x231: {  	v6 =	vtrunc.f32 v6  }
0x232: {  	v6 =	vcvt.f32.s32 v6  }
0x233: {  	v3 =	vmul.f32 v7, v3;
	_ =	sdelay $0x1  }
0x234: {  	v7 =	vmul.f32 $2.000000000e+01, v8;
	v3 =	vadd.f32 v4, v3;
	_ =	sdelay $0x1  }
0x235: {  	[tilespmem:s25+$0x12000] =	vst v3;
	v3 =	vadd.f32 v7, v2  }
0x236: {  	v7 =	vld.idx.msk [tilespmem:v6+s11+$0x0], $0xffff  }
0x237: {  	v4 =	vld [tilespmem:s25+$0x6030];
	v3 =	vmax.f32 v3, v1  }
0x238: {  	v6 =	vld.idx.msk [tilespmem:v6+s13+$0x0], $0xffff;
	v3 =	vmin.f32 v3, v0  }
0x239: {  	v3 =	vtrunc.f32 v3  }
0x23a: {  	v3 =	vcvt.f32.s32 v3  }
0x23b: {  	v5 =	vmul.f32 v7, v5;
	_ =	sdelay $0x1  }
0x23c: {  	v7 =	vmul.f32 $2.000000000e+01, v4;
	v5 =	vadd.f32 v6, v5;
	_ =	sdelay $0x1  }
0x23d: {  	[tilespmem:s25+$0x12010] =	vst v5;
	v5 =	vadd.f32 v7, v2  }
0x23e: {  	v7 =	vld.idx.msk [tilespmem:v3+s11+$0x0], $0xffff  }
0x23f: {  	v6 =	vld [tilespmem:s25+$0x6040];
	v5 =	vmax.f32 v5, v1  }
0x240: {  	v3 =	vld.idx.msk [tilespmem:v3+s13+$0x0], $0xffff;
	v5 =	vmin.f32 v5, v0  }
0x241: {  	v5 =	vtrunc.f32 v5  }
0x242: {  	v5 =	vcvt.f32.s32 v5  }
0x243: {  	v7 =	vmul.f32 v7, v8;
	_ =	sdelay $0x1  }
0x244: {  	v8 =	vmul.f32 $2.000000000e+01, v6;
	v3 =	vadd.f32 v3, v7;
	_ =	sdelay $0x1  }
0x245: {  	[tilespmem:s25+$0x12020] =	vst v3;
	v3 =	vadd.f32 v8, v2  }
0x246: {  	v7 =	vld.idx.msk [tilespmem:v5+s11+$0x0], $0xffff  }
0x247: {  	v8 =	vld [tilespmem:s25+$0x6050];
	v3 =	vmax.f32 v3, v1  }
0x248: {  	v5 =	vld.idx.msk [tilespmem:v5+s13+$0x0], $0xffff;
	v3 =	vmin.f32 v3, v0  }
0x249: {  	v3 =	vtrunc.f32 v3  }
0x24a: {  	v3 =	vcvt.f32.s32 v3  }
0x24b: {  	v4 =	vmul.f32 v7, v4;
	_ =	sdelay $0x1  }
0x24c: {  	v4 =	vadd.f32 v5, v4;
	v5 =	vmul.f32 $2.000000000e+01, v8;
	_ =	sdelay $0x1  }
0x24d: {  	[tilespmem:s25+$0x12030] =	vst v4;
	v4 =	vadd.f32 v5, v2  }
0x24e: {  	v5 =	vld.idx.msk [tilespmem:v3+s11+$0x0], $0xffff  }
0x24f: {  	v7 =	vld [tilespmem:s25+$0x6060];
	v4 =	vmax.f32 v4, v1  }
0x250: {  	v3 =	vld.idx.msk [tilespmem:v3+s13+$0x0], $0xffff;
	v4 =	vmin.f32 v4, v0  }
0x251: {  	v4 =	vtrunc.f32 v4  }
0x252: {  	s2 =	simm.s32 $0x0;
	v4 =	vcvt.f32.s32 v4  }
0x253: {  	s26 =	simm.s32 $0x80;
	s0 =	smul.u32 $0xC00, s2;
	v5 =	vmul.f32 v5, v6  }
0x254: {  	s2 =	sand.u32 $0x380, s26  }
0x255: {  	s26 =	sor.u32 s2, s0;
	v3 =	vadd.f32 v3, v5;
	v5 =	vmul.f32 $2.000000000e+01, v7  }
0x256: {  	v6 =	vld [tilespmem:s26+$0x6000]  }
0x257: {  	[tilespmem:s25+$0x12040] =	vst v3;
	v3 =	vadd.f32 v5, v2  }
0x258: {  	v5 =	vld.idx.msk [tilespmem:v4+s11+$0x0], $0xffff  }
0x259: {  	v9 =	vld [tilespmem:s25+$0x6070];
	v3 =	vmax.f32 v3, v1  }
0x25a: {  	v4 =	vld.idx.msk [tilespmem:v4+s13+$0x0], $0xffff;
	v3 =	vmin.f32 v3, v0  }
0x25b: {  	v10 =	vmul.f32 $2.000000000e+01, v6;
	v3 =	vtrunc.f32 v3  }
0x25c: {  	v3 =	vcvt.f32.s32 v3  }
0x25d: {  	v10 =	vadd.f32 v10, v2;
	v5 =	vmul.f32 v5, v8;
	_ =	sdelay $0x1  }
0x25e: {  	v8 =	vmax.f32 v10, v1;
	v4 =	vadd.f32 v4, v5;
	v5 =	vmul.f32 $2.000000000e+01, v9  }
0x25f: {  	v10 =	vld [tilespmem:s26+$0x6010];
	v8 =	vmin.f32 v8, v0  }
0x260: {  	v8 =	vtrunc.f32 v8;
	[tilespmem:s25+$0x12050] =	vst v4;
	v4 =	vadd.f32 v5, v2  }
0x261: {  	v5 =	vcvt.f32.s32 v8;
	v8 =	vld.idx.msk [tilespmem:v3+s11+$0x0], $0xffff  }
0x262: {  	v11 =	vld [tilespmem:s25+$0x6400];
	v4 =	vmax.f32 v4, v1  }
0x263: {  	v3 =	vld.idx.msk [tilespmem:v3+s13+$0x0], $0xffff;
	v4 =	vmin.f32 v4, v0  }
0x264: {  	v12 =	vmul.f32 $2.000000000e+01, v10;
	v4 =	vtrunc.f32 v4  }
0x265: {  	v4 =	vcvt.f32.s32 v4  }
0x266: {  	v12 =	vadd.f32 v12, v2;
	v7 =	vmul.f32 v8, v7  }
0x267: {  	v8 =	vld.idx.msk [tilespmem:v5+s11+$0x0], $0xffff  }
0x268: {  	v13 =	vld [tilespmem:s26+$0x6020];
	v12 =	vmax.f32 v12, v1;
	v3 =	vadd.f32 v3, v7;
	v7 =	vmul.f32 $2.000000000e+01, v11  }
0x269: {  	v5 =	vld.idx.msk [tilespmem:v5+s13+$0x0], $0xffff;
	v12 =	vmin.f32 v12, v0  }
0x26a: {  	v12 =	vtrunc.f32 v12;
	[tilespmem:s25+$0x12060] =	vst v3;
	v3 =	vadd.f32 v7, v2  }
0x26b: {  	v7 =	vcvt.f32.s32 v12;
	v12 =	vld.idx.msk [tilespmem:v4+s11+$0x0], $0xffff  }
0x26c: {  	v6 =	vmul.f32 v8, v6;
	v4 =	vld.idx.msk [tilespmem:v4+s13+$0x0], $0xffff;
	v3 =	vmax.f32 v3, v1  }
0x26d: {  	v8 =	vld [tilespmem:s25+$0x6410];
	v3 =	vmin.f32 v3, v0  }
0x26e: {  	v14 =	vmul.f32 $2.000000000e+01, v13;
	v5 =	vadd.f32 v5, v6;
	v3 =	vtrunc.f32 v3  }
0x26f: {  	v3 =	vcvt.f32.s32 v3  }
0x270: {  	[tilespmem:s26+$0x12000] =	vst v5;
	v5 =	vadd.f32 v14, v2;
	v9 =	vmul.f32 v12, v9  }
0x271: {  	v12 =	vld.idx.msk [tilespmem:v7+s11+$0x0], $0xffff  }
0x272: {  	v6 =	vld [tilespmem:s26+$0x6030];
	v5 =	vmax.f32 v5, v1;
	v4 =	vadd.f32 v4, v9;
	v9 =	vmul.f32 $2.000000000e+01, v8  }
0x273: {  	v7 =	vld.idx.msk [tilespmem:v7+s13+$0x0], $0xffff;
	v5 =	vmin.f32 v5, v0  }
0x274: {  	v5 =	vtrunc.f32 v5;
	[tilespmem:s25+$0x12070] =	vst v4;
	v4 =	vadd.f32 v9, v2  }
0x275: {  	v5 =	vcvt.f32.s32 v5;
	v9 =	vld.idx.msk [tilespmem:v3+s11+$0x0], $0xffff  }
0x276: {  	v10 =	vmul.f32 v12, v10;
	v3 =	vld.idx.msk [tilespmem:v3+s13+$0x0], $0xffff;
	v4 =	vmax.f32 v4, v1  }
0x277: {  	v12 =	vld [tilespmem:s25+$0x6420];
	v4 =	vmin.f32 v4, v0  }
0x278: {  	v14 =	vmul.f32 $2.000000000e+01, v6;
	v7 =	vadd.f32 v7, v10;
	v4 =	vtrunc.f32 v4  }
0x279: {  	v4 =	vcvt.f32.s32 v4  }
0x27a: {  	[tilespmem:s26+$0x12010] =	vst v7;
	v7 =	vadd.f32 v14, v2;
	v9 =	vmul.f32 v9, v11  }
0x27b: {  	v11 =	vld.idx.msk [tilespmem:v5+s11+$0x0], $0xffff  }
0x27c: {  	v10 =	vld [tilespmem:s26+$0x6040];
	v7 =	vmax.f32 v7, v1;
	v3 =	vadd.f32 v3, v9;
	v9 =	vmul.f32 $2.000000000e+01, v12  }
0x27d: {  	v5 =	vld.idx.msk [tilespmem:v5+s13+$0x0], $0xffff;
	v7 =	vmin.f32 v7, v0  }
0x27e: {  	v7 =	vtrunc.f32 v7;
	[tilespmem:s25+$0x12400] =	vst v3;
	v3 =	vadd.f32 v9, v2  }
0x27f: {  	v7 =	vcvt.f32.s32 v7;
	v9 =	vld.idx.msk [tilespmem:v4+s11+$0x0], $0xffff  }
0x280: {  	v11 =	vmul.f32 v11, v13;
	v4 =	vld.idx.msk [tilespmem:v4+s13+$0x0], $0xffff;
	v3 =	vmax.f32 v3, v1  }
0x281: {  	v13 =	vld [tilespmem:s25+$0x6430];
	v3 =	vmin.f32 v3, v0  }
0x282: {  	v14 =	vmul.f32 $2.000000000e+01, v10;
	v5 =	vadd.f32 v5, v11;
	v3 =	vtrunc.f32 v3  }
0x283: {  	v3 =	vcvt.f32.s32 v3  }
0x284: {  	[tilespmem:s26+$0x12020] =	vst v5;
	v5 =	vadd.f32 v14, v2;
	v8 =	vmul.f32 v9, v8  }
0x285: {  	v9 =	vld.idx.msk [tilespmem:v7+s11+$0x0], $0xffff  }
0x286: {  	v11 =	vld [tilespmem:s26+$0x6050];
	v5 =	vmax.f32 v5, v1;
	v4 =	vadd.f32 v4, v8;
	v8 =	vmul.f32 $2.000000000e+01, v13  }
0x287: {  	v7 =	vld.idx.msk [tilespmem:v7+s13+$0x0], $0xffff;
	v5 =	vmin.f32 v5, v0  }
0x288: {  	v5 =	vtrunc.f32 v5;
	[tilespmem:s25+$0x12410] =	vst v4;
	v4 =	vadd.f32 v8, v2  }
0x289: {  	v5 =	vcvt.f32.s32 v5;
	v8 =	vld.idx.msk [tilespmem:v3+s11+$0x0], $0xffff  }
0x28a: {  	v6 =	vmul.f32 v9, v6;
	v3 =	vld.idx.msk [tilespmem:v3+s13+$0x0], $0xffff;
	v4 =	vmax.f32 v4, v1  }
0x28b: {  	v9 =	vld [tilespmem:s25+$0x6440];
	v4 =	vmin.f32 v4, v0  }
0x28c: {  	v6 =	vadd.f32 v7, v6;
	v7 =	vmul.f32 $2.000000000e+01, v11;
	v4 =	vtrunc.f32 v4  }
0x28d: {  	v4 =	vcvt.f32.s32 v4  }
0x28e: {  	[tilespmem:s26+$0x12030] =	vst v6;
	v6 =	vadd.f32 v7, v2;
	v7 =	vmul.f32 v8, v12  }
0x28f: {  	v8 =	vld.idx.msk [tilespmem:v5+s11+$0x0], $0xffff  }
0x290: {  	v5 =	vld.idx.msk [tilespmem:v5+s13+$0x0], $0xffff;
	v6 =	vmax.f32 v6, v1;
	v3 =	vadd.f32 v3, v7;
	v7 =	vmul.f32 $2.000000000e+01, v9  }
0x291: {  	v12 =	vld [tilespmem:s26+$0x6060];
	v6 =	vmin.f32 v6, v0  }
0x292: {  	v6 =	vtrunc.f32 v6;
	[tilespmem:s25+$0x12420] =	vst v3;
	v3 =	vadd.f32 v7, v2  }
0x293: {  	s2 =	simm.s32 $0x0;
	v6 =	vcvt.f32.s32 v6;
	v7 =	vld.idx.msk [tilespmem:v4+s11+$0x0], $0xffff  }
0x294: {  	s0 =	smul.u32 $0xC00, s2;
	s2 =	simm.s32 $0x100;
	v8 =	vmul.f32 v8, v10;
	v3 =	vmax.f32 v3, v1  }
0x295: {  	s2 =	sand.u32 $0x380, s2;
	v4 =	vld.idx.msk [tilespmem:v4+s13+$0x0], $0xffff;
	v3 =	vmin.f32 v3, v0  }
0x296: {  	s28 =	sor.u32 s2, s0;
	v10 =	vld [tilespmem:s25+$0x6450];
	v14 =	vmul.f32 $2.000000000e+01, v12;
	v5 =	vadd.f32 v5, v8;
	v3 =	vtrunc.f32 v3  }
0x297: {  	v8 =	vld [tilespmem:s28+$0x6000];
	v3 =	vcvt.f32.s32 v3  }
0x298: {  	[tilespmem:s26+$0x12040] =	vst v5;
	v5 =	vadd.f32 v14, v2;
	v7 =	vmul.f32 v7, v13  }
0x299: {  	v13 =	vld.idx.msk [tilespmem:v6+s11+$0x0], $0xffff  }
0x29a: {  	v15 =	vld [tilespmem:s26+$0x6070];
	v5 =	vmax.f32 v5, v1;
	v4 =	vadd.f32 v4, v7  }
0x29b: {  	v6 =	vld.idx.msk [tilespmem:v6+s13+$0x0], $0xffff;
	v7 =	vmul.f32 $2.000000000e+01, v10;
	v5 =	vmin.f32 v5, v0  }
0x29c: {  	v14 =	vmul.f32 $2.000000000e+01, v8;
	v5 =	vtrunc.f32 v5;
	[tilespmem:s25+$0x12430] =	vst v4  }
0x29d: {  	v4 =	vcvt.f32.s32 v5;
	v7 =	vadd.f32 v7, v2;
	v5 =	vld.idx.msk [tilespmem:v3+s11+$0x0], $0xffff  }
0x29e: {  	v14 =	vadd.f32 v14, v2;
	v11 =	vmul.f32 v13, v11;
	v13 =	vld [tilespmem:s25+$0x6460]  }
0x29f: {  	v16 =	vmul.f32 $2.000000000e+01, v15;
	v3 =	vld.idx.msk [tilespmem:v3+s13+$0x0], $0xffff;
	v7 =	vmax.f32 v7, v1  }
0x2a0: {  	v14 =	vmax.f32 v14, v1;
	v6 =	vadd.f32 v6, v11;
	v7 =	vmin.f32 v7, v0;
	v11 =	vld [tilespmem:s28+$0x6010]  }
0x2a1: {  	v14 =	vmin.f32 v14, v0;
	v7 =	vtrunc.f32 v7  }
0x2a2: {  	v14 =	vtrunc.f32 v14;
	[tilespmem:s26+$0x12050] =	vst v6;
	v6 =	vcvt.f32.s32 v7;
	v7 =	vadd.f32 v16, v2  }
0x2a3: {  	v14 =	vcvt.f32.s32 v14;
	v16 =	vld.idx.msk [tilespmem:v4+s11+$0x0], $0xffff;
	v5 =	vmul.f32 v5, v9  }
0x2a4: {  	v17 =	vld [tilespmem:s26+$0x6400];
	v9 =	vmul.f32 $2.000000000e+01, v13;
	v7 =	vmax.f32 v7, v1  }
0x2a5: {  	v4 =	vld.idx.msk [tilespmem:v4+s13+$0x0], $0xffff;
	v3 =	vadd.f32 v3, v5;
	v5 =	vmul.f32 $2.000000000e+01, v11;
	v7 =	vmin.f32 v7, v0  }
0x2a6: {  	v18 =	vld [tilespmem:s25+$0x6470];
	v7 =	vtrunc.f32 v7  }
0x2a7: {  	v19 =	vld [tilespmem:s28+$0x6020];
	[tilespmem:s25+$0x12440] =	vst v3;
	v3 =	vcvt.f32.s32 v7;
	v7 =	vadd.f32 v9, v2;
	v5 =	vadd.f32 v5, v2  }
0x2a8: {  	v9 =	vld.idx.msk [tilespmem:v6+s11+$0x0], $0xffff;
	v12 =	vmul.f32 v16, v12  }
0x2a9: {  	v16 =	vld.idx.msk [tilespmem:v14+s11+$0x0], $0xffff;
	v7 =	vmax.f32 v7, v1;
	v5 =	vmax.f32 v5, v1  }
0x2aa: {  	v6 =	vld.idx.msk [tilespmem:v6+s13+$0x0], $0xffff;
	v4 =	vadd.f32 v4, v12;
	v7 =	vmin.f32 v7, v0;
	v12 =	vmul.f32 $2.000000000e+01, v17  }
0x2ab: {  	v14 =	vld.idx.msk [tilespmem:v14+s13+$0x0], $0xffff;
	v5 =	vmin.f32 v5, v0;
	v7 =	vtrunc.f32 v7  }
0x2ac: {  	v5 =	vtrunc.f32 v5;
	[tilespmem:s26+$0x12060] =	vst v4;
	v4 =	vcvt.f32.s32 v7;
	v7 =	vadd.f32 v12, v2  }
0x2ad: {  	v5 =	vcvt.f32.s32 v5;
	v12 =	vld.idx.msk [tilespmem:v3+s11+$0x0], $0xffff;
	v9 =	vmul.f32 v9, v10  }
0x2ae: {  	v20 =	vld [tilespmem:s26+$0x6410];
	v10 =	vmul.f32 $2.000000000e+01, v18;
	v8 =	vmul.f32 v16, v8;
	v7 =	vmax.f32 v7, v1  }
0x2af: {  	v3 =	vld.idx.msk [tilespmem:v3+s13+$0x0], $0xffff;
	v16 =	vmul.f32 $2.000000000e+01, v19;
	v6 =	vadd.f32 v6, v9;
	v7 =	vmin.f32 v7, v0  }
0x2b0: {  	v21 =	vld [tilespmem:s25+$0x6800];
	v8 =	vadd.f32 v14, v8;
	v7 =	vtrunc.f32 v7  }
0x2b1: {  	v14 =	vld [tilespmem:s28+$0x6030];
	v9 =	vadd.f32 v16, v2;
	[tilespmem:s25+$0x12450] =	vst v6;
	v6 =	vcvt.f32.s32 v7;
	v7 =	vadd.f32 v10, v2  }
0x2b2: {  	[tilespmem:s28+$0x12000] =	vst v8;
	v8 =	vld.idx.msk [tilespmem:v4+s11+$0x0], $0xffff;
	v10 =	vmul.f32 v12, v15  }
0x2b3: {  	v9 =	vmax.f32 v9, v1;
	v12 =	vld.idx.msk [tilespmem:v5+s11+$0x0], $0xffff;
	v7 =	vmax.f32 v7, v1  }
0x2b4: {  	v4 =	vld.idx.msk [tilespmem:v4+s13+$0x0], $0xffff;
	v3 =	vadd.f32 v3, v10;
	v7 =	vmin.f32 v7, v0;
	v10 =	vmul.f32 $2.000000000e+01, v20  }
0x2b5: {  	v5 =	vld.idx.msk [tilespmem:v5+s13+$0x0], $0xffff;
	v9 =	vmin.f32 v9, v0;
	v7 =	vtrunc.f32 v7  }
0x2b6: {  	v9 =	vtrunc.f32 v9;
	[tilespmem:s26+$0x12070] =	vst v3;
	v3 =	vcvt.f32.s32 v7;
	v7 =	vadd.f32 v10, v2  }
0x2b7: {  	v9 =	vcvt.f32.s32 v9;
	v10 =	vld.idx.msk [tilespmem:v6+s11+$0x0], $0xffff;
	v8 =	vmul.f32 v8, v13  }
0x2b8: {  	v23 =	vld [tilespmem:s28+$0x6040];
	v11 =	vmul.f32 v12, v11;
	v7 =	vmax.f32 v7, v1  }
0x2b9: {  	v12 =	vmul.f32 $2.000000000e+01, v21;
	v6 =	vld.idx.msk [tilespmem:v6+s13+$0x0], $0xffff;
	v4 =	vadd.f32 v4, v8;
	v7 =	vmin.f32 v7, v0  }
0x2ba: {  	v8 =	vmul.f32 $2.000000000e+01, v14;
	v5 =	vadd.f32 v5, v11;
	v11 =	vld [tilespmem:s26+$0x6420];
	v7 =	vtrunc.f32 v7  }
0x2bb: {  	v22 =	vld [tilespmem:s25+$0x6810];
	[tilespmem:s25+$0x12460] =	vst v4;
	v4 =	vcvt.f32.s32 v7;
	v7 =	vadd.f32 v12, v2  }
0x2bc: {  	[tilespmem:s28+$0x12010] =	vst v5;
	v8 =	vadd.f32 v8, v2;
	v5 =	vld.idx.msk [tilespmem:v3+s11+$0x0], $0xffff;
	v10 =	vmul.f32 v10, v17  }
0x2bd: {  	v12 =	vld.idx.msk [tilespmem:v9+s11+$0x0], $0xffff;
	v7 =	vmax.f32 v7, v1  }
0x2be: {  	v13 =	vld.idx.msk [tilespmem:v3+s13+$0x0], $0xffff;
	v3 =	vmax.f32 v8, v1;
	v6 =	vadd.f32 v6, v10;
	v7 =	vmin.f32 v7, v0  }
0x2bf: {  	v8 =	vld.idx.msk [tilespmem:v9+s13+$0x0], $0xffff;
	v9 =	vmin.f32 v3, v0;
	v10 =	vmul.f32 $2.000000000e+01, v11;
	v7 =	vtrunc.f32 v7  }
0x2c0: {  	v9 =	vtrunc.f32 v9;
	[tilespmem:s26+$0x12400] =	vst v6;
	v7 =	vcvt.f32.s32 v7  }
0x2c1: {  	v15 =	vcvt.f32.s32 v9;
	v6 =	vadd.f32 v10, v2;
	v16 =	vld.idx.msk [tilespmem:v4+s11+$0x0], $0xffff;
	v5 =	vmul.f32 v5, v18  }
0x2c2: {  	v9 =	vmul.f32 v12, v19  }
0x2c3: {  	v10 =	vmul.f32 $2.000000000e+01, v22;
	v4 =	vld.idx.msk [tilespmem:v4+s13+$0x0], $0xffff;
	v12 =	vmax.f32 v6, v1;
	v5 =	vadd.f32 v13, v5  }
0x2c4: {  	v13 =	vmul.f32 $2.000000000e+01, v23;
	v8 =	vadd.f32 v8, v9;
	v12 =	vmin.f32 v12, v0;
	v9 =	vld [tilespmem:s26+$0x6430]  }
0x2c5: {  	v6 =	vld [tilespmem:s25+$0x6820];
	v12 =	vtrunc.f32 v12;
	[tilespmem:s25+$0x12470] =	vst v5;
	v5 =	vadd.f32 v10, v2  }
0x2c6: {  	[tilespmem:s28+$0x12020] =	vst v8;
	v8 =	vcvt.f32.s32 v12;
	v10 =	vadd.f32 v13, v2;
	v12 =	vld.idx.msk [tilespmem:v7+s11+$0x0], $0xffff;
	v13 =	vmul.f32 v16, v20  }
0x2c7: {  	v16 =	vld.idx.msk [tilespmem:v15+s11+$0x0], $0xffff;
	v5 =	vmax.f32 v5, v1  }
0x2c8: {  	v7 =	vld.idx.msk [tilespmem:v7+s13+$0x0], $0xffff;
	v10 =	vmax.f32 v10, v1;
	v4 =	vadd.f32 v4, v13;
	v5 =	vmin.f32 v5, v0  }
0x2c9: {  	v13 =	vld.idx.msk [tilespmem:v15+s13+$0x0], $0xffff;
	v15 =	vmin.f32 v10, v0;
	v17 =	vmul.f32 $2.000000000e+01, v9;
	v5 =	vtrunc.f32 v5  }
0x2ca: {  	v10 =	vld [tilespmem:s28+$0x6050];
	v15 =	vtrunc.f32 v15;
	v5 =	vcvt.f32.s32 v5  }
0x2cb: {  	v3 =	vld [tilespmem:s25+$0x6870];
	[tilespmem:s26+$0x12410] =	vst v4;
	v15 =	vcvt.f32.s32 v15;
	v4 =	vadd.f32 v17, v2;
	v12 =	vmul.f32 v12, v21  }
0x2cc: {  	v17 =	vld.idx.msk [tilespmem:v8+s11+$0x0], $0xffff;
	v14 =	vmul.f32 v16, v14  }
0x2cd: {  	v16 =	vld.idx.msk [tilespmem:v8+s13+$0x0], $0xffff;
	v4 =	vmax.f32 v4, v1;
	v7 =	vadd.f32 v7, v12  }
0x2ce: {  	v12 =	vadd.f32 v13, v14;
	v8 =	vmin.f32 v4, v0;
	v13 =	vmul.f32 $2.000000000e+01, v6;
	v4 =	vld [tilespmem:s25+$0x6860]  }
0x2cf: {  	v14 =	vmul.f32 $2.000000000e+01, v10;
	v18 =	vtrunc.f32 v8;
	v8 =	vld [tilespmem:s26+$0x6440];
	[tilespmem:s25+$0x12800] =	vst v7  }
0x2d0: {  	[tilespmem:s28+$0x12030] =	vst v12;
	v12 =	vcvt.f32.s32 v18;
	v18 =	vadd.f32 v13, v2;
	v7 =	vld.idx.msk [tilespmem:v5+s11+$0x0], $0xffff  }
0x2d1: {  	s0 =	sor.u32 $0x1, s23;
	v14 =	vadd.f32 v14, v2;
	v21 =	vld.idx.msk [tilespmem:v15+s11+$0x0], $0xffff;
	v11 =	vmul.f32 v17, v11  }
0x2d2: {  	s2 =	smulhi.u32 $0x2AAAAAAB, s0;
	v13 =	vld.idx.msk [tilespmem:v5+s13+$0x0], $0xffff;
	v5 =	vmax.f32 v18, v1  }
0x2d3: {  	v19 =	vld.idx.msk [tilespmem:v15+s13+$0x0], $0xffff;
	v14 =	vmax.f32 v14, v1;
	v11 =	vadd.f32 v16, v11;
	v15 =	vmin.f32 v5, v0  }
0x2d4: {  	s2 =	smul.u32 $0x6, s2;
	v14 =	vmin.f32 v14, v0;
	v5 =	vld [tilespmem:s25+$0x6830];
	v16 =	vmul.f32 $2.000000000e+01, v8;
	v17 =	vtrunc.f32 v15  }
0x2d5: {  	v14 =	vtrunc.f32 v14;
	v15 =	vld [tilespmem:s28+$0x6060];
	[tilespmem:s26+$0x12420] =	vst v11;
	v11 =	vcvt.f32.s32 v17  }
0x2d6: {  	s29 =	ssub.s32 s0, s2;
	s2 =	simm.s32 $0x0;
	v20 =	vcvt.f32.s32 v14;
	v14 =	vld.idx.msk [tilespmem:v12+s11+$0x0], $0xffff;
	v16 =	vadd.f32 v16, v2;
	v17 =	vmul.f32 v7, v22  }
0x2d7: {  	s31 =	simm.s32 $0x180;
	s30 =	simm.s32 $0x4;
	s2 =	smul.u32 $0xC00, s2;
	v18 =	vmul.f32 v21, v23;
	v7 =	vld [tilespmem:s26+$0x6450]  }
.LBB2_5:
0x2d8: {  	p0 =	sne.s32 s30, $0x3F;
	s0 =	sand.u32 $0x380, s31;
	v21 =	vld.idx.msk [tilespmem:v12+s13+$0x0], $0xffff;
	v12 =	vmax.f32 v16, v1;
	v13 =	vadd.f32 v13, v17  }
0x2d9: {  	s2 =	sor.u32 s0, s2;
	v16 =	vadd.f32 v19, v18;
	v17 =	vmin.f32 v12, v0;
	v18 =	vmul.f32 $2.000000000e+01, v5;
	v12 =	vld [tilespmem:s25+$0x6840]  }
0x2da: {  	v19 =	vld [tilespmem:s2+$0x6000];
	v22 =	vmul.f32 $2.000000000e+01, v15;
	v17 =	vtrunc.f32 v17;
	[tilespmem:s25+$0x12810] =	vst v13  }
0x2db: {  	[tilespmem:s28+$0x12040] =	vst v16;
	v13 =	vcvt.f32.s32 v17;
	v16 =	vld.idx.msk [tilespmem:v11+s11+$0x0], $0xffff;
	v17 =	vadd.f32 v18, v2  }
0x2dc: {  	v9 =	vmul.f32 v14, v9;
	v18 =	vld.idx.msk [tilespmem:v20+s11+$0x0], $0xffff;
	v22 =	vadd.f32 v22, v2  }
0x2dd: {  	v14 =	vmul.f32 $2.000000000e+01, v7;
	v11 =	vld.idx.msk [tilespmem:v11+s13+$0x0], $0xffff;
	v17 =	vmax.f32 v17, v1  }
0x2de: {  	v21 =	vadd.f32 v21, v9;
	v20 =	vld.idx.msk [tilespmem:v20+s13+$0x0], $0xffff;
	v22 =	vmax.f32 v22, v1;
	v9 =	vmin.f32 v17, v0  }
0x2df: {  	v17 =	vmul.f32 $2.000000000e+01, v19;
	v22 =	vmin.f32 v22, v0;
	v23 =	vtrunc.f32 v9;
	v9 =	vld [tilespmem:s25+$0x6850]  }
0x2e0: {  	v22 =	vtrunc.f32 v22;
	v24 =	vld [tilespmem:s28+$0x6070];
	[tilespmem:s26+$0x12430] =	vst v21;
	v21 =	vcvt.f32.s32 v23  }
0x2e1: {  	v14 =	vadd.f32 v14, v2;
	v6 =	vmul.f32 v16, v6;
	v22 =	vcvt.f32.s32 v22;
	v23 =	vld.idx.msk [tilespmem:v13+s11+$0x0], $0xffff  }
0x2e2: {  	v16 =	vadd.f32 v17, v2;
	v17 =	vmul.f32 v18, v10;
	v10 =	vld [tilespmem:s26+$0x6460]  }
0x2e3: {  	v14 =	vmax.f32 v14, v1;
	v18 =	vmul.f32 $2.000000000e+01, v12;
	v11 =	vadd.f32 v11, v6;
	v13 =	vld.idx.msk [tilespmem:v13+s13+$0x0], $0xffff  }
0x2e4: {  	v14 =	vmin.f32 v14, v0;
	v16 =	vmax.f32 v16, v1;
	v17 =	vadd.f32 v20, v17;
	v6 =	vld [tilespmem:s26+$0x6470]  }
0x2e5: {  	v14 =	vtrunc.f32 v14;
	v20 =	vmin.f32 v16, v0;
	v16 =	vld [tilespmem:s2+$0x6010];
	v25 =	vmul.f32 $2.000000000e+01, v24;
	[tilespmem:s25+$0x12820] =	vst v11  }
0x2e6: {  	v11 =	vtrunc.f32 v20;
	[tilespmem:s28+$0x12050] =	vst v17;
	v17 =	vcvt.f32.s32 v14;
	v20 =	vld.idx.msk [tilespmem:v21+s11+$0x0], $0xffff;
	v14 =	vadd.f32 v18, v2  }
0x2e7: {  	v11 =	vcvt.f32.s32 v11;
	v8 =	vmul.f32 v23, v8;
	v18 =	vld.idx.msk [tilespmem:v22+s11+$0x0], $0xffff;
	v25 =	vadd.f32 v25, v2  }
0x2e8: {  	v23 =	vmul.f32 $2.000000000e+01, v10;
	v21 =	vld.idx.msk [tilespmem:v21+s13+$0x0], $0xffff;
	v14 =	vmax.f32 v14, v1  }
0x2e9: {  	v13 =	vadd.f32 v13, v8;
	v22 =	vld.idx.msk [tilespmem:v22+s13+$0x0], $0xffff;
	v25 =	vmax.f32 v25, v1;
	v8 =	vmin.f32 v14, v0  }
0x2ea: {  	v26 =	vmul.f32 $2.000000000e+01, v16;
	v25 =	vmin.f32 v25, v0;
	v14 =	vld [tilespmem:s28+$0x6400];
	v27 =	vtrunc.f32 v8  }
0x2eb: {  	v8 =	vld [tilespmem:s2+$0x6020];
	v25 =	vtrunc.f32 v25;
	[tilespmem:s26+$0x12440] =	vst v13;
	v13 =	vcvt.f32.s32 v27  }
0x2ec: {  	v23 =	vadd.f32 v23, v2;
	v5 =	vmul.f32 v20, v5;
	v25 =	vcvt.f32.s32 v25;
	v27 =	vld.idx.msk [tilespmem:v17+s11+$0x0], $0xffff  }
0x2ed: {  	v26 =	vadd.f32 v26, v2;
	v15 =	vmul.f32 v18, v15;
	v18 =	vmul.f32 $2.000000000e+01, v9;
	v20 =	vld.idx.msk [tilespmem:v11+s11+$0x0], $0xffff  }
0x2ee: {  	v28 =	vmul.f32 $2.000000000e+01, v6;
	v23 =	vmax.f32 v23, v1;
	v21 =	vadd.f32 v21, v5;
	v17 =	vld.idx.msk [tilespmem:v17+s13+$0x0], $0xffff  }
0x2ef: {  	v5 =	vmax.f32 v26, v1;
	v15 =	vadd.f32 v22, v15;
	v22 =	vmin.f32 v23, v0;
	v11 =	vld.idx.msk [tilespmem:v11+s13+$0x0], $0xffff  }
0x2f0: {  	v23 =	vmin.f32 v5, v0;
	v26 =	vmul.f32 $2.000000000e+01, v14;
	v22 =	vtrunc.f32 v22;
	v5 =	vld [tilespmem:s26+$0x6800];
	[tilespmem:s25+$0x12830] =	vst v21  }
0x2f1: {  	v18 =	vadd.f32 v18, v2;
	v21 =	vtrunc.f32 v23;
	[tilespmem:s28+$0x12060] =	vst v15;
	v15 =	vcvt.f32.s32 v22;
	v22 =	vld.idx.msk [tilespmem:v13+s11+$0x0], $0xffff  }
0x2f2: {  	v21 =	vcvt.f32.s32 v21;
	v26 =	vadd.f32 v26, v2;
	v7 =	vmul.f32 v27, v7;
	v23 =	vld.idx.msk [tilespmem:v25+s11+$0x0], $0xffff  }
0x2f3: {  	v19 =	vmul.f32 v20, v19;
	v20 =	vmul.f32 $2.000000000e+01, v8;
	v27 =	vld.idx.msk [tilespmem:v13+s13+$0x0], $0xffff;
	v13 =	vmax.f32 v18, v1  }
0x2f4: {  	v7 =	vadd.f32 v17, v7;
	v18 =	vld.idx.msk [tilespmem:v25+s13+$0x0], $0xffff;
	v25 =	vmax.f32 v26, v1;
	v17 =	vmin.f32 v13, v0  }
0x2f5: {  	v19 =	vadd.f32 v11, v19;
	v25 =	vmin.f32 v25, v0;
	v13 =	vld [tilespmem:s28+$0x6410];
	v17 =	vtrunc.f32 v17  }
0x2f6: {  	v11 =	vld [tilespmem:s2+$0x6030];
	v25 =	vtrunc.f32 v25;
	[tilespmem:s26+$0x12450] =	vst v7;
	v17 =	vcvt.f32.s32 v17  }
0x2f7: {  	v7 =	vadd.f32 v28, v2;
	v12 =	vmul.f32 v22, v12;
	[tilespmem:s2+$0x12000] =	vst v19;
	v19 =	vcvt.f32.s32 v25;
	v25 =	vld.idx.msk [tilespmem:v15+s11+$0x0], $0xffff  }
0x2f8: {  	v20 =	vadd.f32 v20, v2;
	v23 =	vmul.f32 v23, v24;
	v24 =	vmul.f32 $2.000000000e+01, v4;
	v22 =	vld.idx.msk [tilespmem:v21+s11+$0x0], $0xffff  }
0x2f9: {  	v26 =	vmul.f32 $2.000000000e+01, v5;
	v7 =	vmax.f32 v7, v1;
	v12 =	vadd.f32 v27, v12;
	v15 =	vld.idx.msk [tilespmem:v15+s13+$0x0], $0xffff  }
0x2fa: {  	v20 =	vmax.f32 v20, v1;
	v18 =	vadd.f32 v18, v23;
	v7 =	vmin.f32 v7, v0;
	v21 =	vld.idx.msk [tilespmem:v21+s13+$0x0], $0xffff  }
0x2fb: {  	v20 =	vmin.f32 v20, v0;
	v23 =	vmul.f32 $2.000000000e+01, v13;
	v27 =	vtrunc.f32 v7;
	v7 =	vld [tilespmem:s26+$0x6810];
	[tilespmem:s25+$0x12840] =	vst v12  }
0x2fc: {  	v12 =	vtrunc.f32 v20;
	v20 =	vcvt.f32.s32 v27;
	[tilespmem:s28+$0x12070] =	vst v18;
	v27 =	vld.idx.msk [tilespmem:v17+s11+$0x0], $0xffff;
	v18 =	vadd.f32 v24, v2  }
0x2fd: {  	v12 =	vcvt.f32.s32 v12;
	v23 =	vadd.f32 v23, v2;
	v10 =	vmul.f32 v25, v10;
	v24 =	vld.idx.msk [tilespmem:v19+s11+$0x0], $0xffff  }
0x2fe: {  	v16 =	vmul.f32 v22, v16;
	v22 =	vmul.f32 $2.000000000e+01, v11;
	v17 =	vld.idx.msk [tilespmem:v17+s13+$0x0], $0xffff;
	v18 =	vmax.f32 v18, v1  }
0x2ff: {  	v23 =	vmax.f32 v23, v1;
	v10 =	vadd.f32 v15, v10;
	v19 =	vld.idx.msk [tilespmem:v19+s13+$0x0], $0xffff;
	v15 =	vmin.f32 v18, v0  }
0x300: {  	v16 =	vadd.f32 v21, v16;
	v21 =	vmin.f32 v23, v0;
	v23 =	vld [tilespmem:s28+$0x6420];
	v15 =	vtrunc.f32 v15  }
0x301: {  	v21 =	vtrunc.f32 v21;
	v18 =	vld [tilespmem:s2+$0x6040];
	[tilespmem:s26+$0x12460] =	vst v10;
	v10 =	vcvt.f32.s32 v15  }
0x302: {  	v15 =	vcvt.f32.s32 v21;
	v21 =	vadd.f32 v26, v2;
	v9 =	vmul.f32 v27, v9;
	[tilespmem:s2+$0x12010] =	vst v16;
	v16 =	vld.idx.msk [tilespmem:v20+s11+$0x0], $0xffff  }
0x303: {  	v22 =	vadd.f32 v22, v2;
	v14 =	vmul.f32 v24, v14;
	v24 =	vmul.f32 $2.000000000e+01, v3;
	v25 =	vld.idx.msk [tilespmem:v12+s11+$0x0], $0xffff  }
0x304: {  	v26 =	vmul.f32 $2.000000000e+01, v7;
	v21 =	vmax.f32 v21, v1;
	v9 =	vadd.f32 v17, v9;
	v20 =	vld.idx.msk [tilespmem:v20+s13+$0x0], $0xffff  }
0x305: {  	v17 =	vmax.f32 v22, v1;
	v14 =	vadd.f32 v19, v14;
	v19 =	vmin.f32 v21, v0;
	v12 =	vld.idx.msk [tilespmem:v12+s13+$0x0], $0xffff  }
0x306: {  	v17 =	vmin.f32 v17, v0;
	v21 =	vmul.f32 $2.000000000e+01, v23;
	v19 =	vtrunc.f32 v19;
	v22 =	vld [tilespmem:s26+$0x6870];
	[tilespmem:s25+$0x12850] =	vst v9  }
0x307: {  	v9 =	vtrunc.f32 v17;
	[tilespmem:s28+$0x12400] =	vst v14;
	v14 =	vcvt.f32.s32 v19;
	v17 =	vld.idx.msk [tilespmem:v10+s11+$0x0], $0xffff;
	v19 =	vadd.f32 v24, v2  }
0x308: {  	v24 =	vcvt.f32.s32 v9;
	v9 =	vadd.f32 v21, v2;
	v6 =	vmul.f32 v16, v6;
	v27 =	vld.idx.msk [tilespmem:v15+s11+$0x0], $0xffff  }
0x309: {  	v16 =	vmul.f32 $2.000000000e+01, v18;
	v8 =	vmul.f32 v25, v8;
	v10 =	vld.idx.msk [tilespmem:v10+s13+$0x0], $0xffff;
	v19 =	vmax.f32 v19, v1  }
0x30a: {  	v9 =	vmax.f32 v9, v1;
	v20 =	vadd.f32 v20, v6;
	v15 =	vld.idx.msk [tilespmem:v15+s13+$0x0], $0xffff;
	v19 =	vmin.f32 v19, v0  }
0x30b: {  	v8 =	vadd.f32 v12, v8;
	v9 =	vmin.f32 v9, v0;
	v6 =	vld [tilespmem:s26+$0x6820];
	v12 =	vtrunc.f32 v19  }
0x30c: {  	v19 =	vtrunc.f32 v9;
	v9 =	vld [tilespmem:s28+$0x6430];
	[tilespmem:s26+$0x12470] =	vst v20;
	v12 =	vcvt.f32.s32 v12  }
0x30d: {  	v20 =	vadd.f32 v26, v2;
	v4 =	vmul.f32 v17, v4;
	[tilespmem:s2+$0x12020] =	vst v8;
	v8 =	vcvt.f32.s32 v19;
	v19 =	vld.idx.msk [tilespmem:v14+s11+$0x0], $0xffff  }
0x30e: {  	v16 =	vadd.f32 v16, v2;
	v13 =	vmul.f32 v27, v13;
	v17 =	vld.idx.msk [tilespmem:v24+s11+$0x0], $0xffff  }
0x30f: {  	v20 =	vmax.f32 v20, v1;
	v4 =	vadd.f32 v10, v4;
	v14 =	vld.idx.msk [tilespmem:v14+s13+$0x0], $0xffff  }
0x310: {  	v10 =	vmax.f32 v16, v1;
	v13 =	vadd.f32 v15, v13;
	v15 =	vmin.f32 v20, v0;
	v21 =	vld.idx.msk [tilespmem:v24+s13+$0x0], $0xffff  }
0x311: {  	v16 =	vmin.f32 v10, v0;
	v15 =	vtrunc.f32 v15;
	v10 =	vld [tilespmem:s2+$0x6050];
	v20 =	vmul.f32 $2.000000000e+01, v9;
	[tilespmem:s25+$0x12860] =	vst v4  }
0x312: {  	v4 =	vtrunc.f32 v16;
	[tilespmem:s28+$0x12410] =	vst v13;
	v13 =	vcvt.f32.s32 v15;
	v15 =	vld.idx.msk [tilespmem:v12+s11+$0x0], $0xffff  }
0x313: {  	v16 =	vcvt.f32.s32 v4;
	v5 =	vmul.f32 v19, v5;
	v24 =	vld.idx.msk [tilespmem:v8+s11+$0x0], $0xffff;
	v4 =	vadd.f32 v20, v2  }
0x314: {  	v11 =	vmul.f32 v17, v11;
	v17 =	vld.idx.msk [tilespmem:v12+s13+$0x0], $0xffff  }
0x315: {  	v5 =	vadd.f32 v14, v5;
	v20 =	vld.idx.msk [tilespmem:v8+s13+$0x0], $0xffff;
	v4 =	vmax.f32 v4, v1  }
0x316: {  	v14 =	vmul.f32 $2.000000000e+01, v6;
	v11 =	vadd.f32 v21, v11;
	v8 =	vmin.f32 v4, v0;
	v4 =	vld [tilespmem:s26+$0x6860]  }
0x317: {  	v19 =	vmul.f32 $2.000000000e+01, v10;
	v12 =	vtrunc.f32 v8;
	v8 =	vld [tilespmem:s28+$0x6440];
	[tilespmem:s26+$0x12800] =	vst v5  }
0x318: {  	v5 =	vadd.f32 v14, v2;
	[tilespmem:s2+$0x12030] =	vst v11;
	v12 =	vcvt.f32.s32 v12;
	v21 =	vld.idx.msk [tilespmem:v13+s11+$0x0], $0xffff;
	v11 =	vmul.f32 v15, v3  }
0x319: {  	v14 =	vadd.f32 v19, v2;
	v15 =	vmul.f32 v24, v23;
	v3 =	vmov v22;
	v25 =	vld.idx.msk [tilespmem:v16+s11+$0x0], $0xffff  }
0x31a: {  	v5 =	vmax.f32 v5, v1;
	v13 =	vld.idx.msk [tilespmem:v13+s13+$0x0], $0xffff;
	v11 =	vadd.f32 v17, v11  }
.Ltmp3:
0x31b: {  	v14 =	vmax.f32 v14, v1;
	v5 =	vmin.f32 v5, v0;
	v19 =	vld.idx.msk [tilespmem:v16+s13+$0x0], $0xffff;
	v16 =	vadd.f32 v20, v15;
	(pc) =	sbr.rel @p0 .LBB2_5-.Ltmp3, $4  }
0x31c: {  	v14 =	vmin.f32 v14, v0;
	v20 =	vtrunc.f32 v5;
	v17 =	vmul.f32 $2.000000000e+01, v8;
	v5 =	vld [tilespmem:s26+$0x6830];
	[tilespmem:s25+$0x12870] =	vst v11;
	s25 =	smov.u32 s26;
	s26 =	smov.u32 s28;
	s28 =	smov.u32 s2  }
0x31d: {  	v14 =	vtrunc.f32 v14;
	v11 =	vcvt.f32.s32 v20;
	v15 =	vld [tilespmem:s28+$0x6060];
	[tilespmem:s26+$0x12420] =	vst v16  }
0x31e: {  	s0 =	sshrl.u32 s30, $0x3;
	v20 =	vcvt.f32.s32 v14;
	v14 =	vld.idx.msk [tilespmem:v12+s11+$0x0], $0xffff;
	v16 =	vadd.f32 v17, v2;
	v17 =	vmul.f32 v21, v7  }
0x31f: {  	s31 =	sadd.s32 $0x80, s31;
	s30 =	sadd.s32 $0x1, s30;
	s2 =	smul.u32 $0xC00, s0;
	v18 =	vmul.f32 v25, v18;
	v7 =	vld [tilespmem:s26+$0x6450]  }
0x320: {  	s0 =	sand.u32 $0x380, s31  }
0x321: {  	s30 =	sor.u32 s0, s2  }
0x322: {  	v21 =	vld [tilespmem:s30+$0x6000];
	_ =	sdelay $0x4  }
0x323: {  	v22 =	vmul.f32 $2.000000000e+01, v21;
	_ =	sdelay $0x1  }
0x324: {  	v22 =	vadd.f32 v22, v2;
	_ =	sdelay $0x1  }
0x325: {  	v22 =	vmax.f32 v22, v1  }
0x326: {  	v23 =	vld [tilespmem:s30+$0x6010];
	v22 =	vmin.f32 v22, v0  }
0x327: {  	v22 =	vtrunc.f32 v22  }
0x328: {  	v22 =	vcvt.f32.s32 v22;
	_ =	sdelay $0x2  }
0x329: {  	v24 =	vmul.f32 $2.000000000e+01, v23;
	_ =	sdelay $0x1  }
0x32a: {  	v24 =	vadd.f32 v24, v2  }
0x32b: {  	v25 =	vld.idx.msk [tilespmem:v22+s11+$0x0], $0xffff  }
0x32c: {  	v26 =	vld [tilespmem:s30+$0x6020];
	v24 =	vmax.f32 v24, v1  }
0x32d: {  	v24 =	vmin.f32 v24, v0;
	v22 =	vld.idx.msk [tilespmem:v22+s13+$0x0], $0xffff  }
0x32e: {  	v24 =	vtrunc.f32 v24  }
0x32f: {  	v24 =	vcvt.f32.s32 v24  }
0x330: {  	v21 =	vmul.f32 v25, v21;
	_ =	sdelay $0x1  }
0x331: {  	v55 =	vmul.f32 $2.000000000e+01, v26;
	v21 =	vadd.f32 v22, v21;
	_ =	sdelay $0x1  }
0x332: {  	v56 =	vadd.f32 v55, v2;
	[tilespmem:s30+$0x12000] =	vst v21  }
0x333: {  	v57 =	vld.idx.msk [tilespmem:v24+s11+$0x0], $0xffff  }
0x334: {  	v58 =	vld [tilespmem:s30+$0x6030];
	v21 =	vmax.f32 v56, v1  }
0x335: {  	v24 =	vld.idx.msk [tilespmem:v24+s13+$0x0], $0xffff;
	v21 =	vmin.f32 v21, v0  }
0x336: {  	v21 =	vtrunc.f32 v21  }
0x337: {  	v21 =	vcvt.f32.s32 v21  }
0x338: {  	v22 =	vmul.f32 v57, v23;
	_ =	sdelay $0x1  }
0x339: {  	v59 =	vmul.f32 $2.000000000e+01, v58;
	v22 =	vadd.f32 v24, v22;
	_ =	sdelay $0x1  }
0x33a: {  	v60 =	vadd.f32 v59, v2;
	[tilespmem:s30+$0x12010] =	vst v22  }
0x33b: {  	v61 =	vld.idx.msk [tilespmem:v21+s11+$0x0], $0xffff  }
0x33c: {  	v62 =	vld [tilespmem:s30+$0x6040];
	v22 =	vmax.f32 v60, v1  }
0x33d: {  	v21 =	vld.idx.msk [tilespmem:v21+s13+$0x0], $0xffff;
	v22 =	vmin.f32 v22, v0  }
0x33e: {  	v22 =	vtrunc.f32 v22  }
0x33f: {  	v22 =	vcvt.f32.s32 v22  }
0x340: {  	v23 =	vmul.f32 v61, v26;
	_ =	sdelay $0x1  }
0x341: {  	v63 =	vmul.f32 $2.000000000e+01, v62;
	v21 =	vadd.f32 v21, v23;
	_ =	sdelay $0x1  }
0x342: {  	v28 =	vadd.f32 v63, v2;
	[tilespmem:s30+$0x12020] =	vst v21  }
0x343: {  	v29 =	vld.idx.msk [tilespmem:v22+s11+$0x0], $0xffff  }
0x344: {  	v30 =	vld [tilespmem:s30+$0x6050];
	v21 =	vmax.f32 v28, v1  }
0x345: {  	v22 =	vld.idx.msk [tilespmem:v22+s13+$0x0], $0xffff;
	v21 =	vmin.f32 v21, v0  }
0x346: {  	v21 =	vtrunc.f32 v21  }
0x347: {  	v21 =	vcvt.f32.s32 v21  }
0x348: {  	v23 =	vmul.f32 v29, v58;
	_ =	sdelay $0x1  }
0x349: {  	v31 =	vmul.f32 $2.000000000e+01, v30;
	v22 =	vadd.f32 v22, v23;
	_ =	sdelay $0x1  }
0x34a: {  	v32 =	vadd.f32 v31, v2;
	[tilespmem:s30+$0x12030] =	vst v22  }
0x34b: {  	v33 =	vld.idx.msk [tilespmem:v21+s11+$0x0], $0xffff  }
0x34c: {  	v34 =	vld [tilespmem:s30+$0x6060];
	v22 =	vmax.f32 v32, v1  }
0x34d: {  	v21 =	vld.idx.msk [tilespmem:v21+s13+$0x0], $0xffff;
	v22 =	vmin.f32 v22, v0  }
0x34e: {  	v22 =	vtrunc.f32 v22  }
0x34f: {  	v18 =	vadd.f32 v19, v18;
	v35 =	vmul.f32 $2.000000000e+01, v15;
	v22 =	vcvt.f32.s32 v22  }
0x350: {  	v23 =	vmul.f32 v33, v62  }
0x351: {  	[tilespmem:s28+$0x12040] =	vst v18;
	v36 =	vadd.f32 v35, v2  }
0x352: {  	v37 =	vld.idx.msk [tilespmem:v20+s11+$0x0], $0xffff;
	v38 =	vmul.f32 $2.000000000e+01, v34;
	v21 =	vadd.f32 v21, v23  }
0x353: {  	v40 =	vld [tilespmem:s28+$0x6070];
	v18 =	vmax.f32 v36, v1  }
0x354: {  	v39 =	vld.idx.msk [tilespmem:v20+s13+$0x0], $0xffff;
	v18 =	vmin.f32 v18, v0;
	v41 =	vadd.f32 v38, v2;
	[tilespmem:s30+$0x12040] =	vst v21  }
0x355: {  	v18 =	vtrunc.f32 v18;
	v42 =	vld.idx.msk [tilespmem:v22+s11+$0x0], $0xffff  }
0x356: {  	v44 =	vld [tilespmem:s30+$0x6070];
	v18 =	vcvt.f32.s32 v18;
	v21 =	vmax.f32 v41, v1  }
0x357: {  	v10 =	vmul.f32 v37, v10;
	v22 =	vld.idx.msk [tilespmem:v22+s13+$0x0], $0xffff;
	v43 =	vmin.f32 v21, v0  }
0x358: {  	v19 =	vtrunc.f32 v43  }
0x359: {  	v45 =	vmul.f32 $2.000000000e+01, v40;
	v10 =	vadd.f32 v39, v10;
	v19 =	vcvt.f32.s32 v19  }
0x35a: {  	v23 =	vmul.f32 v42, v30  }
0x35b: {  	v46 =	vadd.f32 v45, v2;
	[tilespmem:s28+$0x12050] =	vst v10  }
0x35c: {  	v48 =	vmul.f32 $2.000000000e+01, v44;
	v47 =	vld.idx.msk [tilespmem:v18+s11+$0x0], $0xffff;
	v22 =	vadd.f32 v22, v23  }
0x35d: {  	v49 =	vld [tilespmem:s28+$0x6400];
	v10 =	vmax.f32 v46, v1  }
0x35e: {  	v50 =	vadd.f32 v48, v2;
	v10 =	vmin.f32 v10, v0;
	v18 =	vld.idx.msk [tilespmem:v18+s13+$0x0], $0xffff;
	[tilespmem:s30+$0x12050] =	vst v22  }
0x35f: {  	v10 =	vtrunc.f32 v10;
	v51 =	vld.idx.msk [tilespmem:v19+s11+$0x0], $0xffff  }
0x360: {  	v54 =	vld [tilespmem:s30+$0x6400];
	v10 =	vcvt.f32.s32 v10;
	v22 =	vmax.f32 v50, v1  }
0x361: {  	v52 =	vmul.f32 v47, v15;
	v19 =	vld.idx.msk [tilespmem:v19+s13+$0x0], $0xffff;
	v53 =	vmin.f32 v22, v0  }
0x362: {  	v20 =	vtrunc.f32 v53  }
0x363: {  	v55 =	vmul.f32 $2.000000000e+01, v49;
	v15 =	vadd.f32 v18, v52;
	v20 =	vcvt.f32.s32 v20  }
0x364: {  	v23 =	vmul.f32 v51, v34  }
0x365: {  	[tilespmem:s28+$0x12060] =	vst v15;
	v56 =	vadd.f32 v55, v2  }
0x366: {  	v57 =	vld.idx.msk [tilespmem:v10+s11+$0x0], $0xffff;
	v58 =	vmul.f32 $2.000000000e+01, v54;
	v19 =	vadd.f32 v19, v23  }
0x367: {  	v59 =	vld [tilespmem:s28+$0x6410];
	v15 =	vmax.f32 v56, v1  }
0x368: {  	v15 =	vmin.f32 v15, v0;
	v10 =	vld.idx.msk [tilespmem:v10+s13+$0x0], $0xffff;
	v60 =	vadd.f32 v58, v2;
	[tilespmem:s30+$0x12060] =	vst v19  }
0x369: {  	v15 =	vtrunc.f32 v15;
	v61 =	vld.idx.msk [tilespmem:v20+s11+$0x0], $0xffff  }
0x36a: {  	v15 =	vcvt.f32.s32 v15;
	v62 =	vld [tilespmem:s30+$0x6410];
	v19 =	vmax.f32 v60, v1  }
0x36b: {  	v18 =	vmul.f32 v57, v40;
	v20 =	vld.idx.msk [tilespmem:v20+s13+$0x0], $0xffff;
	v19 =	vmin.f32 v19, v0  }
0x36c: {  	v19 =	vtrunc.f32 v19  }
0x36d: {  	v63 =	vmul.f32 $2.000000000e+01, v59;
	v10 =	vadd.f32 v10, v18;
	v19 =	vcvt.f32.s32 v19  }
0x36e: {  	v21 =	vmul.f32 v61, v44  }
0x36f: {  	v27 =	vadd.f32 v63, v2;
	[tilespmem:s28+$0x12070] =	vst v10  }
0x370: {  	v28 =	vld.idx.msk [tilespmem:v15+s11+$0x0], $0xffff;
	v29 =	vmul.f32 $2.000000000e+01, v62;
	v20 =	vadd.f32 v20, v21  }
0x371: {  	v10 =	vmax.f32 v27, v1;
	v15 =	vld.idx.msk [tilespmem:v15+s13+$0x0], $0xffff  }
0x372: {  	v10 =	vmin.f32 v10, v0;
	v31 =	vadd.f32 v29, v2;
	v30 =	vld [tilespmem:s28+$0x6420];
	[tilespmem:s30+$0x12070] =	vst v20  }
0x373: {  	v10 =	vtrunc.f32 v10;
	v32 =	vld.idx.msk [tilespmem:v19+s11+$0x0], $0xffff  }
0x374: {  	v10 =	vcvt.f32.s32 v10;
	v33 =	vld [tilespmem:s30+$0x6420];
	v20 =	vmax.f32 v31, v1  }
0x375: {  	v18 =	vmul.f32 v28, v49;
	v19 =	vld.idx.msk [tilespmem:v19+s13+$0x0], $0xffff;
	v20 =	vmin.f32 v20, v0  }
0x376: {  	v20 =	vtrunc.f32 v20  }
0x377: {  	v15 =	vadd.f32 v15, v18;
	v34 =	vmul.f32 $2.000000000e+01, v30;
	v20 =	vcvt.f32.s32 v20  }
0x378: {  	v21 =	vmul.f32 v32, v54  }
0x379: {  	[tilespmem:s28+$0x12400] =	vst v15;
	v35 =	vadd.f32 v34, v2  }
0x37a: {  	v36 =	vld.idx.msk [tilespmem:v10+s11+$0x0], $0xffff;
	v37 =	vmul.f32 $2.000000000e+01, v33;
	v19 =	vadd.f32 v19, v21  }
0x37b: {  	v40 =	vld [tilespmem:s28+$0x6430];
	v39 =	vmax.f32 v35, v1  }
0x37c: {  	v38 =	vld.idx.msk [tilespmem:v10+s13+$0x0], $0xffff;
	v41 =	vadd.f32 v37, v2;
	v10 =	vmin.f32 v39, v0;
	[tilespmem:s30+$0x12400] =	vst v19  }
0x37d: {  	v10 =	vtrunc.f32 v10;
	v42 =	vld.idx.msk [tilespmem:v20+s11+$0x0], $0xffff  }
0x37e: {  	v43 =	vmax.f32 v41, v1;
	v27 =	vcvt.f32.s32 v10;
	v19 =	vld [tilespmem:s30+$0x6430]  }
0x37f: {  	v18 =	vmul.f32 v36, v59;
	v10 =	vmin.f32 v43, v0;
	v20 =	vld.idx.msk [tilespmem:v20+s13+$0x0], $0xffff  }
0x380: {  	v13 =	vadd.f32 v13, v17;
	v45 =	vmul.f32 $2.000000000e+01, v40;
	v44 =	vtrunc.f32 v10  }
0x381: {  	v16 =	vmax.f32 v16, v1;
	v18 =	vadd.f32 v38, v18;
	v17 =	vcvt.f32.s32 v44  }
0x382: {  	v12 =	vld.idx.msk [tilespmem:v12+s13+$0x0], $0xffff;
	v16 =	vmin.f32 v16, v0;
	v47 =	vadd.f32 v45, v2;
	v46 =	vmul.f32 v42, v62  }
0x383: {  	v16 =	vtrunc.f32 v16;
	[tilespmem:s28+$0x12410] =	vst v18  }
0x384: {  	[tilespmem:s25+$0x12810] =	vst v13;
	v18 =	vmax.f32 v47, v1;
	v48 =	vld.idx.msk [tilespmem:v27+s11+$0x0], $0xffff;
	v49 =	vmul.f32 $2.000000000e+01, v19;
	v13 =	vadd.f32 v20, v46  }
0x385: {  	v16 =	vcvt.f32.s32 v16;
	v9 =	vmul.f32 v14, v9;
	v51 =	vmin.f32 v18, v0;
	v18 =	vld [tilespmem:s28+$0x6440]  }
0x386: {  	v50 =	vld.idx.msk [tilespmem:v27+s13+$0x0], $0xffff;
	v52 =	vadd.f32 v49, v2;
	[tilespmem:s30+$0x12410] =	vst v13  }
0x387: {  	v9 =	vadd.f32 v12, v9;
	v14 =	vtrunc.f32 v51;
	v54 =	vld.idx.msk [tilespmem:v17+s11+$0x0], $0xffff  }
0x388: {  	v58 =	vld [tilespmem:s30+$0x6440];
	v53 =	vmul.f32 $2.000000000e+01, v7;
	v55 =	vcvt.f32.s32 v14;
	v13 =	vmax.f32 v52, v1  }
0x389: {  	v57 =	vmul.f32 v48, v30;
	v56 =	vld.idx.msk [tilespmem:v17+s13+$0x0], $0xffff;
	v13 =	vmin.f32 v13, v0  }
0x38a: {  	[tilespmem:s26+$0x12430] =	vst v9;
	v63 =	vld [tilespmem:s26+$0x6460];
	v60 =	vadd.f32 v53, v2;
	v13 =	vtrunc.f32 v13  }
0x38b: {  	v61 =	vld.idx.msk [tilespmem:v16+s11+$0x0], $0xffff;
	v62 =	vmul.f32 $2.000000000e+01, v18;
	v17 =	vadd.f32 v50, v57;
	v13 =	vcvt.f32.s32 v13  }
0x38c: {  	v59 =	vld.idx.msk [tilespmem:v11+s13+$0x0], $0xffff;
	v25 =	vmul.f32 v54, v33  }
0x38d: {  	v34 =	vmul.f32 $2.000000000e+01, v58;
	v9 =	vmax.f32 v60, v1;
	v16 =	vld.idx.msk [tilespmem:v16+s13+$0x0], $0xffff;
	v32 =	vadd.f32 v62, v2;
	[tilespmem:s28+$0x12420] =	vst v17  }
0x38e: {  	v9 =	vmin.f32 v9, v0;
	v33 =	vld.idx.msk [tilespmem:v55+s11+$0x0], $0xffff;
	v14 =	vadd.f32 v56, v25  }
0x38f: {  	v35 =	vld [tilespmem:s28+$0x6450];
	v36 =	vadd.f32 v34, v2;
	v9 =	vtrunc.f32 v9;
	v17 =	vmax.f32 v32, v1  }
0x390: {  	v9 =	vcvt.f32.s32 v9;
	v8 =	vmul.f32 v61, v8;
	v12 =	vld.idx.msk [tilespmem:v55+s13+$0x0], $0xffff;
	v17 =	vmin.f32 v17, v0;
	[tilespmem:s30+$0x12420] =	vst v14  }
0x391: {  	v17 =	vtrunc.f32 v17;
	v37 =	vld.idx.msk [tilespmem:v13+s11+$0x0], $0xffff  }
0x392: {  	v39 =	vld [tilespmem:s30+$0x6450];
	v16 =	vadd.f32 v16, v8;
	v17 =	vcvt.f32.s32 v17;
	v14 =	vmax.f32 v36, v1  }
0x393: {  	v42 =	vmul.f32 $2.000000000e+01, v63;
	v15 =	vmul.f32 v33, v40;
	v13 =	vld.idx.msk [tilespmem:v13+s13+$0x0], $0xffff;
	v40 =	vmin.f32 v14, v0  }
0x394: {  	v43 =	vmul.f32 $2.000000000e+01, v35;
	v21 =	vld.idx.msk [tilespmem:v11+s11+$0x0], $0xffff;
	v28 =	vtrunc.f32 v40  }
0x395: {  	v23 =	vld [tilespmem:s26+$0x6470];
	[tilespmem:s26+$0x12440] =	vst v16;
	v25 =	vadd.f32 v42, v2;
	v12 =	vadd.f32 v12, v15;
	v44 =	vcvt.f32.s32 v28  }
0x396: {  	v45 =	vld.idx.msk [tilespmem:v9+s11+$0x0], $0xffff;
	v19 =	vmul.f32 v37, v19  }
0x397: {  	v31 =	vmul.f32 $2.000000000e+01, v5;
	v9 =	vld.idx.msk [tilespmem:v9+s13+$0x0], $0xffff;
	v46 =	vadd.f32 v43, v2;
	v47 =	vmax.f32 v25, v1;
	[tilespmem:s28+$0x12430] =	vst v12  }
0x398: {  	v49 =	vmul.f32 $2.000000000e+01, v39;
	v16 =	vmin.f32 v47, v0;
	v48 =	vld.idx.msk [tilespmem:v17+s11+$0x0], $0xffff;
	v13 =	vadd.f32 v13, v19  }
0x399: {  	v6 =	vmul.f32 v21, v6;
	v50 =	vld [tilespmem:s28+$0x6460];
	v16 =	vtrunc.f32 v16;
	v12 =	vmax.f32 v46, v1  }
0x39a: {  	v51 =	vadd.f32 v49, v2;
	v52 =	vcvt.f32.s32 v16;
	v17 =	vld.idx.msk [tilespmem:v17+s13+$0x0], $0xffff;
	v12 =	vmin.f32 v12, v0;
	[tilespmem:s30+$0x12430] =	vst v13  }
0x39b: {  	v54 =	vmul.f32 v45, v7;
	v12 =	vtrunc.f32 v12;
	v53 =	vld.idx.msk [tilespmem:v44+s11+$0x0], $0xffff  }
0x39c: {  	v6 =	vadd.f32 v59, v6;
	v55 =	vld [tilespmem:s30+$0x6460];
	v12 =	vcvt.f32.s32 v12;
	v13 =	vmax.f32 v51, v1  }
0x39d: {  	v7 =	vadd.f32 v9, v54;
	v29 =	vmul.f32 v48, v18;
	v15 =	vld.idx.msk [tilespmem:v44+s13+$0x0], $0xffff;
	v13 =	vmin.f32 v13, v0  }
0x39e: {  	v24 =	vld [tilespmem:s30+$0x6470];
	v26 =	vadd.f32 v31, v2;
	v30 =	vmul.f32 $2.000000000e+01, v23;
	[tilespmem:s25+$0x12820] =	vst v6;
	v31 =	vtrunc.f32 v13  }
0x39f: {  	v34 =	vld [tilespmem:s28+$0x6470];
	v32 =	vmul.f32 $2.000000000e+01, v50;
	[tilespmem:s26+$0x12450] =	vst v7;
	v6 =	vadd.f32 v17, v29;
	v9 =	vcvt.f32.s32 v31  }
0x3a0: {  	v33 =	vadd.f32 v30, v2;
	v56 =	vld.idx.msk [tilespmem:v52+s11+$0x0], $0xffff;
	v16 =	vmul.f32 v53, v58  }
0x3a1: {  	v57 =	vadd.f32 v32, v2;
	v11 =	vld.idx.msk [tilespmem:v52+s13+$0x0], $0xffff;
	[tilespmem:s28+$0x12440] =	vst v6  }
0x3a2: {  	v59 =	vmul.f32 $2.000000000e+01, v55;
	v7 =	vmax.f32 v33, v1;
	v58 =	vld.idx.msk [tilespmem:v12+s11+$0x0], $0xffff;
	v15 =	vadd.f32 v15, v16  }
0x3a3: {  	v7 =	vmin.f32 v7, v0;
	v13 =	vld [tilespmem:s26+$0x6800];
	v6 =	vmax.f32 v57, v1  }
0x3a4: {  	v61 =	vadd.f32 v59, v2;
	v7 =	vtrunc.f32 v7;
	v60 =	vld.idx.msk [tilespmem:v12+s13+$0x0], $0xffff;
	v6 =	vmin.f32 v6, v0;
	[tilespmem:s30+$0x12440] =	vst v15  }
0x3a5: {  	v38 =	vmax.f32 v26, v1;
	v7 =	vcvt.f32.s32 v7;
	v6 =	vtrunc.f32 v6;
	v15 =	vld.idx.msk [tilespmem:v9+s11+$0x0], $0xffff  }
0x3a6: {  	v20 =	vmul.f32 v56, v63;
	v12 =	vmax.f32 v61, v1;
	v6 =	vcvt.f32.s32 v6  }
0x3a7: {  	v41 =	vmin.f32 v38, v0;
	v12 =	vmin.f32 v12, v0;
	v22 =	vmul.f32 v58, v35;
	v9 =	vld.idx.msk [tilespmem:v9+s13+$0x0], $0xffff  }
0x3a8: {  	v38 =	vmul.f32 $2.000000000e+01, v24;
	v11 =	vadd.f32 v11, v20;
	v63 =	vtrunc.f32 v12  }
0x3a9: {  	v10 =	vld [tilespmem:s25+$0x6840];
	v30 =	vmul.f32 $2.000000000e+01, v34;
	v20 =	vcvt.f32.s32 v63;
	v16 =	vadd.f32 v60, v22  }
0x3aa: {  	v27 =	vld [tilespmem:s30+$0x6800];
	v62 =	vmul.f32 $2.000000000e+01, v13;
	[tilespmem:s26+$0x12460] =	vst v11;
	v15 =	vmul.f32 v15, v39  }
0x3ab: {  	v42 =	vadd.f32 v38, v2;
	v14 =	vtrunc.f32 v41;
	v36 =	vadd.f32 v30, v2;
	v35 =	vld.idx.msk [tilespmem:v7+s11+$0x0], $0xffff;
	[tilespmem:s28+$0x12450] =	vst v16  }
0x3ac: {  	v14 =	vcvt.f32.s32 v14;
	v31 =	vadd.f32 v62, v2;
	v37 =	vld.idx.msk [tilespmem:v6+s11+$0x0], $0xffff;
	v9 =	vadd.f32 v9, v15  }
0x3ad: {  	v45 =	vmax.f32 v42, v1;
	v7 =	vld.idx.msk [tilespmem:v7+s13+$0x0], $0xffff;
	v16 =	vmax.f32 v36, v1  }
0x3ae: {  	v11 =	vmax.f32 v31, v1;
	v40 =	vld.idx.msk [tilespmem:v6+s13+$0x0], $0xffff;
	v41 =	vmin.f32 v16, v0;
	[tilespmem:s30+$0x12450] =	vst v9  }
0x3af: {  	v11 =	vmin.f32 v11, v0;
	v39 =	vmul.f32 $2.000000000e+01, v10;
	v6 =	vtrunc.f32 v41;
	v43 =	vld.idx.msk [tilespmem:v20+s11+$0x0], $0xffff  }
0x3b0: {  	v32 =	vld [tilespmem:s28+$0x6800];
	v49 =	vmin.f32 v45, v0;
	v11 =	vtrunc.f32 v11;
	v44 =	vcvt.f32.s32 v6  }
0x3b1: {  	v11 =	vcvt.f32.s32 v11;
	v15 =	vadd.f32 v39, v2;
	v47 =	vmul.f32 v37, v50;
	v48 =	vld.idx.msk [tilespmem:v20+s13+$0x0], $0xffff  }
0x3b2: {  	v18 =	vld.idx.msk [tilespmem:v14+s11+$0x0], $0xffff;
	v23 =	vmul.f32 v35, v23;
	v20 =	vtrunc.f32 v49  }
0x3b3: {  	v12 =	vld [tilespmem:s26+$0x6810];
	v46 =	vmax.f32 v15, v1;
	v20 =	vcvt.f32.s32 v20;
	v15 =	vadd.f32 v40, v47  }
0x3b4: {  	v28 =	vld [tilespmem:s28+$0x6810];
	v7 =	vadd.f32 v7, v23;
	v51 =	vmul.f32 v43, v55  }
0x3b5: {  	v14 =	vld.idx.msk [tilespmem:v14+s13+$0x0], $0xffff;
	v29 =	vmul.f32 $2.000000000e+01, v32;
	[tilespmem:s28+$0x12460] =	vst v15  }
0x3b6: {  	v56 =	vmul.f32 $2.000000000e+01, v27;
	[tilespmem:s26+$0x12470] =	vst v7;
	v55 =	vld.idx.msk [tilespmem:v44+s11+$0x0], $0xffff;
	v7 =	vadd.f32 v48, v51  }
0x3b7: {  	v54 =	vadd.f32 v29, v2;
	v57 =	vmul.f32 v18, v5;
	v63 =	vld [tilespmem:s30+$0x6810]  }
0x3b8: {  	v60 =	vadd.f32 v56, v2;
	v50 =	vmul.f32 $2.000000000e+01, v12;
	v9 =	vmin.f32 v46, v0;
	v52 =	vld.idx.msk [tilespmem:v11+s11+$0x0], $0xffff;
	[tilespmem:s30+$0x12460] =	vst v7  }
0x3b9: {  	v37 =	vmul.f32 $2.000000000e+01, v28;
	v9 =	vtrunc.f32 v9;
	v15 =	vmax.f32 v54, v1;
	v62 =	vld.idx.msk [tilespmem:v20+s11+$0x0], $0xffff  }
0x3ba: {  	v26 =	vcvt.f32.s32 v9;
	v59 =	vld.idx.msk [tilespmem:v44+s13+$0x0], $0xffff;
	v15 =	vmin.f32 v15, v0;
	v7 =	vmax.f32 v60, v1  }
0x3bb: {  	v15 =	vtrunc.f32 v15;
	v9 =	vmul.f32 v55, v34;
	v33 =	vld.idx.msk [tilespmem:v20+s13+$0x0], $0xffff;
	v34 =	vmin.f32 v7, v0  }
0x3bc: {  	v53 =	vadd.f32 v50, v2;
	v15 =	vcvt.f32.s32 v15;
	v36 =	vtrunc.f32 v34  }
0x3bd: {  	v8 =	vld [tilespmem:s25+$0x6850];
	v35 =	vmul.f32 v52, v13;
	v13 =	vcvt.f32.s32 v36  }
0x3be: {  	v5 =	vadd.f32 v14, v57;
	v23 =	vld [tilespmem:s26+$0x6820];
	v58 =	vmax.f32 v53, v1;
	v18 =	vmul.f32 v62, v24  }
0x3bf: {  	v11 =	vld.idx.msk [tilespmem:v11+s13+$0x0], $0xffff;
	v38 =	vadd.f32 v37, v2;
	v61 =	vmin.f32 v58, v0;
	v9 =	vadd.f32 v59, v9  }
0x3c0: {  	v19 =	vld [tilespmem:s28+$0x6820];
	v40 =	vmul.f32 $2.000000000e+01, v63;
	v14 =	vtrunc.f32 v61;
	v17 =	vadd.f32 v33, v18  }
0x3c1: {  	v46 =	vld [tilespmem:s30+$0x6820];
	v14 =	vcvt.f32.s32 v14;
	[tilespmem:s28+$0x12470] =	vst v9  }
0x3c2: {  	v16 =	vadd.f32 v40, v2;
	v9 =	vmax.f32 v38, v1;
	v39 =	vld.idx.msk [tilespmem:v15+s11+$0x0], $0xffff;
	[tilespmem:s30+$0x12470] =	vst v17  }
0x3c3: {  	v41 =	vmul.f32 $2.000000000e+01, v23;
	v9 =	vmin.f32 v9, v0;
	v44 =	vld.idx.msk [tilespmem:v13+s11+$0x0], $0xffff  }
0x3c4: {  	v47 =	vmax.f32 v16, v1;
	v11 =	vadd.f32 v11, v35;
	v15 =	vld.idx.msk [tilespmem:v15+s13+$0x0], $0xffff;
	v9 =	vtrunc.f32 v9  }
0x3c5: {  	v45 =	vcvt.f32.s32 v9;
	v9 =	vmin.f32 v47, v0;
	v13 =	vld.idx.msk [tilespmem:v13+s13+$0x0], $0xffff  }
0x3c6: {  	v49 =	vld [tilespmem:s26+$0x6830];
	v43 =	vadd.f32 v41, v2;
	[tilespmem:s26+$0x12800] =	vst v11;
	v9 =	vtrunc.f32 v9  }
0x3c7: {  	v42 =	vld.idx.msk [tilespmem:v14+s11+$0x0], $0xffff;
	v50 =	vcvt.f32.s32 v9;
	v11 =	vmul.f32 v39, v32  }
0x3c8: {  	v30 =	vmul.f32 $2.000000000e+01, v19;
	v40 =	vld [tilespmem:s30+$0x6840];
	v48 =	vmax.f32 v43, v1;
	v18 =	vmul.f32 v44, v27  }
0x3c9: {  	v52 =	vmul.f32 $2.000000000e+01, v46;
	v16 =	vmin.f32 v48, v0;
	v14 =	vld.idx.msk [tilespmem:v14+s13+$0x0], $0xffff;
	v15 =	vadd.f32 v15, v11  }
0x3ca: {  	v51 =	vadd.f32 v30, v2;
	v30 =	vld [tilespmem:s28+$0x6830];
	v16 =	vtrunc.f32 v16;
	v13 =	vadd.f32 v13, v18  }
0x3cb: {  	v60 =	vld [tilespmem:s30+$0x6830];
	v16 =	vcvt.f32.s32 v16;
	[tilespmem:s28+$0x12800] =	vst v15  }
0x3cc: {  	v54 =	vadd.f32 v52, v2;
	v12 =	vmul.f32 v42, v12;
	v15 =	vld.idx.msk [tilespmem:v45+s11+$0x0], $0xffff;
	[tilespmem:s30+$0x12800] =	vst v13  }
0x3cd: {  	v53 =	vmul.f32 $2.000000000e+01, v49;
	v27 =	vmax.f32 v51, v1;
	v57 =	vld.idx.msk [tilespmem:v50+s11+$0x0], $0xffff  }
0x3ce: {  	v12 =	vadd.f32 v14, v12;
	v25 =	vld.idx.msk [tilespmem:v45+s13+$0x0], $0xffff;
	v56 =	vmin.f32 v27, v0;
	v13 =	vmax.f32 v54, v1  }
0x3cf: {  	[tilespmem:s25+$0x12830] =	vst v5;
	v18 =	vtrunc.f32 v56;
	v22 =	vld.idx.msk [tilespmem:v50+s13+$0x0], $0xffff;
	v13 =	vmin.f32 v13, v0  }
0x3d0: {  	v20 =	vld.idx.msk [tilespmem:v26+s11+$0x0], $0xffff;
	v55 =	vadd.f32 v53, v2;
	[tilespmem:s26+$0x12810] =	vst v12;
	v59 =	vcvt.f32.s32 v18;
	v13 =	vtrunc.f32 v13  }
0x3d1: {  	v61 =	vld.idx.msk [tilespmem:v16+s11+$0x0], $0xffff;
	v15 =	vmul.f32 v15, v28;
	v13 =	vcvt.f32.s32 v13  }
0x3d2: {  	v58 =	vmax.f32 v55, v1;
	v11 =	vld [tilespmem:s26+$0x6840];
	v21 =	vmul.f32 v57, v63  }
0x3d3: {  	v62 =	vmul.f32 $2.000000000e+01, v30;
	v12 =	vmin.f32 v58, v0;
	v16 =	vld.idx.msk [tilespmem:v16+s13+$0x0], $0xffff;
	v15 =	vadd.f32 v25, v15  }
0x3d4: {  	v31 =	vld [tilespmem:s28+$0x6840];
	v35 =	vmul.f32 $2.000000000e+01, v60;
	v12 =	vtrunc.f32 v12;
	v21 =	vadd.f32 v22, v21  }
0x3d5: {  	v26 =	vld.idx.msk [tilespmem:v26+s13+$0x0], $0xffff;
	v10 =	vmul.f32 v20, v10;
	v34 =	vadd.f32 v62, v2;
	v33 =	vcvt.f32.s32 v12;
	[tilespmem:s28+$0x12810] =	vst v15  }
0x3d6: {  	v37 =	vadd.f32 v35, v2;
	v23 =	vmul.f32 v61, v23;
	v36 =	vld.idx.msk [tilespmem:v59+s11+$0x0], $0xffff;
	[tilespmem:s30+$0x12810] =	vst v21  }
0x3d7: {  	v47 =	vmul.f32 $2.000000000e+01, v40;
	v41 =	vmul.f32 $2.000000000e+01, v11;
	v15 =	vmax.f32 v34, v1;
	v39 =	vld.idx.msk [tilespmem:v13+s11+$0x0], $0xffff  }
0x3d8: {  	v16 =	vadd.f32 v16, v23;
	v14 =	vld.idx.msk [tilespmem:v59+s13+$0x0], $0xffff;
	v15 =	vmin.f32 v15, v0;
	v21 =	vmax.f32 v37, v1  }
0x3d9: {  	v63 =	vmul.f32 $2.000000000e+01, v8;
	v15 =	vtrunc.f32 v15;
	v13 =	vld.idx.msk [tilespmem:v13+s13+$0x0], $0xffff;
	v21 =	vmin.f32 v21, v0  }
0x3da: {  	v7 =	vld [tilespmem:s26+$0x6860];
	[tilespmem:s26+$0x12820] =	vst v16;
	v15 =	vcvt.f32.s32 v15;
	v21 =	vtrunc.f32 v21  }
0x3db: {  	v16 =	vadd.f32 v41, v2;
	v42 =	vld.idx.msk [tilespmem:v33+s11+$0x0], $0xffff;
	v19 =	vmul.f32 v36, v19;
	v21 =	vcvt.f32.s32 v21  }
0x3dc: {  	v10 =	vadd.f32 v26, v10;
	v12 =	vld [tilespmem:s26+$0x6850];
	v44 =	vmul.f32 $2.000000000e+01, v31;
	v23 =	vmul.f32 v39, v46  }
0x3dd: {  	v53 =	vld [tilespmem:s30+$0x6850];
	v16 =	vmax.f32 v16, v1;
	v24 =	vadd.f32 v63, v2;
	v14 =	vadd.f32 v14, v19  }
0x3de: {  	v50 =	vadd.f32 v47, v2;
	v43 =	vld.idx.msk [tilespmem:v33+s13+$0x0], $0xffff;
	v16 =	vmin.f32 v16, v0;
	v13 =	vadd.f32 v13, v23  }
0x3df: {  	v45 =	vld [tilespmem:s28+$0x6850];
	v16 =	vtrunc.f32 v16;
	v38 =	vmax.f32 v24, v1;
	[tilespmem:s28+$0x12820] =	vst v14;
	v46 =	vadd.f32 v44, v2  }
0x3e0: {  	v16 =	vcvt.f32.s32 v16;
	v17 =	vmul.f32 v42, v49;
	v22 =	vmin.f32 v38, v0;
	v49 =	vld.idx.msk [tilespmem:v15+s11+$0x0], $0xffff;
	[tilespmem:s30+$0x12820] =	vst v13  }
0x3e1: {  	v54 =	vmul.f32 $2.000000000e+01, v12;
	v22 =	vtrunc.f32 v22;
	v14 =	vmax.f32 v46, v1;
	v52 =	vld.idx.msk [tilespmem:v21+s11+$0x0], $0xffff  }
0x3e2: {  	v22 =	vcvt.f32.s32 v22;
	v15 =	vld.idx.msk [tilespmem:v15+s13+$0x0], $0xffff;
	v14 =	vmin.f32 v14, v0;
	v13 =	vmax.f32 v50, v1  }
0x3e3: {  	v17 =	vadd.f32 v43, v17;
	v14 =	vtrunc.f32 v14;
	v21 =	vld.idx.msk [tilespmem:v21+s13+$0x0], $0xffff;
	v13 =	vmin.f32 v13, v0  }
0x3e4: {  	v62 =	vld [tilespmem:s30+$0x6860];
	[tilespmem:s25+$0x12840] =	vst v10;
	v14 =	vcvt.f32.s32 v14;
	v13 =	vtrunc.f32 v13  }
0x3e5: {  	v9 =	vld [tilespmem:s28+$0x6860];
	v10 =	vadd.f32 v54, v2;
	[tilespmem:s26+$0x12830] =	vst v17;
	v24 =	vmul.f32 v49, v30;
	v13 =	vcvt.f32.s32 v13  }
0x3e6: {  	v59 =	vmul.f32 $2.000000000e+01, v53;
	v57 =	vld.idx.msk [tilespmem:v16+s11+$0x0], $0xffff;
	v18 =	vmul.f32 v52, v60  }
0x3e7: {  	v56 =	vmul.f32 $2.000000000e+01, v45;
	v10 =	vmax.f32 v10, v1;
	v16 =	vld.idx.msk [tilespmem:v16+s13+$0x0], $0xffff;
	v15 =	vadd.f32 v15, v24  }
0x3e8: {  	v10 =	vmin.f32 v10, v0;
	v17 =	vadd.f32 v59, v2;
	v55 =	vld.idx.msk [tilespmem:v22+s11+$0x0], $0xffff;
	v18 =	vadd.f32 v21, v18  }
0x3e9: {  	v48 =	vmul.f32 $2.000000000e+01, v4;
	v58 =	vadd.f32 v56, v2;
	v10 =	vtrunc.f32 v10;
	v22 =	vld.idx.msk [tilespmem:v22+s13+$0x0], $0xffff;
	[tilespmem:s28+$0x12830] =	vst v15  }
0x3ea: {  	v33 =	vmul.f32 $2.000000000e+01, v9;
	v10 =	vcvt.f32.s32 v10;
	v17 =	vmax.f32 v17, v1;
	v61 =	vld.idx.msk [tilespmem:v14+s11+$0x0], $0xffff;
	[tilespmem:s30+$0x12830] =	vst v18  }
0x3eb: {  	v17 =	vmin.f32 v17, v0;
	v11 =	vmul.f32 v57, v11;
	v15 =	vmax.f32 v58, v1;
	v18 =	vld.idx.msk [tilespmem:v13+s11+$0x0], $0xffff  }
0x3ec: {  	v63 =	vmul.f32 $2.000000000e+01, v7;
	v28 =	vtrunc.f32 v17;
	v15 =	vmin.f32 v15, v0;
	v14 =	vld.idx.msk [tilespmem:v14+s13+$0x0], $0xffff  }
0x3ed: {  	v25 =	vadd.f32 v16, v11;
	v8 =	vmul.f32 v55, v8;
	v15 =	vtrunc.f32 v15;
	v13 =	vld.idx.msk [tilespmem:v13+s13+$0x0], $0xffff  }
0x3ee: {  	v51 =	vadd.f32 v48, v2;
	v16 =	vcvt.f32.s32 v28;
	v15 =	vcvt.f32.s32 v15  }
0x3ef: {  	v5 =	vld [tilespmem:s28+$0x6870];
	v30 =	vadd.f32 v63, v2;
	[tilespmem:s26+$0x12840] =	vst v25;
	v8 =	vadd.f32 v22, v8;
	v27 =	vmul.f32 v61, v31  }
0x3f0: {  	v34 =	vmul.f32 $2.000000000e+01, v62;
	v23 =	vmax.f32 v51, v1;
	v32 =	vld.idx.msk [tilespmem:v10+s11+$0x0], $0xffff;
	v31 =	vmul.f32 v18, v40  }
0x3f1: {  	v6 =	vld [tilespmem:s26+$0x6870];
	v23 =	vmin.f32 v23, v0;
	[tilespmem:s25+$0x12850] =	vst v8;
	v8 =	vmax.f32 v30, v1;
	v11 =	vadd.f32 v14, v27  }
0x3f2: {  	v23 =	vtrunc.f32 v23;
	v10 =	vld.idx.msk [tilespmem:v10+s13+$0x0], $0xffff;
	v8 =	vmin.f32 v8, v0;
	v13 =	vadd.f32 v13, v31  }
0x3f3: {  	v20 =	vadd.f32 v33, v2;
	v60 =	vcvt.f32.s32 v23;
	v8 =	vtrunc.f32 v8;
	[tilespmem:s28+$0x12840] =	vst v11;
	v40 =	vld [tilespmem:s30+$0x6870]  }
0x3f4: {  	v8 =	vcvt.f32.s32 v8;
	v11 =	vadd.f32 v34, v2;
	v36 =	vld.idx.msk [tilespmem:v15+s11+$0x0], $0xffff;
	[tilespmem:s30+$0x12840] =	vst v13  }
0x3f5: {  	v35 =	vmul.f32 $2.000000000e+01, v3;
	v38 =	vmax.f32 v20, v1;
	v12 =	vmul.f32 v32, v12;
	v39 =	vld.idx.msk [tilespmem:v16+s11+$0x0], $0xffff  }
0x3f6: {  	v41 =	vmul.f32 $2.000000000e+01, v6;
	v14 =	vmin.f32 v38, v0;
	v15 =	vld.idx.msk [tilespmem:v15+s13+$0x0], $0xffff;
	v11 =	vmax.f32 v11, v1  }
0x3f7: {  	v10 =	vadd.f32 v10, v12;
	v14 =	vtrunc.f32 v14;
	v11 =	vmin.f32 v11, v0;
	v16 =	vld.idx.msk [tilespmem:v16+s13+$0x0], $0xffff  }
0x3f8: {  	v43 =	vadd.f32 v41, v2;
	v14 =	vcvt.f32.s32 v14;
	v11 =	vtrunc.f32 v11  }
0x3f9: {  	v29 =	vld.idx.msk [tilespmem:v60+s11+$0x0], $0xffff;
	[tilespmem:s26+$0x12850] =	vst v10;
	v11 =	vcvt.f32.s32 v11;
	v42 =	vmul.f32 v36, v45  }
0x3fa: {  	v37 =	vadd.f32 v35, v2;
	v10 =	vmax.f32 v43, v1;
	v46 =	vld.idx.msk [tilespmem:v8+s11+$0x0], $0xffff;
	v19 =	vmul.f32 v39, v53  }
0x3fb: {  	v44 =	vmul.f32 $2.000000000e+01, v5;
	v10 =	vmin.f32 v10, v0;
	v12 =	vadd.f32 v15, v42  }
0x3fc: {  	v8 =	vld.idx.msk [tilespmem:v8+s13+$0x0], $0xffff;
	v13 =	vmax.f32 v37, v1;
	v47 =	vmul.f32 $2.000000000e+01, v40;
	v16 =	vadd.f32 v16, v19  }
0x3fd: {  	v48 =	vadd.f32 v44, v2;
	v21 =	vld.idx.msk [tilespmem:v60+s13+$0x0], $0xffff;
	v10 =	vtrunc.f32 v10;
	v13 =	vmin.f32 v13, v0;
	[tilespmem:s28+$0x12850] =	vst v12  }
0x3fe: {  	v10 =	vcvt.f32.s32 v10;
	v45 =	vmul.f32 v29, v4;
	v50 =	vadd.f32 v47, v2;
	v49 =	vld.idx.msk [tilespmem:v14+s11+$0x0], $0xffff;
	[tilespmem:s30+$0x12850] =	vst v16  }
0x3ff: {  	v13 =	vtrunc.f32 v13;
	v52 =	vmul.f32 v46, v7;
	v12 =	vmax.f32 v48, v1;
	v16 =	vld.idx.msk [tilespmem:v11+s11+$0x0], $0xffff  }
0x400: {  	v13 =	vcvt.f32.s32 v13;
	v51 =	vmax.f32 v50, v1;
	v14 =	vld.idx.msk [tilespmem:v14+s13+$0x0], $0xffff;
	v12 =	vmin.f32 v12, v0  }
0x401: {  	v2 =	vadd.f32 v8, v52;
	v54 =	vmin.f32 v51, v0;
	v53 =	vtrunc.f32 v12;
	v11 =	vld.idx.msk [tilespmem:v11+s13+$0x0], $0xffff  }
0x402: {  	v0 =	vtrunc.f32 v54;
	v55 =	vcvt.f32.s32 v53  }
0x403: {  	v4 =	vadd.f32 v21, v45;
	[tilespmem:s26+$0x12860] =	vst v2;
	v0 =	vcvt.f32.s32 v0;
	v56 =	vmul.f32 v49, v9  }
0x404: {  	v61 =	vld.idx.msk [tilespmem:v10+s11+$0x0], $0xffff;
	v58 =	vmul.f32 v16, v62  }
0x405: {  	[tilespmem:s25+$0x12860] =	vst v4;
	v10 =	vld.idx.msk [tilespmem:v10+s13+$0x0], $0xffff;
	v60 =	vadd.f32 v14, v56  }
0x406: {  	v57 =	vld.idx.msk [tilespmem:v13+s11+$0x0], $0xffff;
	v8 =	vadd.f32 v11, v58  }
0x407: {  	v59 =	vld.idx.msk [tilespmem:v13+s13+$0x0], $0xffff;
	[tilespmem:s28+$0x12860] =	vst v60  }
0x408: {  	v2 =	vld.idx.msk [tilespmem:v55+s11+$0x0], $0xffff;
	[tilespmem:s30+$0x12860] =	vst v8  }
0x409: {  	v8 =	vld.idx.msk [tilespmem:v0+s11+$0x0], $0xffff  }
0x40a: {  	v1 =	vld.idx.msk [tilespmem:v55+s13+$0x0], $0xffff  }
0x40b: {  	v4 =	vmul.f32 v61, v6;
	v0 =	vld.idx.msk [tilespmem:v0+s13+$0x0], $0xffff  }
0x40c: {  	v62 =	vmul.f32 v57, v3  }
0x40d: {  	v4 =	vadd.f32 v10, v4;
	v2 =	vmul.f32 v2, v5  }
0x40e: {  	s31 =	smul.u32 $0x6000, s29;
	v3 =	vadd.f32 v59, v62;
	v63 =	vmul.f32 v8, v40  }
.Ltmp4:
0x40f: {  	[tilespmem:s26+$0x12870] =	vst v4;
	v1 =	vadd.f32 v1, v2;
	(pc) =	sbr.rel @p1 .LBB2_8-.Ltmp4, $4  }
0x410: {  	s0 =	sadd.s32 s31, s24;
	[tilespmem:s25+$0x12870] =	vst v3;
	v0 =	vadd.f32 v0, v63  }
0x411: {  	s0 =	sshrl.u32 s0, $0x3;
	[tilespmem:s28+$0x12870] =	vst v1  }
0x412: {  	s0 =	sadd.s32 s4, s0;
	[tilespmem:s30+$0x12870] =	vst v0  }
0x413: {  	[hbm4b:s0+s5] =	stream.linear.scatter [tilespmem:s18], [sflag:$0x4], $0x6000, $0x38;
	[tilespmem:$0x18200] =	vst v63  }
0x414: {  	s0 =	sadd.s32 $0x3, s23  }
0x415: {  	s2 =	smulhi.u32 $0x2AAAAAAB, s0;
	_ =	sdelay $0x1  }
0x416: {  	s31 =	smul.u32 $0x6, s2  }
0x417: {  	s2 =	sadd.s32 s3, s2  }
0x418: {  	s2 =	smul.u32 $0x24000, s2;
	s0 =	ssub.s32 s0, s31  }
0x419: {  	s0 =	smul.u32 $0x6000, s0  }
.Ltmp5:
0x41a: {  	_ = 	snop;
	(pc) =	sbr.rel .LBB2_2-.Ltmp5, $4  }
0x41b: {  	s0 =	sadd.s32 s0, s2  }
0x41c: {  	s0 =	sshrl.u32 s0, $0x3  }
0x41d: {  	s22 =	sadd.s32 $0x1, s22;
	s0 =	sadd.s32 s1, s0  }
0x41e: {  	[tilespmem:s14], [sflag:$0x2] =	stream.linear.gather [hbm4b:s0+s5], $0x6000, $0x38;
	[tilespmem:$0x18200] =	vst v63  }
.LBB2_9:
0x41f: {  	_ =	sfence.sel $0x180000  }
0x420: {  	[bflag:$0x0] =	sbarrier.arrive $0xFFFF  }
0x421: {  	_ =	strace $0x90000047  }
0x422: {  	s0 =	stileid.u32;
	[bflag:$0x2] =	sbarrier.arrive $0xFFFF  }
0x423: {  	p0 =	sne.s32 s0, $0x0;
	s0 =	rddreg [dreg:$0x4]  }
0x424: {  	s0 =	sadd.s32 @!p0 $0x100000, s0  }
0x425: {  	[sflag:s0] =	ssyncadd.tile.s32 @!p0 $0x1;
	_ =	shalt  }
.Lfunc_end2:
_tile_overlayer_lowered:
.L_overlay_start_2:
0x426: {  	(tag) =	ssettag $0x2  }
0x427: {  	s0 =	rddreg [dreg:$0x0];
	s2 =	stileid.u32  }
0x428: {  	s1 =	rddreg [dreg:$0x1];
	p0 =	sne.s32 s2, $0x0  }
0x429: {  	s3 =	rddreg [dreg:$0x2];
	[bflag:$0x3] =	sbarrier.arrive $0xFFFF;
	s2 =	simm.s32 @!p0 $0x1C05  }
0x42a: {  	[timem:s3], [sflag:s2] =	dma.local @!p0 [hbm:s0], s1  }
0x42b: {  	s0 =	simm.s32 @!p0 $0x5  }
0x42c: {  	_ =	swait.ge @!p0 [sflag:s0], s1  }
0x42d: {  	s1 =	ssub.s32 @!p0 $0x0, s1;
	[sflag:s0] =	ssyncset.done @!p0 $0x0  }
0x42e: {  	[sflag:s0] =	ssyncadd.s32 @!p0 s1  }
0x42f: {  	[bflag:$0x3] =	sbarrier.arrive $0xFFFF  }
0x430: {  	_ =	shalt  }

</sc_bundles>
